<compile_context>
chip_gen: v7x
topology: tpu7x:2x2x1
jax: 0.10.2.dev20260603
libtpu: 0.0.44.dev20260713+nightly
codegen_flags: <defaults>
</compile_context>

<pallas_src>
import functools

import numpy as np
import jax
import jax.numpy as jnp
from jax import lax
from jax.experimental import pallas as pl
from jax.experimental.pallas import tpu as pltpu
from jax.experimental.pallas import tpu_sc as plsc

_VOCAB = 1_000_000
_B = 4096
_S = 200
_LR = 0.01
_DECAY = 0.99
_W_MIN = 0.0
_W_MAX = 1.0
_TAU = 5.0

_NC = 2
_NS = 16
_NW = _NC * _NS
_TOTAL = _B * _S
_PER_W = _TOTAL // _NW
_ROWS_W = _B // _NW
_NG = _ROWS_W // 16
_CHUNK = 128
_NCHUNK = _PER_W // _CHUNK
_VPAD = 1 << 20
_SLICE = _VPAD // _NS
_ZBUF = 8192
_NZ = _SLICE // _ZBUF

_TRACE_D = float(np.exp(np.float32(-1.0 / np.float32(_TAU))))


_mesh = plsc.VectorSubcoreMesh(core_axis_name="c", subcore_axis_name="s")


@functools.partial(
    pl.kernel,
    out_type=(jax.ShapeDtypeStruct((_VPAD,), jnp.float32),
              jax.ShapeDtypeStruct((_VPAD,), jnp.float32)),
    mesh=_mesh,
    scratch_types=[
        pltpu.VMEM((_NCHUNK, _CHUNK), jnp.int32),
        pltpu.VMEM((_NCHUNK, _CHUNK), jnp.float32),
        pltpu.VMEM((_ZBUF,), jnp.float32),
        pltpu.VMEM_SHARED((_VPAD,), jnp.float32),
        pltpu.SemaphoreType.DMA,
        pltpu.SemaphoreType.DMA,
        pltpu.SemaphoreType.DMA,
        pltpu.SemaphoreType.DMA,
    ],
    compiler_params=pltpu.CompilerParams(needs_layout_passes=False),
)
def _scatter_kernel(ids_hbm, spk_hbm, out0_hbm, out1_hbm, idx_v, spk_v, zbuf,
                    accum, sem_i, sem_s, sem_z, sem_u):
    c = lax.axis_index("c")
    s = lax.axis_index("s")
    wid = c * _NS + s
    cp_i = pltpu.async_copy(ids_hbm.at[wid], idx_v, sem_i)
    cp_s = pltpu.async_copy(spk_hbm.at[wid], spk_v, sem_s)

    zero = jnp.zeros((16,), jnp.float32)

    def zfill(i, carry):
        zbuf[pl.ds(i * 16, 16)] = zero
        return carry

    lax.fori_loop(0, _ZBUF // 16, zfill, 0)

    zcopies = [
        pltpu.async_copy(zbuf, accum.at[pl.ds(s * _SLICE + i * _ZBUF, _ZBUF)],
                         sem_z)
        for i in range(_NZ)
    ]

    cp_s.wait()

    lanes = lax.iota(jnp.int32, 16) * _S
    _GCH = _NCHUNK // _NG

    def _wait_chunks(lo, hi):
        def w(j, carry):
            pltpu.make_async_copy(spk_v.at[j], accum.at[idx_v.at[j]],
                                  sem_u).wait()
            return carry
        lax.fori_loop(lo, hi, w, 0)

    for g in range(_NG):
        def tstep(i, tr, g=g):
            t0 = i * 4
            for dt in range(4):
                a = lanes + (g * 16 * _S + t0 + dt)
                row = lax.shift_right_logical(a, 7)
                col = lax.bitwise_and(a, 127)
                sv = plsc.load_gather(spk_v, [row, col])
                tr = tr * _TRACE_D + sv
                plsc.store_scatter(spk_v, [row, col], (_LR * tr) * sv)
            return tr

        lax.fori_loop(0, _S // 4, tstep, jnp.zeros((16,), jnp.float32))

        if g == 0:
            for cp in zcopies:
                cp.wait()
            plsc.subcore_barrier()
            cp_i.wait()
        else:
            _wait_chunks((g - 1) * _GCH, g * _GCH)

        def issue(j, carry):
            pltpu.async_copy(spk_v.at[j], accum.at[idx_v.at[j]], sem_u,
                             add=True)
            return carry

        lax.fori_loop(g * _GCH, (g + 1) * _GCH, issue, 0)

    _wait_chunks((_NG - 1) * _GCH, _NG * _GCH)
    plsc.subcore_barrier()

    @pl.when(c == 0)
    def _to0():
        pltpu.sync_copy(accum.at[pl.ds(s * _SLICE, _SLICE)],
                        out0_hbm.at[pl.ds(s * _SLICE, _SLICE)])

    @pl.when(c == 1)
    def _to1():
        pltpu.sync_copy(accum.at[pl.ds(s * _SLICE, _SLICE)],
                        out1_hbm.at[pl.ds(s * _SLICE, _SLICE)])



_C_BLK = 65536
_C_GRID = _VPAD // _C_BLK


def _combine_body(p0_ref, p1_ref, w_ref, o_ref):
    acc = w_ref[...] + p0_ref[...] + p1_ref[...]
    o_ref[...] = jnp.clip(acc * _DECAY, _W_MIN, _W_MAX)


_combine_call = pl.pallas_call(
    _combine_body,
    grid=(_C_GRID,),
    in_specs=[
        pl.BlockSpec((_C_BLK,), lambda i: (i,)),
        pl.BlockSpec((_C_BLK,), lambda i: (i,)),
        pl.BlockSpec((_C_BLK,), lambda i: (i,)),
    ],
    out_specs=pl.BlockSpec((_C_BLK,), lambda i: (i,)),
    out_shape=jax.ShapeDtypeStruct((_VOCAB,), jnp.float32),
)



def kernel(token_ids, spikes, token_weights):
    ids3 = token_ids.reshape(_NW, _NCHUNK, _CHUNK)
    spk3 = spikes.reshape(_NW, _NCHUNK, _CHUNK)
    p0, p1 = _scatter_kernel(ids3, spk3)
    return _combine_call(p0, p1, token_weights)

# --- scband reference (transcript-rebuilt; emitter-appended) ---
"""Pipeline reference for scband-stdplearner-90314572300877 (READ-ONLY COPY).

The authoritative reference and input builder live on the scoring server;
editing this copy changes nothing except your own understanding.
"""

import jax, jax.numpy as jnp
import numpy as np

VOCAB = 1000000
B = 4096
S = 200
LR_PLUS = 0.01
DECAY = 0.99
W_MIN = 0.0
W_MAX = 1.0
TAU = 5.0


def setup_inputs(seed: int = 0) -> dict:
    key = jax.random.key(seed)
    k1, k2 = jax.random.split(key)
    token_ids = jax.random.randint(k1, (B, S), 0, VOCAB, dtype=jnp.int32)
    spikes = jax.random.uniform(k2, (B, S), dtype=jnp.float32)
    token_weights = jnp.ones((VOCAB,), dtype=jnp.float32) * 0.5
    return {"token_ids": token_ids, "spikes": spikes, "token_weights": token_weights}


def reference(token_ids, spikes, token_weights):
    trace_decay = jnp.exp(jnp.asarray(-1.0 / TAU, dtype=spikes.dtype))

    def step(carry, s_t):
        new_trace = carry * trace_decay + s_t
        return new_trace, new_trace

    init = jnp.zeros((spikes.shape[0],), dtype=spikes.dtype)
    _, traces_t = jax.lax.scan(step, init, jnp.transpose(spikes))
    traces = jnp.transpose(traces_t)

    updates = LR_PLUS * traces * spikes
    flat_tokens = token_ids.reshape(-1)
    flat_updates = updates.reshape(-1)
    grad_accum = jnp.zeros_like(token_weights).at[flat_tokens].add(flat_updates)

    w = token_weights + grad_accum
    w = w * DECAY
    w = jnp.clip(w, W_MIN, W_MAX)
    return w

if __name__ == "__main__":
    import jax
    _d = setup_inputs()
    print(jax.jit(kernel)(*tuple(_d.values())))

</pallas_src>

<mosaic_0001>
#map = affine_map<(d0, d1) -> (0, 0, 0)>
#map1 = affine_map<(d0, d1) -> (0)>
module attributes {stable_mosaic.version = 14 : i64} {
  func.func @_scatter_kernel(%arg0: i32, %arg1: i32, %arg2: memref<32x200x128xi32, #tpu.memory_space<hbm>>, %arg3: memref<32x200x128xf32, #tpu.memory_space<hbm>>, %arg4: memref<1048576xf32, #tpu.memory_space<hbm>>, %arg5: memref<1048576xf32, #tpu.memory_space<hbm>>, %arg6: memref<200x128xi32, #tpu.memory_space<vmem>>, %arg7: memref<200x128xf32, #tpu.memory_space<vmem>>, %arg8: memref<8192xf32, #tpu.memory_space<vmem>>, %arg9: memref<1048576xf32, #tpu.memory_space<vmem_shared>>, %arg10: memref<!tpu.dma_semaphore, #tpu.memory_space<semaphore_mem>>, %arg11: memref<!tpu.dma_semaphore, #tpu.memory_space<semaphore_mem>>, %arg12: memref<!tpu.dma_semaphore, #tpu.memory_space<semaphore_mem>>, %arg13: memref<!tpu.dma_semaphore, #tpu.memory_space<semaphore_mem>>) attributes {dimension_semantics = [#tpu.dimension_semantics<core_parallel>, #tpu.dimension_semantics<subcore_parallel>], iteration_bounds = array<i64: 2, 16>, scalar_prefetch = 0 : i64, scratch_operands = 8 : i64, tpu.core_type = #tpu.core_type<sc_vector_subcore>, window_params = [{transform_indices = #map}, {transform_indices = #map}, {transform_indices = #map1}, {transform_indices = #map1}]} {
    %mul3A = arith.constant 16 : i32
    %mul3A_0 = arith.muli %arg0, %mul3A : i32
    %add3A = arith.addi %mul3A_0, %arg1 : i32
    %dma_start3A = arith.constant 0 : i32
    %dma_start3A_1 = arith.constant 0 : i32
    %dma_start3A_2 = tpu.memref_slice %arg2[%add3A, %dma_start3A, %dma_start3A_1] : memref<32x200x128xi32, #tpu.memory_space<hbm>> -> memref<1x200x128xi32, #tpu.memory_space<hbm>>
    %dma_start3A_3 = tpu.memref_squeeze %dma_start3A_2 : memref<1x200x128xi32, #tpu.memory_space<hbm>> -> memref<200x128xi32, #tpu.memory_space<hbm>>
    %dma_start3A_4 = arith.constant 0 : i32
    %dma_start3A_5 = arith.constant 0 : i32
    %dma_start3A_6 = tpu.memref_slice %arg2[%add3A, %dma_start3A_4, %dma_start3A_5] : memref<32x200x128xi32, #tpu.memory_space<hbm>> -> memref<1x200x128xi32, #tpu.memory_space<hbm>>
    %dma_start3A_7 = tpu.memref_squeeze %dma_start3A_6 : memref<1x200x128xi32, #tpu.memory_space<hbm>> -> memref<200x128xi32, #tpu.memory_space<hbm>>
    tpu.enqueue_dma source(%dma_start3A_7 : memref<200x128xi32, #tpu.memory_space<hbm>>) target(%arg6 : memref<200x128xi32, #tpu.memory_space<vmem>>) target_semaphore(%arg10 : memref<!tpu.dma_semaphore, #tpu.memory_space<semaphore_mem>>)
    %dma_start3A_8 = arith.constant 0 : i32
    %dma_start3A_9 = arith.constant 0 : i32
    %dma_start3A_10 = tpu.memref_slice %arg3[%add3A, %dma_start3A_8, %dma_start3A_9] : memref<32x200x128xf32, #tpu.memory_space<hbm>> -> memref<1x200x128xf32, #tpu.memory_space<hbm>>
    %dma_start3A_11 = tpu.memref_squeeze %dma_start3A_10 : memref<1x200x128xf32, #tpu.memory_space<hbm>> -> memref<200x128xf32, #tpu.memory_space<hbm>>
    %dma_start3A_12 = arith.constant 0 : i32
    %dma_start3A_13 = arith.constant 0 : i32
    %dma_start3A_14 = tpu.memref_slice %arg3[%add3A, %dma_start3A_12, %dma_start3A_13] : memref<32x200x128xf32, #tpu.memory_space<hbm>> -> memref<1x200x128xf32, #tpu.memory_space<hbm>>
    %dma_start3A_15 = tpu.memref_squeeze %dma_start3A_14 : memref<1x200x128xf32, #tpu.memory_space<hbm>> -> memref<200x128xf32, #tpu.memory_space<hbm>>
    tpu.enqueue_dma source(%dma_start3A_15 : memref<200x128xf32, #tpu.memory_space<hbm>>) target(%arg7 : memref<200x128xf32, #tpu.memory_space<vmem>>) target_semaphore(%arg11 : memref<!tpu.dma_semaphore, #tpu.memory_space<semaphore_mem>>)
    %broadcast_in_dim3A = arith.constant 0.000000e+00 : f32
    %broadcast_in_dim3A_16 = vector.broadcast %broadcast_in_dim3A : f32 to vector<16xf32>
    %scan3A = arith.constant 0 : i32
    %scan3A_17 = arith.constant 0 : i32
    %scan3A_18 = arith.constant 512 : i32
    %scan3A_19 = arith.addi %scan3A_17, %scan3A_18 : i32
    %scan3A_20 = arith.constant 1 : i32
    scf.for %scan3A_272 = %scan3A_17 to %scan3A_19 step %scan3A_20  : i32 {
      %mul3A_273 = arith.constant 16 : i32
      %mul3A_274 = arith.muli %scan3A_272, %mul3A_273 : i32
      %swap3A = arith.index_cast %mul3A_274 : i32 to index
      %swap3A_275 = tpu.vector_load %arg8[%swap3A] {strides = array<i32>} : memref<8192xf32, #tpu.memory_space<vmem>>, vector<16xf32>,
      tpu.vector_store %arg8[%swap3A], %broadcast_in_dim3A_16 {strides = array<i32>} : memref<8192xf32, #tpu.memory_space<vmem>>, vector<16xf32>,
    }
    %scan3A_21 = arith.constant 512 : i32
    %mul3A_22 = arith.constant 65536 : i32
    %mul3A_23 = arith.muli %arg1, %mul3A_22 : i32
    %add3A_24 = arith.constant 0 : i32
    %add3A_25 = arith.addi %mul3A_23, %add3A_24 : i32
    %dma_start3A_26 = tpu.memref_slice %arg9[%add3A_25] : memref<1048576xf32, #tpu.memory_space<vmem_shared>> -> memref<8192xf32, #tpu.memory_space<vmem_shared>>
    %dma_start3A_27 = tpu.memref_slice %arg9[%add3A_25] : memref<1048576xf32, #tpu.memory_space<vmem_shared>> -> memref<8192xf32, #tpu.memory_space<vmem_shared>>
    tpu.enqueue_dma source(%arg8 : memref<8192xf32, #tpu.memory_space<vmem>>) target(%dma_start3A_27 : memref<8192xf32, #tpu.memory_space<vmem_shared>>) target_semaphore(%arg12 : memref<!tpu.dma_semaphore, #tpu.memory_space<semaphore_mem>>)
    %mul3A_28 = arith.constant 65536 : i32
    %mul3A_29 = arith.muli %arg1, %mul3A_28 : i32
    %add3A_30 = arith.constant 8192 : i32
    %add3A_31 = arith.addi %mul3A_29, %add3A_30 : i32
    %dma_start3A_32 = tpu.memref_slice %arg9[%add3A_31] : memref<1048576xf32, #tpu.memory_space<vmem_shared>> -> memref<8192xf32, #tpu.memory_space<vmem_shared>>
    %dma_start3A_33 = tpu.memref_slice %arg9[%add3A_31] : memref<1048576xf32, #tpu.memory_space<vmem_shared>> -> memref<8192xf32, #tpu.memory_space<vmem_shared>>
    tpu.enqueue_dma source(%arg8 : memref<8192xf32, #tpu.memory_space<vmem>>) target(%dma_start3A_33 : memref<8192xf32, #tpu.memory_space<vmem_shared>>) target_semaphore(%arg12 : memref<!tpu.dma_semaphore, #tpu.memory_space<semaphore_mem>>)
    %mul3A_34 = arith.constant 65536 : i32
    %mul3A_35 = arith.muli %arg1, %mul3A_34 : i32
    %add3A_36 = arith.constant 16384 : i32
    %add3A_37 = arith.addi %mul3A_35, %add3A_36 : i32
    %dma_start3A_38 = tpu.memref_slice %arg9[%add3A_37] : memref<1048576xf32, #tpu.memory_space<vmem_shared>> -> memref<8192xf32, #tpu.memory_space<vmem_shared>>
    %dma_start3A_39 = tpu.memref_slice %arg9[%add3A_37] : memref<1048576xf32, #tpu.memory_space<vmem_shared>> -> memref<8192xf32, #tpu.memory_space<vmem_shared>>
    tpu.enqueue_dma source(%arg8 : memref<8192xf32, #tpu.memory_space<vmem>>) target(%dma_start3A_39 : memref<8192xf32, #tpu.memory_space<vmem_shared>>) target_semaphore(%arg12 : memref<!tpu.dma_semaphore, #tpu.memory_space<semaphore_mem>>)
    %mul3A_40 = arith.constant 65536 : i32
    %mul3A_41 = arith.muli %arg1, %mul3A_40 : i32
    %add3A_42 = arith.constant 24576 : i32
    %add3A_43 = arith.addi %mul3A_41, %add3A_42 : i32
    %dma_start3A_44 = tpu.memref_slice %arg9[%add3A_43] : memref<1048576xf32, #tpu.memory_space<vmem_shared>> -> memref<8192xf32, #tpu.memory_space<vmem_shared>>
    %dma_start3A_45 = tpu.memref_slice %arg9[%add3A_43] : memref<1048576xf32, #tpu.memory_space<vmem_shared>> -> memref<8192xf32, #tpu.memory_space<vmem_shared>>
    tpu.enqueue_dma source(%arg8 : memref<8192xf32, #tpu.memory_space<vmem>>) target(%dma_start3A_45 : memref<8192xf32, #tpu.memory_space<vmem_shared>>) target_semaphore(%arg12 : memref<!tpu.dma_semaphore, #tpu.memory_space<semaphore_mem>>)
    %mul3A_46 = arith.constant 65536 : i32
    %mul3A_47 = arith.muli %arg1, %mul3A_46 : i32
    %add3A_48 = arith.constant 32768 : i32
    %add3A_49 = arith.addi %mul3A_47, %add3A_48 : i32
    %dma_start3A_50 = tpu.memref_slice %arg9[%add3A_49] : memref<1048576xf32, #tpu.memory_space<vmem_shared>> -> memref<8192xf32, #tpu.memory_space<vmem_shared>>
    %dma_start3A_51 = tpu.memref_slice %arg9[%add3A_49] : memref<1048576xf32, #tpu.memory_space<vmem_shared>> -> memref<8192xf32, #tpu.memory_space<vmem_shared>>
    tpu.enqueue_dma source(%arg8 : memref<8192xf32, #tpu.memory_space<vmem>>) target(%dma_start3A_51 : memref<8192xf32, #tpu.memory_space<vmem_shared>>) target_semaphore(%arg12 : memref<!tpu.dma_semaphore, #tpu.memory_space<semaphore_mem>>)
    %mul3A_52 = arith.constant 65536 : i32
    %mul3A_53 = arith.muli %arg1, %mul3A_52 : i32
    %add3A_54 = arith.constant 40960 : i32
    %add3A_55 = arith.addi %mul3A_53, %add3A_54 : i32
    %dma_start3A_56 = tpu.memref_slice %arg9[%add3A_55] : memref<1048576xf32, #tpu.memory_space<vmem_shared>> -> memref<8192xf32, #tpu.memory_space<vmem_shared>>
    %dma_start3A_57 = tpu.memref_slice %arg9[%add3A_55] : memref<1048576xf32, #tpu.memory_space<vmem_shared>> -> memref<8192xf32, #tpu.memory_space<vmem_shared>>
    tpu.enqueue_dma source(%arg8 : memref<8192xf32, #tpu.memory_space<vmem>>) target(%dma_start3A_57 : memref<8192xf32, #tpu.memory_space<vmem_shared>>) target_semaphore(%arg12 : memref<!tpu.dma_semaphore, #tpu.memory_space<semaphore_mem>>)
    %mul3A_58 = arith.constant 65536 : i32
    %mul3A_59 = arith.muli %arg1, %mul3A_58 : i32
    %add3A_60 = arith.constant 49152 : i32
    %add3A_61 = arith.addi %mul3A_59, %add3A_60 : i32
    %dma_start3A_62 = tpu.memref_slice %arg9[%add3A_61] : memref<1048576xf32, #tpu.memory_space<vmem_shared>> -> memref<8192xf32, #tpu.memory_space<vmem_shared>>
    %dma_start3A_63 = tpu.memref_slice %arg9[%add3A_61] : memref<1048576xf32, #tpu.memory_space<vmem_shared>> -> memref<8192xf32, #tpu.memory_space<vmem_shared>>
    tpu.enqueue_dma source(%arg8 : memref<8192xf32, #tpu.memory_space<vmem>>) target(%dma_start3A_63 : memref<8192xf32, #tpu.memory_space<vmem_shared>>) target_semaphore(%arg12 : memref<!tpu.dma_semaphore, #tpu.memory_space<semaphore_mem>>)
    %mul3A_64 = arith.constant 65536 : i32
    %mul3A_65 = arith.muli %arg1, %mul3A_64 : i32
    %add3A_66 = arith.constant 57344 : i32
    %add3A_67 = arith.addi %mul3A_65, %add3A_66 : i32
    %dma_start3A_68 = tpu.memref_slice %arg9[%add3A_67] : memref<1048576xf32, #tpu.memory_space<vmem_shared>> -> memref<8192xf32, #tpu.memory_space<vmem_shared>>
    %dma_start3A_69 = tpu.memref_slice %arg9[%add3A_67] : memref<1048576xf32, #tpu.memory_space<vmem_shared>> -> memref<8192xf32, #tpu.memory_space<vmem_shared>>
    tpu.enqueue_dma source(%arg8 : memref<8192xf32, #tpu.memory_space<vmem>>) target(%dma_start3A_69 : memref<8192xf32, #tpu.memory_space<vmem_shared>>) target_semaphore(%arg12 : memref<!tpu.dma_semaphore, #tpu.memory_space<semaphore_mem>>)
    %dma_wait3A = arith.constant 0 : i32
    %dma_wait3A_70 = arith.constant 0 : i32
    %dma_wait3A_71 = tpu.memref_slice %arg3[%add3A, %dma_wait3A, %dma_wait3A_70] : memref<32x200x128xf32, #tpu.memory_space<hbm>> -> memref<1x200x128xf32, #tpu.memory_space<hbm>>
    %dma_wait3A_72 = tpu.memref_squeeze %dma_wait3A_71 : memref<1x200x128xf32, #tpu.memory_space<hbm>> -> memref<200x128xf32, #tpu.memory_space<hbm>>
    %dma_wait3A_73 = arith.constant 0 : i32
    %dma_wait3A_74 = arith.constant 0 : i32
    %dma_wait3A_75 = tpu.memref_slice %arg3[%add3A, %dma_wait3A_73, %dma_wait3A_74] : memref<32x200x128xf32, #tpu.memory_space<hbm>> -> memref<1x200x128xf32, #tpu.memory_space<hbm>>
    %dma_wait3A_76 = tpu.memref_squeeze %dma_wait3A_75 : memref<1x200x128xf32, #tpu.memory_space<hbm>> -> memref<200x128xf32, #tpu.memory_space<hbm>>
    tpu.wait_dma2 semaphore(%arg11 : memref<!tpu.dma_semaphore, #tpu.memory_space<semaphore_mem>>) src(%dma_wait3A_76 : memref<200x128xf32, #tpu.memory_space<hbm>>) dst(%arg7 : memref<200x128xf32, #tpu.memory_space<vmem>>)
    %iota3A = tpu.iota {dimensions = array<i32: 0>} : vector<16xi32>
    %mul3A_77 = arith.constant 200 : i32
    %mul3A_78 = vector.broadcast %mul3A_77 : i32 to vector<16xi32>
    %mul3A_79 = arith.muli %iota3A, %mul3A_78 : vector<16xi32>
    %broadcast_in_dim3A_80 = arith.constant 0.000000e+00 : f32
    %broadcast_in_dim3A_81 = vector.broadcast %broadcast_in_dim3A_80 : f32 to vector<16xf32>
    %scan3A_82 = arith.constant 0 : i32
    %scan3A_83 = arith.constant 50 : i32
    %scan3A_84 = arith.addi %scan3A_82, %scan3A_83 : i32
    %scan3A_85 = arith.constant 1 : i32
    %scan3A_86 = scf.for %scan3A_272 = %scan3A_82 to %scan3A_84 step %scan3A_85 iter_args(%scan3A_273 = %broadcast_in_dim3A_81) -> (vector<16xf32>)  : i32 {
      %mul3A_274 = arith.constant 4 : i32
      %mul3A_275 = arith.muli %scan3A_272, %mul3A_274 : i32
      %add3A_276 = arith.constant 0 : i32
      %add3A_277 = arith.addi %add3A_276, %mul3A_275 : i32
      %add3A_278 = arith.constant 0 : i32
      %add3A_279 = arith.addi %add3A_277, %add3A_278 : i32
      %add3A_280 = vector.broadcast %add3A_279 : i32 to vector<16xi32>
      %add3A_281 = arith.addi %mul3A_79, %add3A_280 : vector<16xi32>
      %shift_right_logical3A = arith.constant 7 : i32
      %shift_right_logical3A_282 = vector.broadcast %shift_right_logical3A : i32 to vector<16xi32>
      %shift_right_logical3A_283 = arith.shrui %add3A_281, %shift_right_logical3A_282 : vector<16xi32>
      %and3A = arith.constant 127 : i32
      %and3A_284 = vector.broadcast %and3A : i32 to vector<16xi32>
      %and3A_285 = arith.andi %add3A_281, %and3A_284 : vector<16xi32>
      %gather3A = tpu.vector_load_idx %arg7[%shift_right_logical3A_283, %and3A_285] : memref<200x128xf32, #tpu.memory_space<vmem>>[vector<16xi32>, vector<16xi32>], vector<16xf32>,
      %mul3A_286 = arith.constant 0.818730711 : f32
      %mul3A_287 = vector.broadcast %mul3A_286 : f32 to vector<16xf32>
      %mul3A_288 = arith.mulf %scan3A_273, %mul3A_287 : vector<16xf32>
      %add3A_289 = arith.addf %mul3A_288, %gather3A : vector<16xf32>
      %mul3A_290 = arith.constant 0.00999999977 : f32
      %mul3A_291 = vector.broadcast %mul3A_290 : f32 to vector<16xf32>
      %mul3A_292 = arith.mulf %mul3A_291, %add3A_289 : vector<16xf32>
      %mul3A_293 = arith.mulf %mul3A_292, %gather3A : vector<16xf32>
      tpu.vector_store_idx %arg7[%shift_right_logical3A_283, %and3A_285], %mul3A_293 : memref<200x128xf32, #tpu.memory_space<vmem>>[vector<16xi32>, vector<16xi32>], vector<16xf32>,
      %add3A_294 = arith.constant 0 : i32
      %add3A_295 = arith.addi %add3A_294, %mul3A_275 : i32
      %add3A_296 = arith.constant 1 : i32
      %add3A_297 = arith.addi %add3A_295, %add3A_296 : i32
      %add3A_298 = vector.broadcast %add3A_297 : i32 to vector<16xi32>
      %add3A_299 = arith.addi %mul3A_79, %add3A_298 : vector<16xi32>
      %shift_right_logical3A_300 = arith.constant 7 : i32
      %shift_right_logical3A_301 = vector.broadcast %shift_right_logical3A_300 : i32 to vector<16xi32>
      %shift_right_logical3A_302 = arith.shrui %add3A_299, %shift_right_logical3A_301 : vector<16xi32>
      %and3A_303 = arith.constant 127 : i32
      %and3A_304 = vector.broadcast %and3A_303 : i32 to vector<16xi32>
      %and3A_305 = arith.andi %add3A_299, %and3A_304 : vector<16xi32>
      %gather3A_306 = tpu.vector_load_idx %arg7[%shift_right_logical3A_302, %and3A_305] : memref<200x128xf32, #tpu.memory_space<vmem>>[vector<16xi32>, vector<16xi32>], vector<16xf32>,
      %mul3A_307 = arith.constant 0.818730711 : f32
      %mul3A_308 = vector.broadcast %mul3A_307 : f32 to vector<16xf32>
      %mul3A_309 = arith.mulf %add3A_289, %mul3A_308 : vector<16xf32>
      %add3A_310 = arith.addf %mul3A_309, %gather3A_306 : vector<16xf32>
      %mul3A_311 = arith.constant 0.00999999977 : f32
      %mul3A_312 = vector.broadcast %mul3A_311 : f32 to vector<16xf32>
      %mul3A_313 = arith.mulf %mul3A_312, %add3A_310 : vector<16xf32>
      %mul3A_314 = arith.mulf %mul3A_313, %gather3A_306 : vector<16xf32>
      tpu.vector_store_idx %arg7[%shift_right_logical3A_302, %and3A_305], %mul3A_314 : memref<200x128xf32, #tpu.memory_space<vmem>>[vector<16xi32>, vector<16xi32>], vector<16xf32>,
      %add3A_315 = arith.constant 0 : i32
      %add3A_316 = arith.addi %add3A_315, %mul3A_275 : i32
      %add3A_317 = arith.constant 2 : i32
      %add3A_318 = arith.addi %add3A_316, %add3A_317 : i32
      %add3A_319 = vector.broadcast %add3A_318 : i32 to vector<16xi32>
      %add3A_320 = arith.addi %mul3A_79, %add3A_319 : vector<16xi32>
      %shift_right_logical3A_321 = arith.constant 7 : i32
      %shift_right_logical3A_322 = vector.broadcast %shift_right_logical3A_321 : i32 to vector<16xi32>
      %shift_right_logical3A_323 = arith.shrui %add3A_320, %shift_right_logical3A_322 : vector<16xi32>
      %and3A_324 = arith.constant 127 : i32
      %and3A_325 = vector.broadcast %and3A_324 : i32 to vector<16xi32>
      %and3A_326 = arith.andi %add3A_320, %and3A_325 : vector<16xi32>
      %gather3A_327 = tpu.vector_load_idx %arg7[%shift_right_logical3A_323, %and3A_326] : memref<200x128xf32, #tpu.memory_space<vmem>>[vector<16xi32>, vector<16xi32>], vector<16xf32>,
      %mul3A_328 = arith.constant 0.818730711 : f32
      %mul3A_329 = vector.broadcast %mul3A_328 : f32 to vector<16xf32>
      %mul3A_330 = arith.mulf %add3A_310, %mul3A_329 : vector<16xf32>
      %add3A_331 = arith.addf %mul3A_330, %gather3A_327 : vector<16xf32>
      %mul3A_332 = arith.constant 0.00999999977 : f32
      %mul3A_333 = vector.broadcast %mul3A_332 : f32 to vector<16xf32>
      %mul3A_334 = arith.mulf %mul3A_333, %add3A_331 : vector<16xf32>
      %mul3A_335 = arith.mulf %mul3A_334, %gather3A_327 : vector<16xf32>
      tpu.vector_store_idx %arg7[%shift_right_logical3A_323, %and3A_326], %mul3A_335 : memref<200x128xf32, #tpu.memory_space<vmem>>[vector<16xi32>, vector<16xi32>], vector<16xf32>,
      %add3A_336 = arith.constant 0 : i32
      %add3A_337 = arith.addi %add3A_336, %mul3A_275 : i32
      %add3A_338 = arith.constant 3 : i32
      %add3A_339 = arith.addi %add3A_337, %add3A_338 : i32
      %add3A_340 = vector.broadcast %add3A_339 : i32 to vector<16xi32>
      %add3A_341 = arith.addi %mul3A_79, %add3A_340 : vector<16xi32>
      %shift_right_logical3A_342 = arith.constant 7 : i32
      %shift_right_logical3A_343 = vector.broadcast %shift_right_logical3A_342 : i32 to vector<16xi32>
      %shift_right_logical3A_344 = arith.shrui %add3A_341, %shift_right_logical3A_343 : vector<16xi32>
      %and3A_345 = arith.constant 127 : i32
      %and3A_346 = vector.broadcast %and3A_345 : i32 to vector<16xi32>
      %and3A_347 = arith.andi %add3A_341, %and3A_346 : vector<16xi32>
      %gather3A_348 = tpu.vector_load_idx %arg7[%shift_right_logical3A_344, %and3A_347] : memref<200x128xf32, #tpu.memory_space<vmem>>[vector<16xi32>, vector<16xi32>], vector<16xf32>,
      %mul3A_349 = arith.constant 0.818730711 : f32
      %mul3A_350 = vector.broadcast %mul3A_349 : f32 to vector<16xf32>
      %mul3A_351 = arith.mulf %add3A_331, %mul3A_350 : vector<16xf32>
      %add3A_352 = arith.addf %mul3A_351, %gather3A_348 : vector<16xf32>
      %mul3A_353 = arith.constant 0.00999999977 : f32
      %mul3A_354 = vector.broadcast %mul3A_353 : f32 to vector<16xf32>
      %mul3A_355 = arith.mulf %mul3A_354, %add3A_352 : vector<16xf32>
      %mul3A_356 = arith.mulf %mul3A_355, %gather3A_348 : vector<16xf32>
      tpu.vector_store_idx %arg7[%shift_right_logical3A_344, %and3A_347], %mul3A_356 : memref<200x128xf32, #tpu.memory_space<vmem>>[vector<16xi32>, vector<16xi32>], vector<16xf32>,
      scf.yield %add3A_352 : vector<16xf32>
    }
    %scan3A_87 = arith.constant 50 : i32
    %dma_wait3A_88 = tpu.memref_slice %arg9[%add3A_25] : memref<1048576xf32, #tpu.memory_space<vmem_shared>> -> memref<8192xf32, #tpu.memory_space<vmem_shared>>
    %dma_wait3A_89 = tpu.memref_slice %arg9[%add3A_25] : memref<1048576xf32, #tpu.memory_space<vmem_shared>> -> memref<8192xf32, #tpu.memory_space<vmem_shared>>
    tpu.wait_dma2 semaphore(%arg12 : memref<!tpu.dma_semaphore, #tpu.memory_space<semaphore_mem>>) src(%arg8 : memref<8192xf32, #tpu.memory_space<vmem>>) dst(%dma_wait3A_89 : memref<8192xf32, #tpu.memory_space<vmem_shared>>)
    %dma_wait3A_90 = tpu.memref_slice %arg9[%add3A_31] : memref<1048576xf32, #tpu.memory_space<vmem_shared>> -> memref<8192xf32, #tpu.memory_space<vmem_shared>>
    %dma_wait3A_91 = tpu.memref_slice %arg9[%add3A_31] : memref<1048576xf32, #tpu.memory_space<vmem_shared>> -> memref<8192xf32, #tpu.memory_space<vmem_shared>>
    tpu.wait_dma2 semaphore(%arg12 : memref<!tpu.dma_semaphore, #tpu.memory_space<semaphore_mem>>) src(%arg8 : memref<8192xf32, #tpu.memory_space<vmem>>) dst(%dma_wait3A_91 : memref<8192xf32, #tpu.memory_space<vmem_shared>>)
    %dma_wait3A_92 = tpu.memref_slice %arg9[%add3A_37] : memref<1048576xf32, #tpu.memory_space<vmem_shared>> -> memref<8192xf32, #tpu.memory_space<vmem_shared>>
    %dma_wait3A_93 = tpu.memref_slice %arg9[%add3A_37] : memref<1048576xf32, #tpu.memory_space<vmem_shared>> -> memref<8192xf32, #tpu.memory_space<vmem_shared>>
    tpu.wait_dma2 semaphore(%arg12 : memref<!tpu.dma_semaphore, #tpu.memory_space<semaphore_mem>>) src(%arg8 : memref<8192xf32, #tpu.memory_space<vmem>>) dst(%dma_wait3A_93 : memref<8192xf32, #tpu.memory_space<vmem_shared>>)
    %dma_wait3A_94 = tpu.memref_slice %arg9[%add3A_43] : memref<1048576xf32, #tpu.memory_space<vmem_shared>> -> memref<8192xf32, #tpu.memory_space<vmem_shared>>
    %dma_wait3A_95 = tpu.memref_slice %arg9[%add3A_43] : memref<1048576xf32, #tpu.memory_space<vmem_shared>> -> memref<8192xf32, #tpu.memory_space<vmem_shared>>
    tpu.wait_dma2 semaphore(%arg12 : memref<!tpu.dma_semaphore, #tpu.memory_space<semaphore_mem>>) src(%arg8 : memref<8192xf32, #tpu.memory_space<vmem>>) dst(%dma_wait3A_95 : memref<8192xf32, #tpu.memory_space<vmem_shared>>)
    %dma_wait3A_96 = tpu.memref_slice %arg9[%add3A_49] : memref<1048576xf32, #tpu.memory_space<vmem_shared>> -> memref<8192xf32, #tpu.memory_space<vmem_shared>>
    %dma_wait3A_97 = tpu.memref_slice %arg9[%add3A_49] : memref<1048576xf32, #tpu.memory_space<vmem_shared>> -> memref<8192xf32, #tpu.memory_space<vmem_shared>>
    tpu.wait_dma2 semaphore(%arg12 : memref<!tpu.dma_semaphore, #tpu.memory_space<semaphore_mem>>) src(%arg8 : memref<8192xf32, #tpu.memory_space<vmem>>) dst(%dma_wait3A_97 : memref<8192xf32, #tpu.memory_space<vmem_shared>>)
    %dma_wait3A_98 = tpu.memref_slice %arg9[%add3A_55] : memref<1048576xf32, #tpu.memory_space<vmem_shared>> -> memref<8192xf32, #tpu.memory_space<vmem_shared>>
    %dma_wait3A_99 = tpu.memref_slice %arg9[%add3A_55] : memref<1048576xf32, #tpu.memory_space<vmem_shared>> -> memref<8192xf32, #tpu.memory_space<vmem_shared>>
    tpu.wait_dma2 semaphore(%arg12 : memref<!tpu.dma_semaphore, #tpu.memory_space<semaphore_mem>>) src(%arg8 : memref<8192xf32, #tpu.memory_space<vmem>>) dst(%dma_wait3A_99 : memref<8192xf32, #tpu.memory_space<vmem_shared>>)
    %dma_wait3A_100 = tpu.memref_slice %arg9[%add3A_61] : memref<1048576xf32, #tpu.memory_space<vmem_shared>> -> memref<8192xf32, #tpu.memory_space<vmem_shared>>
    %dma_wait3A_101 = tpu.memref_slice %arg9[%add3A_61] : memref<1048576xf32, #tpu.memory_space<vmem_shared>> -> memref<8192xf32, #tpu.memory_space<vmem_shared>>
    tpu.wait_dma2 semaphore(%arg12 : memref<!tpu.dma_semaphore, #tpu.memory_space<semaphore_mem>>) src(%arg8 : memref<8192xf32, #tpu.memory_space<vmem>>) dst(%dma_wait3A_101 : memref<8192xf32, #tpu.memory_space<vmem_shared>>)
    %dma_wait3A_102 = tpu.memref_slice %arg9[%add3A_67] : memref<1048576xf32, #tpu.memory_space<vmem_shared>> -> memref<8192xf32, #tpu.memory_space<vmem_shared>>
    %dma_wait3A_103 = tpu.memref_slice %arg9[%add3A_67] : memref<1048576xf32, #tpu.memory_space<vmem_shared>> -> memref<8192xf32, #tpu.memory_space<vmem_shared>>
    tpu.wait_dma2 semaphore(%arg12 : memref<!tpu.dma_semaphore, #tpu.memory_space<semaphore_mem>>) src(%arg8 : memref<8192xf32, #tpu.memory_space<vmem>>) dst(%dma_wait3A_103 : memref<8192xf32, #tpu.memory_space<vmem_shared>>)
    %barrier3A = arith.constant 0 : index
    tpu.barrier barrier_id(%barrier3A)
    %dma_wait3A_104 = arith.constant 0 : i32
    %dma_wait3A_105 = arith.constant 0 : i32
    %dma_wait3A_106 = tpu.memref_slice %arg2[%add3A, %dma_wait3A_104, %dma_wait3A_105] : memref<32x200x128xi32, #tpu.memory_space<hbm>> -> memref<1x200x128xi32, #tpu.memory_space<hbm>>
    %dma_wait3A_107 = tpu.memref_squeeze %dma_wait3A_106 : memref<1x200x128xi32, #tpu.memory_space<hbm>> -> memref<200x128xi32, #tpu.memory_space<hbm>>
    %dma_wait3A_108 = arith.constant 0 : i32
    %dma_wait3A_109 = arith.constant 0 : i32
    %dma_wait3A_110 = tpu.memref_slice %arg2[%add3A, %dma_wait3A_108, %dma_wait3A_109] : memref<32x200x128xi32, #tpu.memory_space<hbm>> -> memref<1x200x128xi32, #tpu.memory_space<hbm>>
    %dma_wait3A_111 = tpu.memref_squeeze %dma_wait3A_110 : memref<1x200x128xi32, #tpu.memory_space<hbm>> -> memref<200x128xi32, #tpu.memory_space<hbm>>
    tpu.wait_dma2 semaphore(%arg10 : memref<!tpu.dma_semaphore, #tpu.memory_space<semaphore_mem>>) src(%dma_wait3A_111 : memref<200x128xi32, #tpu.memory_space<hbm>>) dst(%arg6 : memref<200x128xi32, #tpu.memory_space<vmem>>)
    %scan3A_112 = arith.constant 0 : i32
    %scan3A_113 = arith.constant 0 : i32
    %scan3A_114 = arith.constant 25 : i32
    %scan3A_115 = arith.addi %scan3A_113, %scan3A_114 : i32
    %scan3A_116 = arith.constant 1 : i32
    scf.for %scan3A_272 = %scan3A_113 to %scan3A_115 step %scan3A_116  : i32 {
      %dma_start3A_273 = arith.constant 0 : i32
      %dma_start3A_274 = tpu.memref_slice %arg7[%scan3A_272, %dma_start3A_273] : memref<200x128xf32, #tpu.memory_space<vmem>> -> memref<1x128xf32, #tpu.memory_space<vmem>>
      %dma_start3A_275 = tpu.memref_squeeze %dma_start3A_274 : memref<1x128xf32, #tpu.memory_space<vmem>> -> memref<128xf32, #tpu.memory_space<vmem>>
      %dma_start3A_276 = arith.constant 0 : i32
      %dma_start3A_277 = tpu.memref_slice %arg6[%scan3A_272, %dma_start3A_276] : memref<200x128xi32, #tpu.memory_space<vmem>> -> memref<1x128xi32, #tpu.memory_space<vmem>>
      %dma_start3A_278 = tpu.memref_squeeze %dma_start3A_277 : memref<1x128xi32, #tpu.memory_space<vmem>> -> memref<128xi32, #tpu.memory_space<vmem>>
      %dma_start3A_279 = arith.constant 0 : i32
      %dma_start3A_280 = tpu.memref_slice %arg9[%dma_start3A_279] : memref<1048576xf32, #tpu.memory_space<vmem_shared>> -> memref<1048576xf32, #tpu.memory_space<vmem_shared>>
      tpu.enqueue_indirect_dma source(%dma_start3A_275 : memref<128xf32, #tpu.memory_space<vmem>>) target(%dma_start3A_280 : memref<1048576xf32, #tpu.memory_space<vmem_shared>>) offsets(%dma_start3A_278 : memref<128xi32, #tpu.memory_space<vmem>>) semaphore(%arg13 : memref<!tpu.dma_semaphore, #tpu.memory_space<semaphore_mem>>) {add = true}
    }
    %scan3A_117 = arith.constant 25 : i32
    %broadcast_in_dim3A_118 = arith.constant 0.000000e+00 : f32
    %broadcast_in_dim3A_119 = vector.broadcast %broadcast_in_dim3A_118 : f32 to vector<16xf32>
    %scan3A_120 = arith.constant 0 : i32
    %scan3A_121 = arith.constant 50 : i32
    %scan3A_122 = arith.addi %scan3A_120, %scan3A_121 : i32
    %scan3A_123 = arith.constant 1 : i32
    %scan3A_124 = scf.for %scan3A_272 = %scan3A_120 to %scan3A_122 step %scan3A_123 iter_args(%scan3A_273 = %broadcast_in_dim3A_119) -> (vector<16xf32>)  : i32 {
      %mul3A_274 = arith.constant 4 : i32
      %mul3A_275 = arith.muli %scan3A_272, %mul3A_274 : i32
      %add3A_276 = arith.constant 3200 : i32
      %add3A_277 = arith.addi %add3A_276, %mul3A_275 : i32
      %add3A_278 = arith.constant 0 : i32
      %add3A_279 = arith.addi %add3A_277, %add3A_278 : i32
      %add3A_280 = vector.broadcast %add3A_279 : i32 to vector<16xi32>
      %add3A_281 = arith.addi %mul3A_79, %add3A_280 : vector<16xi32>
      %shift_right_logical3A = arith.constant 7 : i32
      %shift_right_logical3A_282 = vector.broadcast %shift_right_logical3A : i32 to vector<16xi32>
      %shift_right_logical3A_283 = arith.shrui %add3A_281, %shift_right_logical3A_282 : vector<16xi32>
      %and3A = arith.constant 127 : i32
      %and3A_284 = vector.broadcast %and3A : i32 to vector<16xi32>
      %and3A_285 = arith.andi %add3A_281, %and3A_284 : vector<16xi32>
      %gather3A = tpu.vector_load_idx %arg7[%shift_right_logical3A_283, %and3A_285] : memref<200x128xf32, #tpu.memory_space<vmem>>[vector<16xi32>, vector<16xi32>], vector<16xf32>,
      %mul3A_286 = arith.constant 0.818730711 : f32
      %mul3A_287 = vector.broadcast %mul3A_286 : f32 to vector<16xf32>
      %mul3A_288 = arith.mulf %scan3A_273, %mul3A_287 : vector<16xf32>
      %add3A_289 = arith.addf %mul3A_288, %gather3A : vector<16xf32>
      %mul3A_290 = arith.constant 0.00999999977 : f32
      %mul3A_291 = vector.broadcast %mul3A_290 : f32 to vector<16xf32>
      %mul3A_292 = arith.mulf %mul3A_291, %add3A_289 : vector<16xf32>
      %mul3A_293 = arith.mulf %mul3A_292, %gather3A : vector<16xf32>
      tpu.vector_store_idx %arg7[%shift_right_logical3A_283, %and3A_285], %mul3A_293 : memref<200x128xf32, #tpu.memory_space<vmem>>[vector<16xi32>, vector<16xi32>], vector<16xf32>,
      %add3A_294 = arith.constant 3200 : i32
      %add3A_295 = arith.addi %add3A_294, %mul3A_275 : i32
      %add3A_296 = arith.constant 1 : i32
      %add3A_297 = arith.addi %add3A_295, %add3A_296 : i32
      %add3A_298 = vector.broadcast %add3A_297 : i32 to vector<16xi32>
      %add3A_299 = arith.addi %mul3A_79, %add3A_298 : vector<16xi32>
      %shift_right_logical3A_300 = arith.constant 7 : i32
      %shift_right_logical3A_301 = vector.broadcast %shift_right_logical3A_300 : i32 to vector<16xi32>
      %shift_right_logical3A_302 = arith.shrui %add3A_299, %shift_right_logical3A_301 : vector<16xi32>
      %and3A_303 = arith.constant 127 : i32
      %and3A_304 = vector.broadcast %and3A_303 : i32 to vector<16xi32>
      %and3A_305 = arith.andi %add3A_299, %and3A_304 : vector<16xi32>
      %gather3A_306 = tpu.vector_load_idx %arg7[%shift_right_logical3A_302, %and3A_305] : memref<200x128xf32, #tpu.memory_space<vmem>>[vector<16xi32>, vector<16xi32>], vector<16xf32>,
      %mul3A_307 = arith.constant 0.818730711 : f32
      %mul3A_308 = vector.broadcast %mul3A_307 : f32 to vector<16xf32>
      %mul3A_309 = arith.mulf %add3A_289, %mul3A_308 : vector<16xf32>
      %add3A_310 = arith.addf %mul3A_309, %gather3A_306 : vector<16xf32>
      %mul3A_311 = arith.constant 0.00999999977 : f32
      %mul3A_312 = vector.broadcast %mul3A_311 : f32 to vector<16xf32>
      %mul3A_313 = arith.mulf %mul3A_312, %add3A_310 : vector<16xf32>
      %mul3A_314 = arith.mulf %mul3A_313, %gather3A_306 : vector<16xf32>
      tpu.vector_store_idx %arg7[%shift_right_logical3A_302, %and3A_305], %mul3A_314 : memref<200x128xf32, #tpu.memory_space<vmem>>[vector<16xi32>, vector<16xi32>], vector<16xf32>,
      %add3A_315 = arith.constant 3200 : i32
      %add3A_316 = arith.addi %add3A_315, %mul3A_275 : i32
      %add3A_317 = arith.constant 2 : i32
      %add3A_318 = arith.addi %add3A_316, %add3A_317 : i32
      %add3A_319 = vector.broadcast %add3A_318 : i32 to vector<16xi32>
      %add3A_320 = arith.addi %mul3A_79, %add3A_319 : vector<16xi32>
      %shift_right_logical3A_321 = arith.constant 7 : i32
      %shift_right_logical3A_322 = vector.broadcast %shift_right_logical3A_321 : i32 to vector<16xi32>
      %shift_right_logical3A_323 = arith.shrui %add3A_320, %shift_right_logical3A_322 : vector<16xi32>
      %and3A_324 = arith.constant 127 : i32
      %and3A_325 = vector.broadcast %and3A_324 : i32 to vector<16xi32>
      %and3A_326 = arith.andi %add3A_320, %and3A_325 : vector<16xi32>
      %gather3A_327 = tpu.vector_load_idx %arg7[%shift_right_logical3A_323, %and3A_326] : memref<200x128xf32, #tpu.memory_space<vmem>>[vector<16xi32>, vector<16xi32>], vector<16xf32>,
      %mul3A_328 = arith.constant 0.818730711 : f32
      %mul3A_329 = vector.broadcast %mul3A_328 : f32 to vector<16xf32>
      %mul3A_330 = arith.mulf %add3A_310, %mul3A_329 : vector<16xf32>
      %add3A_331 = arith.addf %mul3A_330, %gather3A_327 : vector<16xf32>
      %mul3A_332 = arith.constant 0.00999999977 : f32
      %mul3A_333 = vector.broadcast %mul3A_332 : f32 to vector<16xf32>
      %mul3A_334 = arith.mulf %mul3A_333, %add3A_331 : vector<16xf32>
      %mul3A_335 = arith.mulf %mul3A_334, %gather3A_327 : vector<16xf32>
      tpu.vector_store_idx %arg7[%shift_right_logical3A_323, %and3A_326], %mul3A_335 : memref<200x128xf32, #tpu.memory_space<vmem>>[vector<16xi32>, vector<16xi32>], vector<16xf32>,
      %add3A_336 = arith.constant 3200 : i32
      %add3A_337 = arith.addi %add3A_336, %mul3A_275 : i32
      %add3A_338 = arith.constant 3 : i32
      %add3A_339 = arith.addi %add3A_337, %add3A_338 : i32
      %add3A_340 = vector.broadcast %add3A_339 : i32 to vector<16xi32>
      %add3A_341 = arith.addi %mul3A_79, %add3A_340 : vector<16xi32>
      %shift_right_logical3A_342 = arith.constant 7 : i32
      %shift_right_logical3A_343 = vector.broadcast %shift_right_logical3A_342 : i32 to vector<16xi32>
      %shift_right_logical3A_344 = arith.shrui %add3A_341, %shift_right_logical3A_343 : vector<16xi32>
      %and3A_345 = arith.constant 127 : i32
      %and3A_346 = vector.broadcast %and3A_345 : i32 to vector<16xi32>
      %and3A_347 = arith.andi %add3A_341, %and3A_346 : vector<16xi32>
      %gather3A_348 = tpu.vector_load_idx %arg7[%shift_right_logical3A_344, %and3A_347] : memref<200x128xf32, #tpu.memory_space<vmem>>[vector<16xi32>, vector<16xi32>], vector<16xf32>,
      %mul3A_349 = arith.constant 0.818730711 : f32
      %mul3A_350 = vector.broadcast %mul3A_349 : f32 to vector<16xf32>
      %mul3A_351 = arith.mulf %add3A_331, %mul3A_350 : vector<16xf32>
      %add3A_352 = arith.addf %mul3A_351, %gather3A_348 : vector<16xf32>
      %mul3A_353 = arith.constant 0.00999999977 : f32
      %mul3A_354 = vector.broadcast %mul3A_353 : f32 to vector<16xf32>
      %mul3A_355 = arith.mulf %mul3A_354, %add3A_352 : vector<16xf32>
      %mul3A_356 = arith.mulf %mul3A_355, %gather3A_348 : vector<16xf32>
      tpu.vector_store_idx %arg7[%shift_right_logical3A_344, %and3A_347], %mul3A_356 : memref<200x128xf32, #tpu.memory_space<vmem>>[vector<16xi32>, vector<16xi32>], vector<16xf32>,
      scf.yield %add3A_352 : vector<16xf32>
    }
    %scan3A_125 = arith.constant 50 : i32
    %scan3A_126 = arith.constant 0 : i32
    %scan3A_127 = arith.constant 0 : i32
    %scan3A_128 = arith.constant 25 : i32
    %scan3A_129 = arith.addi %scan3A_127, %scan3A_128 : i32
    %scan3A_130 = arith.constant 1 : i32
    scf.for %scan3A_272 = %scan3A_127 to %scan3A_129 step %scan3A_130  : i32 {
      %dma_wait3A_273 = arith.constant 0 : i32
      %dma_wait3A_274 = tpu.memref_slice %arg7[%scan3A_272, %dma_wait3A_273] : memref<200x128xf32, #tpu.memory_space<vmem>> -> memref<1x128xf32, #tpu.memory_space<vmem>>
      %dma_wait3A_275 = tpu.memref_squeeze %dma_wait3A_274 : memref<1x128xf32, #tpu.memory_space<vmem>> -> memref<128xf32, #tpu.memory_space<vmem>>
      %dma_wait3A_276 = arith.constant 0 : i32
      %dma_wait3A_277 = tpu.memref_slice %arg6[%scan3A_272, %dma_wait3A_276] : memref<200x128xi32, #tpu.memory_space<vmem>> -> memref<1x128xi32, #tpu.memory_space<vmem>>
      %dma_wait3A_278 = tpu.memref_squeeze %dma_wait3A_277 : memref<1x128xi32, #tpu.memory_space<vmem>> -> memref<128xi32, #tpu.memory_space<vmem>>
      %dma_wait3A_279 = arith.constant 0 : i32
      %dma_wait3A_280 = tpu.memref_slice %arg9[%dma_wait3A_279] : memref<1048576xf32, #tpu.memory_space<vmem_shared>> -> memref<1048576xf32, #tpu.memory_space<vmem_shared>>
      tpu.wait_indirect_dma semaphore(%arg13 : memref<!tpu.dma_semaphore, #tpu.memory_space<semaphore_mem>>) src(%dma_wait3A_275 : memref<128xf32, #tpu.memory_space<vmem>>) dst(%dma_wait3A_280 : memref<1048576xf32, #tpu.memory_space<vmem_shared>>)
    }
    %scan3A_131 = arith.constant 25 : i32
    %scan3A_132 = arith.constant 0 : i32
    %scan3A_133 = arith.constant 25 : i32
    %scan3A_134 = arith.constant 25 : i32
    %scan3A_135 = arith.addi %scan3A_133, %scan3A_134 : i32
    %scan3A_136 = arith.constant 1 : i32
    scf.for %scan3A_272 = %scan3A_133 to %scan3A_135 step %scan3A_136  : i32 {
      %dma_start3A_273 = arith.constant 0 : i32
      %dma_start3A_274 = tpu.memref_slice %arg7[%scan3A_272, %dma_start3A_273] : memref<200x128xf32, #tpu.memory_space<vmem>> -> memref<1x128xf32, #tpu.memory_space<vmem>>
      %dma_start3A_275 = tpu.memref_squeeze %dma_start3A_274 : memref<1x128xf32, #tpu.memory_space<vmem>> -> memref<128xf32, #tpu.memory_space<vmem>>
      %dma_start3A_276 = arith.constant 0 : i32
      %dma_start3A_277 = tpu.memref_slice %arg6[%scan3A_272, %dma_start3A_276] : memref<200x128xi32, #tpu.memory_space<vmem>> -> memref<1x128xi32, #tpu.memory_space<vmem>>
      %dma_start3A_278 = tpu.memref_squeeze %dma_start3A_277 : memref<1x128xi32, #tpu.memory_space<vmem>> -> memref<128xi32, #tpu.memory_space<vmem>>
      %dma_start3A_279 = arith.constant 0 : i32
      %dma_start3A_280 = tpu.memref_slice %arg9[%dma_start3A_279] : memref<1048576xf32, #tpu.memory_space<vmem_shared>> -> memref<1048576xf32, #tpu.memory_space<vmem_shared>>
      tpu.enqueue_indirect_dma source(%dma_start3A_275 : memref<128xf32, #tpu.memory_space<vmem>>) target(%dma_start3A_280 : memref<1048576xf32, #tpu.memory_space<vmem_shared>>) offsets(%dma_start3A_278 : memref<128xi32, #tpu.memory_space<vmem>>) semaphore(%arg13 : memref<!tpu.dma_semaphore, #tpu.memory_space<semaphore_mem>>) {add = true}
    }
    %scan3A_137 = arith.constant 25 : i32
    %broadcast_in_dim3A_138 = arith.constant 0.000000e+00 : f32
    %broadcast_in_dim3A_139 = vector.broadcast %broadcast_in_dim3A_138 : f32 to vector<16xf32>
    %scan3A_140 = arith.constant 0 : i32
    %scan3A_141 = arith.constant 50 : i32
    %scan3A_142 = arith.addi %scan3A_140, %scan3A_141 : i32
    %scan3A_143 = arith.constant 1 : i32
    %scan3A_144 = scf.for %scan3A_272 = %scan3A_140 to %scan3A_142 step %scan3A_143 iter_args(%scan3A_273 = %broadcast_in_dim3A_139) -> (vector<16xf32>)  : i32 {
      %mul3A_274 = arith.constant 4 : i32
      %mul3A_275 = arith.muli %scan3A_272, %mul3A_274 : i32
      %add3A_276 = arith.constant 6400 : i32
      %add3A_277 = arith.addi %add3A_276, %mul3A_275 : i32
      %add3A_278 = arith.constant 0 : i32
      %add3A_279 = arith.addi %add3A_277, %add3A_278 : i32
      %add3A_280 = vector.broadcast %add3A_279 : i32 to vector<16xi32>
      %add3A_281 = arith.addi %mul3A_79, %add3A_280 : vector<16xi32>
      %shift_right_logical3A = arith.constant 7 : i32
      %shift_right_logical3A_282 = vector.broadcast %shift_right_logical3A : i32 to vector<16xi32>
      %shift_right_logical3A_283 = arith.shrui %add3A_281, %shift_right_logical3A_282 : vector<16xi32>
      %and3A = arith.constant 127 : i32
      %and3A_284 = vector.broadcast %and3A : i32 to vector<16xi32>
      %and3A_285 = arith.andi %add3A_281, %and3A_284 : vector<16xi32>
      %gather3A = tpu.vector_load_idx %arg7[%shift_right_logical3A_283, %and3A_285] : memref<200x128xf32, #tpu.memory_space<vmem>>[vector<16xi32>, vector<16xi32>], vector<16xf32>,
      %mul3A_286 = arith.constant 0.818730711 : f32
      %mul3A_287 = vector.broadcast %mul3A_286 : f32 to vector<16xf32>
      %mul3A_288 = arith.mulf %scan3A_273, %mul3A_287 : vector<16xf32>
      %add3A_289 = arith.addf %mul3A_288, %gather3A : vector<16xf32>
      %mul3A_290 = arith.constant 0.00999999977 : f32
      %mul3A_291 = vector.broadcast %mul3A_290 : f32 to vector<16xf32>
      %mul3A_292 = arith.mulf %mul3A_291, %add3A_289 : vector<16xf32>
      %mul3A_293 = arith.mulf %mul3A_292, %gather3A : vector<16xf32>
      tpu.vector_store_idx %arg7[%shift_right_logical3A_283, %and3A_285], %mul3A_293 : memref<200x128xf32, #tpu.memory_space<vmem>>[vector<16xi32>, vector<16xi32>], vector<16xf32>,
      %add3A_294 = arith.constant 6400 : i32
      %add3A_295 = arith.addi %add3A_294, %mul3A_275 : i32
      %add3A_296 = arith.constant 1 : i32
      %add3A_297 = arith.addi %add3A_295, %add3A_296 : i32
      %add3A_298 = vector.broadcast %add3A_297 : i32 to vector<16xi32>
      %add3A_299 = arith.addi %mul3A_79, %add3A_298 : vector<16xi32>
      %shift_right_logical3A_300 = arith.constant 7 : i32
      %shift_right_logical3A_301 = vector.broadcast %shift_right_logical3A_300 : i32 to vector<16xi32>
      %shift_right_logical3A_302 = arith.shrui %add3A_299, %shift_right_logical3A_301 : vector<16xi32>
      %and3A_303 = arith.constant 127 : i32
      %and3A_304 = vector.broadcast %and3A_303 : i32 to vector<16xi32>
      %and3A_305 = arith.andi %add3A_299, %and3A_304 : vector<16xi32>
      %gather3A_306 = tpu.vector_load_idx %arg7[%shift_right_logical3A_302, %and3A_305] : memref<200x128xf32, #tpu.memory_space<vmem>>[vector<16xi32>, vector<16xi32>], vector<16xf32>,
      %mul3A_307 = arith.constant 0.818730711 : f32
      %mul3A_308 = vector.broadcast %mul3A_307 : f32 to vector<16xf32>
      %mul3A_309 = arith.mulf %add3A_289, %mul3A_308 : vector<16xf32>
      %add3A_310 = arith.addf %mul3A_309, %gather3A_306 : vector<16xf32>
      %mul3A_311 = arith.constant 0.00999999977 : f32
      %mul3A_312 = vector.broadcast %mul3A_311 : f32 to vector<16xf32>
      %mul3A_313 = arith.mulf %mul3A_312, %add3A_310 : vector<16xf32>
      %mul3A_314 = arith.mulf %mul3A_313, %gather3A_306 : vector<16xf32>
      tpu.vector_store_idx %arg7[%shift_right_logical3A_302, %and3A_305], %mul3A_314 : memref<200x128xf32, #tpu.memory_space<vmem>>[vector<16xi32>, vector<16xi32>], vector<16xf32>,
      %add3A_315 = arith.constant 6400 : i32
      %add3A_316 = arith.addi %add3A_315, %mul3A_275 : i32
      %add3A_317 = arith.constant 2 : i32
      %add3A_318 = arith.addi %add3A_316, %add3A_317 : i32
      %add3A_319 = vector.broadcast %add3A_318 : i32 to vector<16xi32>
      %add3A_320 = arith.addi %mul3A_79, %add3A_319 : vector<16xi32>
      %shift_right_logical3A_321 = arith.constant 7 : i32
      %shift_right_logical3A_322 = vector.broadcast %shift_right_logical3A_321 : i32 to vector<16xi32>
      %shift_right_logical3A_323 = arith.shrui %add3A_320, %shift_right_logical3A_322 : vector<16xi32>
      %and3A_324 = arith.constant 127 : i32
      %and3A_325 = vector.broadcast %and3A_324 : i32 to vector<16xi32>
      %and3A_326 = arith.andi %add3A_320, %and3A_325 : vector<16xi32>
      %gather3A_327 = tpu.vector_load_idx %arg7[%shift_right_logical3A_323, %and3A_326] : memref<200x128xf32, #tpu.memory_space<vmem>>[vector<16xi32>, vector<16xi32>], vector<16xf32>,
      %mul3A_328 = arith.constant 0.818730711 : f32
      %mul3A_329 = vector.broadcast %mul3A_328 : f32 to vector<16xf32>
      %mul3A_330 = arith.mulf %add3A_310, %mul3A_329 : vector<16xf32>
      %add3A_331 = arith.addf %mul3A_330, %gather3A_327 : vector<16xf32>
      %mul3A_332 = arith.constant 0.00999999977 : f32
      %mul3A_333 = vector.broadcast %mul3A_332 : f32 to vector<16xf32>
      %mul3A_334 = arith.mulf %mul3A_333, %add3A_331 : vector<16xf32>
      %mul3A_335 = arith.mulf %mul3A_334, %gather3A_327 : vector<16xf32>
      tpu.vector_store_idx %arg7[%shift_right_logical3A_323, %and3A_326], %mul3A_335 : memref<200x128xf32, #tpu.memory_space<vmem>>[vector<16xi32>, vector<16xi32>], vector<16xf32>,
      %add3A_336 = arith.constant 6400 : i32
      %add3A_337 = arith.addi %add3A_336, %mul3A_275 : i32
      %add3A_338 = arith.constant 3 : i32
      %add3A_339 = arith.addi %add3A_337, %add3A_338 : i32
      %add3A_340 = vector.broadcast %add3A_339 : i32 to vector<16xi32>
      %add3A_341 = arith.addi %mul3A_79, %add3A_340 : vector<16xi32>
      %shift_right_logical3A_342 = arith.constant 7 : i32
      %shift_right_logical3A_343 = vector.broadcast %shift_right_logical3A_342 : i32 to vector<16xi32>
      %shift_right_logical3A_344 = arith.shrui %add3A_341, %shift_right_logical3A_343 : vector<16xi32>
      %and3A_345 = arith.constant 127 : i32
      %and3A_346 = vector.broadcast %and3A_345 : i32 to vector<16xi32>
      %and3A_347 = arith.andi %add3A_341, %and3A_346 : vector<16xi32>
      %gather3A_348 = tpu.vector_load_idx %arg7[%shift_right_logical3A_344, %and3A_347] : memref<200x128xf32, #tpu.memory_space<vmem>>[vector<16xi32>, vector<16xi32>], vector<16xf32>,
      %mul3A_349 = arith.constant 0.818730711 : f32
      %mul3A_350 = vector.broadcast %mul3A_349 : f32 to vector<16xf32>
      %mul3A_351 = arith.mulf %add3A_331, %mul3A_350 : vector<16xf32>
      %add3A_352 = arith.addf %mul3A_351, %gather3A_348 : vector<16xf32>
      %mul3A_353 = arith.constant 0.00999999977 : f32
      %mul3A_354 = vector.broadcast %mul3A_353 : f32 to vector<16xf32>
      %mul3A_355 = arith.mulf %mul3A_354, %add3A_352 : vector<16xf32>
      %mul3A_356 = arith.mulf %mul3A_355, %gather3A_348 : vector<16xf32>
      tpu.vector_store_idx %arg7[%shift_right_logical3A_344, %and3A_347], %mul3A_356 : memref<200x128xf32, #tpu.memory_space<vmem>>[vector<16xi32>, vector<16xi32>], vector<16xf32>,
      scf.yield %add3A_352 : vector<16xf32>
    }
    %scan3A_145 = arith.constant 50 : i32
    %scan3A_146 = arith.constant 0 : i32
    %scan3A_147 = arith.constant 25 : i32
    %scan3A_148 = arith.constant 25 : i32
    %scan3A_149 = arith.addi %scan3A_147, %scan3A_148 : i32
    %scan3A_150 = arith.constant 1 : i32
    scf.for %scan3A_272 = %scan3A_147 to %scan3A_149 step %scan3A_150  : i32 {
      %dma_wait3A_273 = arith.constant 0 : i32
      %dma_wait3A_274 = tpu.memref_slice %arg7[%scan3A_272, %dma_wait3A_273] : memref<200x128xf32, #tpu.memory_space<vmem>> -> memref<1x128xf32, #tpu.memory_space<vmem>>
      %dma_wait3A_275 = tpu.memref_squeeze %dma_wait3A_274 : memref<1x128xf32, #tpu.memory_space<vmem>> -> memref<128xf32, #tpu.memory_space<vmem>>
      %dma_wait3A_276 = arith.constant 0 : i32
      %dma_wait3A_277 = tpu.memref_slice %arg6[%scan3A_272, %dma_wait3A_276] : memref<200x128xi32, #tpu.memory_space<vmem>> -> memref<1x128xi32, #tpu.memory_space<vmem>>
      %dma_wait3A_278 = tpu.memref_squeeze %dma_wait3A_277 : memref<1x128xi32, #tpu.memory_space<vmem>> -> memref<128xi32, #tpu.memory_space<vmem>>
      %dma_wait3A_279 = arith.constant 0 : i32
      %dma_wait3A_280 = tpu.memref_slice %arg9[%dma_wait3A_279] : memref<1048576xf32, #tpu.memory_space<vmem_shared>> -> memref<1048576xf32, #tpu.memory_space<vmem_shared>>
      tpu.wait_indirect_dma semaphore(%arg13 : memref<!tpu.dma_semaphore, #tpu.memory_space<semaphore_mem>>) src(%dma_wait3A_275 : memref<128xf32, #tpu.memory_space<vmem>>) dst(%dma_wait3A_280 : memref<1048576xf32, #tpu.memory_space<vmem_shared>>)
    }
    %scan3A_151 = arith.constant 25 : i32
    %scan3A_152 = arith.constant 0 : i32
    %scan3A_153 = arith.constant 50 : i32
    %scan3A_154 = arith.constant 25 : i32
    %scan3A_155 = arith.addi %scan3A_153, %scan3A_154 : i32
    %scan3A_156 = arith.constant 1 : i32
    scf.for %scan3A_272 = %scan3A_153 to %scan3A_155 step %scan3A_156  : i32 {
      %dma_start3A_273 = arith.constant 0 : i32
      %dma_start3A_274 = tpu.memref_slice %arg7[%scan3A_272, %dma_start3A_273] : memref<200x128xf32, #tpu.memory_space<vmem>> -> memref<1x128xf32, #tpu.memory_space<vmem>>
      %dma_start3A_275 = tpu.memref_squeeze %dma_start3A_274 : memref<1x128xf32, #tpu.memory_space<vmem>> -> memref<128xf32, #tpu.memory_space<vmem>>
      %dma_start3A_276 = arith.constant 0 : i32
      %dma_start3A_277 = tpu.memref_slice %arg6[%scan3A_272, %dma_start3A_276] : memref<200x128xi32, #tpu.memory_space<vmem>> -> memref<1x128xi32, #tpu.memory_space<vmem>>
      %dma_start3A_278 = tpu.memref_squeeze %dma_start3A_277 : memref<1x128xi32, #tpu.memory_space<vmem>> -> memref<128xi32, #tpu.memory_space<vmem>>
      %dma_start3A_279 = arith.constant 0 : i32
      %dma_start3A_280 = tpu.memref_slice %arg9[%dma_start3A_279] : memref<1048576xf32, #tpu.memory_space<vmem_shared>> -> memref<1048576xf32, #tpu.memory_space<vmem_shared>>
      tpu.enqueue_indirect_dma source(%dma_start3A_275 : memref<128xf32, #tpu.memory_space<vmem>>) target(%dma_start3A_280 : memref<1048576xf32, #tpu.memory_space<vmem_shared>>) offsets(%dma_start3A_278 : memref<128xi32, #tpu.memory_space<vmem>>) semaphore(%arg13 : memref<!tpu.dma_semaphore, #tpu.memory_space<semaphore_mem>>) {add = true}
    }
    %scan3A_157 = arith.constant 25 : i32
    %broadcast_in_dim3A_158 = arith.constant 0.000000e+00 : f32
    %broadcast_in_dim3A_159 = vector.broadcast %broadcast_in_dim3A_158 : f32 to vector<16xf32>
    %scan3A_160 = arith.constant 0 : i32
    %scan3A_161 = arith.constant 50 : i32
    %scan3A_162 = arith.addi %scan3A_160, %scan3A_161 : i32
    %scan3A_163 = arith.constant 1 : i32
    %scan3A_164 = scf.for %scan3A_272 = %scan3A_160 to %scan3A_162 step %scan3A_163 iter_args(%scan3A_273 = %broadcast_in_dim3A_159) -> (vector<16xf32>)  : i32 {
      %mul3A_274 = arith.constant 4 : i32
      %mul3A_275 = arith.muli %scan3A_272, %mul3A_274 : i32
      %add3A_276 = arith.constant 9600 : i32
      %add3A_277 = arith.addi %add3A_276, %mul3A_275 : i32
      %add3A_278 = arith.constant 0 : i32
      %add3A_279 = arith.addi %add3A_277, %add3A_278 : i32
      %add3A_280 = vector.broadcast %add3A_279 : i32 to vector<16xi32>
      %add3A_281 = arith.addi %mul3A_79, %add3A_280 : vector<16xi32>
      %shift_right_logical3A = arith.constant 7 : i32
      %shift_right_logical3A_282 = vector.broadcast %shift_right_logical3A : i32 to vector<16xi32>
      %shift_right_logical3A_283 = arith.shrui %add3A_281, %shift_right_logical3A_282 : vector<16xi32>
      %and3A = arith.constant 127 : i32
      %and3A_284 = vector.broadcast %and3A : i32 to vector<16xi32>
      %and3A_285 = arith.andi %add3A_281, %and3A_284 : vector<16xi32>
      %gather3A = tpu.vector_load_idx %arg7[%shift_right_logical3A_283, %and3A_285] : memref<200x128xf32, #tpu.memory_space<vmem>>[vector<16xi32>, vector<16xi32>], vector<16xf32>,
      %mul3A_286 = arith.constant 0.818730711 : f32
      %mul3A_287 = vector.broadcast %mul3A_286 : f32 to vector<16xf32>
      %mul3A_288 = arith.mulf %scan3A_273, %mul3A_287 : vector<16xf32>
      %add3A_289 = arith.addf %mul3A_288, %gather3A : vector<16xf32>
      %mul3A_290 = arith.constant 0.00999999977 : f32
      %mul3A_291 = vector.broadcast %mul3A_290 : f32 to vector<16xf32>
      %mul3A_292 = arith.mulf %mul3A_291, %add3A_289 : vector<16xf32>
      %mul3A_293 = arith.mulf %mul3A_292, %gather3A : vector<16xf32>
      tpu.vector_store_idx %arg7[%shift_right_logical3A_283, %and3A_285], %mul3A_293 : memref<200x128xf32, #tpu.memory_space<vmem>>[vector<16xi32>, vector<16xi32>], vector<16xf32>,
      %add3A_294 = arith.constant 9600 : i32
      %add3A_295 = arith.addi %add3A_294, %mul3A_275 : i32
      %add3A_296 = arith.constant 1 : i32
      %add3A_297 = arith.addi %add3A_295, %add3A_296 : i32
      %add3A_298 = vector.broadcast %add3A_297 : i32 to vector<16xi32>
      %add3A_299 = arith.addi %mul3A_79, %add3A_298 : vector<16xi32>
      %shift_right_logical3A_300 = arith.constant 7 : i32
      %shift_right_logical3A_301 = vector.broadcast %shift_right_logical3A_300 : i32 to vector<16xi32>
      %shift_right_logical3A_302 = arith.shrui %add3A_299, %shift_right_logical3A_301 : vector<16xi32>
      %and3A_303 = arith.constant 127 : i32
      %and3A_304 = vector.broadcast %and3A_303 : i32 to vector<16xi32>
      %and3A_305 = arith.andi %add3A_299, %and3A_304 : vector<16xi32>
      %gather3A_306 = tpu.vector_load_idx %arg7[%shift_right_logical3A_302, %and3A_305] : memref<200x128xf32, #tpu.memory_space<vmem>>[vector<16xi32>, vector<16xi32>], vector<16xf32>,
      %mul3A_307 = arith.constant 0.818730711 : f32
      %mul3A_308 = vector.broadcast %mul3A_307 : f32 to vector<16xf32>
      %mul3A_309 = arith.mulf %add3A_289, %mul3A_308 : vector<16xf32>
      %add3A_310 = arith.addf %mul3A_309, %gather3A_306 : vector<16xf32>
      %mul3A_311 = arith.constant 0.00999999977 : f32
      %mul3A_312 = vector.broadcast %mul3A_311 : f32 to vector<16xf32>
      %mul3A_313 = arith.mulf %mul3A_312, %add3A_310 : vector<16xf32>
      %mul3A_314 = arith.mulf %mul3A_313, %gather3A_306 : vector<16xf32>
      tpu.vector_store_idx %arg7[%shift_right_logical3A_302, %and3A_305], %mul3A_314 : memref<200x128xf32, #tpu.memory_space<vmem>>[vector<16xi32>, vector<16xi32>], vector<16xf32>,
      %add3A_315 = arith.constant 9600 : i32
      %add3A_316 = arith.addi %add3A_315, %mul3A_275 : i32
      %add3A_317 = arith.constant 2 : i32
      %add3A_318 = arith.addi %add3A_316, %add3A_317 : i32
      %add3A_319 = vector.broadcast %add3A_318 : i32 to vector<16xi32>
      %add3A_320 = arith.addi %mul3A_79, %add3A_319 : vector<16xi32>
      %shift_right_logical3A_321 = arith.constant 7 : i32
      %shift_right_logical3A_322 = vector.broadcast %shift_right_logical3A_321 : i32 to vector<16xi32>
      %shift_right_logical3A_323 = arith.shrui %add3A_320, %shift_right_logical3A_322 : vector<16xi32>
      %and3A_324 = arith.constant 127 : i32
      %and3A_325 = vector.broadcast %and3A_324 : i32 to vector<16xi32>
      %and3A_326 = arith.andi %add3A_320, %and3A_325 : vector<16xi32>
      %gather3A_327 = tpu.vector_load_idx %arg7[%shift_right_logical3A_323, %and3A_326] : memref<200x128xf32, #tpu.memory_space<vmem>>[vector<16xi32>, vector<16xi32>], vector<16xf32>,
      %mul3A_328 = arith.constant 0.818730711 : f32
      %mul3A_329 = vector.broadcast %mul3A_328 : f32 to vector<16xf32>
      %mul3A_330 = arith.mulf %add3A_310, %mul3A_329 : vector<16xf32>
      %add3A_331 = arith.addf %mul3A_330, %gather3A_327 : vector<16xf32>
      %mul3A_332 = arith.constant 0.00999999977 : f32
      %mul3A_333 = vector.broadcast %mul3A_332 : f32 to vector<16xf32>
      %mul3A_334 = arith.mulf %mul3A_333, %add3A_331 : vector<16xf32>
      %mul3A_335 = arith.mulf %mul3A_334, %gather3A_327 : vector<16xf32>
      tpu.vector_store_idx %arg7[%shift_right_logical3A_323, %and3A_326], %mul3A_335 : memref<200x128xf32, #tpu.memory_space<vmem>>[vector<16xi32>, vector<16xi32>], vector<16xf32>,
      %add3A_336 = arith.constant 9600 : i32
      %add3A_337 = arith.addi %add3A_336, %mul3A_275 : i32
      %add3A_338 = arith.constant 3 : i32
      %add3A_339 = arith.addi %add3A_337, %add3A_338 : i32
      %add3A_340 = vector.broadcast %add3A_339 : i32 to vector<16xi32>
      %add3A_341 = arith.addi %mul3A_79, %add3A_340 : vector<16xi32>
      %shift_right_logical3A_342 = arith.constant 7 : i32
      %shift_right_logical3A_343 = vector.broadcast %shift_right_logical3A_342 : i32 to vector<16xi32>
      %shift_right_logical3A_344 = arith.shrui %add3A_341, %shift_right_logical3A_343 : vector<16xi32>
      %and3A_345 = arith.constant 127 : i32
      %and3A_346 = vector.broadcast %and3A_345 : i32 to vector<16xi32>
      %and3A_347 = arith.andi %add3A_341, %and3A_346 : vector<16xi32>
      %gather3A_348 = tpu.vector_load_idx %arg7[%shift_right_logical3A_344, %and3A_347] : memref<200x128xf32, #tpu.memory_space<vmem>>[vector<16xi32>, vector<16xi32>], vector<16xf32>,
      %mul3A_349 = arith.constant 0.818730711 : f32
      %mul3A_350 = vector.broadcast %mul3A_349 : f32 to vector<16xf32>
      %mul3A_351 = arith.mulf %add3A_331, %mul3A_350 : vector<16xf32>
      %add3A_352 = arith.addf %mul3A_351, %gather3A_348 : vector<16xf32>
      %mul3A_353 = arith.constant 0.00999999977 : f32
      %mul3A_354 = vector.broadcast %mul3A_353 : f32 to vector<16xf32>
      %mul3A_355 = arith.mulf %mul3A_354, %add3A_352 : vector<16xf32>
      %mul3A_356 = arith.mulf %mul3A_355, %gather3A_348 : vector<16xf32>
      tpu.vector_store_idx %arg7[%shift_right_logical3A_344, %and3A_347], %mul3A_356 : memref<200x128xf32, #tpu.memory_space<vmem>>[vector<16xi32>, vector<16xi32>], vector<16xf32>,
      scf.yield %add3A_352 : vector<16xf32>
    }
    %scan3A_165 = arith.constant 50 : i32
    %scan3A_166 = arith.constant 0 : i32
    %scan3A_167 = arith.constant 50 : i32
    %scan3A_168 = arith.constant 25 : i32
    %scan3A_169 = arith.addi %scan3A_167, %scan3A_168 : i32
    %scan3A_170 = arith.constant 1 : i32
    scf.for %scan3A_272 = %scan3A_167 to %scan3A_169 step %scan3A_170  : i32 {
      %dma_wait3A_273 = arith.constant 0 : i32
      %dma_wait3A_274 = tpu.memref_slice %arg7[%scan3A_272, %dma_wait3A_273] : memref<200x128xf32, #tpu.memory_space<vmem>> -> memref<1x128xf32, #tpu.memory_space<vmem>>
      %dma_wait3A_275 = tpu.memref_squeeze %dma_wait3A_274 : memref<1x128xf32, #tpu.memory_space<vmem>> -> memref<128xf32, #tpu.memory_space<vmem>>
      %dma_wait3A_276 = arith.constant 0 : i32
      %dma_wait3A_277 = tpu.memref_slice %arg6[%scan3A_272, %dma_wait3A_276] : memref<200x128xi32, #tpu.memory_space<vmem>> -> memref<1x128xi32, #tpu.memory_space<vmem>>
      %dma_wait3A_278 = tpu.memref_squeeze %dma_wait3A_277 : memref<1x128xi32, #tpu.memory_space<vmem>> -> memref<128xi32, #tpu.memory_space<vmem>>
      %dma_wait3A_279 = arith.constant 0 : i32
      %dma_wait3A_280 = tpu.memref_slice %arg9[%dma_wait3A_279] : memref<1048576xf32, #tpu.memory_space<vmem_shared>> -> memref<1048576xf32, #tpu.memory_space<vmem_shared>>
      tpu.wait_indirect_dma semaphore(%arg13 : memref<!tpu.dma_semaphore, #tpu.memory_space<semaphore_mem>>) src(%dma_wait3A_275 : memref<128xf32, #tpu.memory_space<vmem>>) dst(%dma_wait3A_280 : memref<1048576xf32, #tpu.memory_space<vmem_shared>>)
    }
    %scan3A_171 = arith.constant 25 : i32
    %scan3A_172 = arith.constant 0 : i32
    %scan3A_173 = arith.constant 75 : i32
    %scan3A_174 = arith.constant 25 : i32
    %scan3A_175 = arith.addi %scan3A_173, %scan3A_174 : i32
    %scan3A_176 = arith.constant 1 : i32
    scf.for %scan3A_272 = %scan3A_173 to %scan3A_175 step %scan3A_176  : i32 {
      %dma_start3A_273 = arith.constant 0 : i32
      %dma_start3A_274 = tpu.memref_slice %arg7[%scan3A_272, %dma_start3A_273] : memref<200x128xf32, #tpu.memory_space<vmem>> -> memref<1x128xf32, #tpu.memory_space<vmem>>
      %dma_start3A_275 = tpu.memref_squeeze %dma_start3A_274 : memref<1x128xf32, #tpu.memory_space<vmem>> -> memref<128xf32, #tpu.memory_space<vmem>>
      %dma_start3A_276 = arith.constant 0 : i32
      %dma_start3A_277 = tpu.memref_slice %arg6[%scan3A_272, %dma_start3A_276] : memref<200x128xi32, #tpu.memory_space<vmem>> -> memref<1x128xi32, #tpu.memory_space<vmem>>
      %dma_start3A_278 = tpu.memref_squeeze %dma_start3A_277 : memref<1x128xi32, #tpu.memory_space<vmem>> -> memref<128xi32, #tpu.memory_space<vmem>>
      %dma_start3A_279 = arith.constant 0 : i32
      %dma_start3A_280 = tpu.memref_slice %arg9[%dma_start3A_279] : memref<1048576xf32, #tpu.memory_space<vmem_shared>> -> memref<1048576xf32, #tpu.memory_space<vmem_shared>>
      tpu.enqueue_indirect_dma source(%dma_start3A_275 : memref<128xf32, #tpu.memory_space<vmem>>) target(%dma_start3A_280 : memref<1048576xf32, #tpu.memory_space<vmem_shared>>) offsets(%dma_start3A_278 : memref<128xi32, #tpu.memory_space<vmem>>) semaphore(%arg13 : memref<!tpu.dma_semaphore, #tpu.memory_space<semaphore_mem>>) {add = true}
    }
    %scan3A_177 = arith.constant 25 : i32
    %broadcast_in_dim3A_178 = arith.constant 0.000000e+00 : f32
    %broadcast_in_dim3A_179 = vector.broadcast %broadcast_in_dim3A_178 : f32 to vector<16xf32>
    %scan3A_180 = arith.constant 0 : i32
    %scan3A_181 = arith.constant 50 : i32
    %scan3A_182 = arith.addi %scan3A_180, %scan3A_181 : i32
    %scan3A_183 = arith.constant 1 : i32
    %scan3A_184 = scf.for %scan3A_272 = %scan3A_180 to %scan3A_182 step %scan3A_183 iter_args(%scan3A_273 = %broadcast_in_dim3A_179) -> (vector<16xf32>)  : i32 {
      %mul3A_274 = arith.constant 4 : i32
      %mul3A_275 = arith.muli %scan3A_272, %mul3A_274 : i32
      %add3A_276 = arith.constant 12800 : i32
      %add3A_277 = arith.addi %add3A_276, %mul3A_275 : i32
      %add3A_278 = arith.constant 0 : i32
      %add3A_279 = arith.addi %add3A_277, %add3A_278 : i32
      %add3A_280 = vector.broadcast %add3A_279 : i32 to vector<16xi32>
      %add3A_281 = arith.addi %mul3A_79, %add3A_280 : vector<16xi32>
      %shift_right_logical3A = arith.constant 7 : i32
      %shift_right_logical3A_282 = vector.broadcast %shift_right_logical3A : i32 to vector<16xi32>
      %shift_right_logical3A_283 = arith.shrui %add3A_281, %shift_right_logical3A_282 : vector<16xi32>
      %and3A = arith.constant 127 : i32
      %and3A_284 = vector.broadcast %and3A : i32 to vector<16xi32>
      %and3A_285 = arith.andi %add3A_281, %and3A_284 : vector<16xi32>
      %gather3A = tpu.vector_load_idx %arg7[%shift_right_logical3A_283, %and3A_285] : memref<200x128xf32, #tpu.memory_space<vmem>>[vector<16xi32>, vector<16xi32>], vector<16xf32>,
      %mul3A_286 = arith.constant 0.818730711 : f32
      %mul3A_287 = vector.broadcast %mul3A_286 : f32 to vector<16xf32>
      %mul3A_288 = arith.mulf %scan3A_273, %mul3A_287 : vector<16xf32>
      %add3A_289 = arith.addf %mul3A_288, %gather3A : vector<16xf32>
      %mul3A_290 = arith.constant 0.00999999977 : f32
      %mul3A_291 = vector.broadcast %mul3A_290 : f32 to vector<16xf32>
      %mul3A_292 = arith.mulf %mul3A_291, %add3A_289 : vector<16xf32>
      %mul3A_293 = arith.mulf %mul3A_292, %gather3A : vector<16xf32>
      tpu.vector_store_idx %arg7[%shift_right_logical3A_283, %and3A_285], %mul3A_293 : memref<200x128xf32, #tpu.memory_space<vmem>>[vector<16xi32>, vector<16xi32>], vector<16xf32>,
      %add3A_294 = arith.constant 12800 : i32
      %add3A_295 = arith.addi %add3A_294, %mul3A_275 : i32
      %add3A_296 = arith.constant 1 : i32
      %add3A_297 = arith.addi %add3A_295, %add3A_296 : i32
      %add3A_298 = vector.broadcast %add3A_297 : i32 to vector<16xi32>
      %add3A_299 = arith.addi %mul3A_79, %add3A_298 : vector<16xi32>
      %shift_right_logical3A_300 = arith.constant 7 : i32
      %shift_right_logical3A_301 = vector.broadcast %shift_right_logical3A_300 : i32 to vector<16xi32>
      %shift_right_logical3A_302 = arith.shrui %add3A_299, %shift_right_logical3A_301 : vector<16xi32>
      %and3A_303 = arith.constant 127 : i32
      %and3A_304 = vector.broadcast %and3A_303 : i32 to vector<16xi32>
      %and3A_305 = arith.andi %add3A_299, %and3A_304 : vector<16xi32>
      %gather3A_306 = tpu.vector_load_idx %arg7[%shift_right_logical3A_302, %and3A_305] : memref<200x128xf32, #tpu.memory_space<vmem>>[vector<16xi32>, vector<16xi32>], vector<16xf32>,
      %mul3A_307 = arith.constant 0.818730711 : f32
      %mul3A_308 = vector.broadcast %mul3A_307 : f32 to vector<16xf32>
      %mul3A_309 = arith.mulf %add3A_289, %mul3A_308 : vector<16xf32>
      %add3A_310 = arith.addf %mul3A_309, %gather3A_306 : vector<16xf32>
      %mul3A_311 = arith.constant 0.00999999977 : f32
      %mul3A_312 = vector.broadcast %mul3A_311 : f32 to vector<16xf32>
      %mul3A_313 = arith.mulf %mul3A_312, %add3A_310 : vector<16xf32>
      %mul3A_314 = arith.mulf %mul3A_313, %gather3A_306 : vector<16xf32>
      tpu.vector_store_idx %arg7[%shift_right_logical3A_302, %and3A_305], %mul3A_314 : memref<200x128xf32, #tpu.memory_space<vmem>>[vector<16xi32>, vector<16xi32>], vector<16xf32>,
      %add3A_315 = arith.constant 12800 : i32
      %add3A_316 = arith.addi %add3A_315, %mul3A_275 : i32
      %add3A_317 = arith.constant 2 : i32
      %add3A_318 = arith.addi %add3A_316, %add3A_317 : i32
      %add3A_319 = vector.broadcast %add3A_318 : i32 to vector<16xi32>
      %add3A_320 = arith.addi %mul3A_79, %add3A_319 : vector<16xi32>
      %shift_right_logical3A_321 = arith.constant 7 : i32
      %shift_right_logical3A_322 = vector.broadcast %shift_right_logical3A_321 : i32 to vector<16xi32>
      %shift_right_logical3A_323 = arith.shrui %add3A_320, %shift_right_logical3A_322 : vector<16xi32>
      %and3A_324 = arith.constant 127 : i32
      %and3A_325 = vector.broadcast %and3A_324 : i32 to vector<16xi32>
      %and3A_326 = arith.andi %add3A_320, %and3A_325 : vector<16xi32>
      %gather3A_327 = tpu.vector_load_idx %arg7[%shift_right_logical3A_323, %and3A_326] : memref<200x128xf32, #tpu.memory_space<vmem>>[vector<16xi32>, vector<16xi32>], vector<16xf32>,
      %mul3A_328 = arith.constant 0.818730711 : f32
      %mul3A_329 = vector.broadcast %mul3A_328 : f32 to vector<16xf32>
      %mul3A_330 = arith.mulf %add3A_310, %mul3A_329 : vector<16xf32>
      %add3A_331 = arith.addf %mul3A_330, %gather3A_327 : vector<16xf32>
      %mul3A_332 = arith.constant 0.00999999977 : f32
      %mul3A_333 = vector.broadcast %mul3A_332 : f32 to vector<16xf32>
      %mul3A_334 = arith.mulf %mul3A_333, %add3A_331 : vector<16xf32>
      %mul3A_335 = arith.mulf %mul3A_334, %gather3A_327 : vector<16xf32>
      tpu.vector_store_idx %arg7[%shift_right_logical3A_323, %and3A_326], %mul3A_335 : memref<200x128xf32, #tpu.memory_space<vmem>>[vector<16xi32>, vector<16xi32>], vector<16xf32>,
      %add3A_336 = arith.constant 12800 : i32
      %add3A_337 = arith.addi %add3A_336, %mul3A_275 : i32
      %add3A_338 = arith.constant 3 : i32
      %add3A_339 = arith.addi %add3A_337, %add3A_338 : i32
      %add3A_340 = vector.broadcast %add3A_339 : i32 to vector<16xi32>
      %add3A_341 = arith.addi %mul3A_79, %add3A_340 : vector<16xi32>
      %shift_right_logical3A_342 = arith.constant 7 : i32
      %shift_right_logical3A_343 = vector.broadcast %shift_right_logical3A_342 : i32 to vector<16xi32>
      %shift_right_logical3A_344 = arith.shrui %add3A_341, %shift_right_logical3A_343 : vector<16xi32>
      %and3A_345 = arith.constant 127 : i32
      %and3A_346 = vector.broadcast %and3A_345 : i32 to vector<16xi32>
      %and3A_347 = arith.andi %add3A_341, %and3A_346 : vector<16xi32>
      %gather3A_348 = tpu.vector_load_idx %arg7[%shift_right_logical3A_344, %and3A_347] : memref<200x128xf32, #tpu.memory_space<vmem>>[vector<16xi32>, vector<16xi32>], vector<16xf32>,
      %mul3A_349 = arith.constant 0.818730711 : f32
      %mul3A_350 = vector.broadcast %mul3A_349 : f32 to vector<16xf32>
      %mul3A_351 = arith.mulf %add3A_331, %mul3A_350 : vector<16xf32>
      %add3A_352 = arith.addf %mul3A_351, %gather3A_348 : vector<16xf32>
      %mul3A_353 = arith.constant 0.00999999977 : f32
      %mul3A_354 = vector.broadcast %mul3A_353 : f32 to vector<16xf32>
      %mul3A_355 = arith.mulf %mul3A_354, %add3A_352 : vector<16xf32>
      %mul3A_356 = arith.mulf %mul3A_355, %gather3A_348 : vector<16xf32>
      tpu.vector_store_idx %arg7[%shift_right_logical3A_344, %and3A_347], %mul3A_356 : memref<200x128xf32, #tpu.memory_space<vmem>>[vector<16xi32>, vector<16xi32>], vector<16xf32>,
      scf.yield %add3A_352 : vector<16xf32>
    }
    %scan3A_185 = arith.constant 50 : i32
    %scan3A_186 = arith.constant 0 : i32
    %scan3A_187 = arith.constant 75 : i32
    %scan3A_188 = arith.constant 25 : i32
    %scan3A_189 = arith.addi %scan3A_187, %scan3A_188 : i32
    %scan3A_190 = arith.constant 1 : i32
    scf.for %scan3A_272 = %scan3A_187 to %scan3A_189 step %scan3A_190  : i32 {
      %dma_wait3A_273 = arith.constant 0 : i32
      %dma_wait3A_274 = tpu.memref_slice %arg7[%scan3A_272, %dma_wait3A_273] : memref<200x128xf32, #tpu.memory_space<vmem>> -> memref<1x128xf32, #tpu.memory_space<vmem>>
      %dma_wait3A_275 = tpu.memref_squeeze %dma_wait3A_274 : memref<1x128xf32, #tpu.memory_space<vmem>> -> memref<128xf32, #tpu.memory_space<vmem>>
      %dma_wait3A_276 = arith.constant 0 : i32
      %dma_wait3A_277 = tpu.memref_slice %arg6[%scan3A_272, %dma_wait3A_276] : memref<200x128xi32, #tpu.memory_space<vmem>> -> memref<1x128xi32, #tpu.memory_space<vmem>>
      %dma_wait3A_278 = tpu.memref_squeeze %dma_wait3A_277 : memref<1x128xi32, #tpu.memory_space<vmem>> -> memref<128xi32, #tpu.memory_space<vmem>>
      %dma_wait3A_279 = arith.constant 0 : i32
      %dma_wait3A_280 = tpu.memref_slice %arg9[%dma_wait3A_279] : memref<1048576xf32, #tpu.memory_space<vmem_shared>> -> memref<1048576xf32, #tpu.memory_space<vmem_shared>>
      tpu.wait_indirect_dma semaphore(%arg13 : memref<!tpu.dma_semaphore, #tpu.memory_space<semaphore_mem>>) src(%dma_wait3A_275 : memref<128xf32, #tpu.memory_space<vmem>>) dst(%dma_wait3A_280 : memref<1048576xf32, #tpu.memory_space<vmem_shared>>)
    }
    %scan3A_191 = arith.constant 25 : i32
    %scan3A_192 = arith.constant 0 : i32
    %scan3A_193 = arith.constant 100 : i32
    %scan3A_194 = arith.constant 25 : i32
    %scan3A_195 = arith.addi %scan3A_193, %scan3A_194 : i32
    %scan3A_196 = arith.constant 1 : i32
    scf.for %scan3A_272 = %scan3A_193 to %scan3A_195 step %scan3A_196  : i32 {
      %dma_start3A_273 = arith.constant 0 : i32
      %dma_start3A_274 = tpu.memref_slice %arg7[%scan3A_272, %dma_start3A_273] : memref<200x128xf32, #tpu.memory_space<vmem>> -> memref<1x128xf32, #tpu.memory_space<vmem>>
      %dma_start3A_275 = tpu.memref_squeeze %dma_start3A_274 : memref<1x128xf32, #tpu.memory_space<vmem>> -> memref<128xf32, #tpu.memory_space<vmem>>
      %dma_start3A_276 = arith.constant 0 : i32
      %dma_start3A_277 = tpu.memref_slice %arg6[%scan3A_272, %dma_start3A_276] : memref<200x128xi32, #tpu.memory_space<vmem>> -> memref<1x128xi32, #tpu.memory_space<vmem>>
      %dma_start3A_278 = tpu.memref_squeeze %dma_start3A_277 : memref<1x128xi32, #tpu.memory_space<vmem>> -> memref<128xi32, #tpu.memory_space<vmem>>
      %dma_start3A_279 = arith.constant 0 : i32
      %dma_start3A_280 = tpu.memref_slice %arg9[%dma_start3A_279] : memref<1048576xf32, #tpu.memory_space<vmem_shared>> -> memref<1048576xf32, #tpu.memory_space<vmem_shared>>
      tpu.enqueue_indirect_dma source(%dma_start3A_275 : memref<128xf32, #tpu.memory_space<vmem>>) target(%dma_start3A_280 : memref<1048576xf32, #tpu.memory_space<vmem_shared>>) offsets(%dma_start3A_278 : memref<128xi32, #tpu.memory_space<vmem>>) semaphore(%arg13 : memref<!tpu.dma_semaphore, #tpu.memory_space<semaphore_mem>>) {add = true}
    }
    %scan3A_197 = arith.constant 25 : i32
    %broadcast_in_dim3A_198 = arith.constant 0.000000e+00 : f32
    %broadcast_in_dim3A_199 = vector.broadcast %broadcast_in_dim3A_198 : f32 to vector<16xf32>
    %scan3A_200 = arith.constant 0 : i32
    %scan3A_201 = arith.constant 50 : i32
    %scan3A_202 = arith.addi %scan3A_200, %scan3A_201 : i32
    %scan3A_203 = arith.constant 1 : i32
    %scan3A_204 = scf.for %scan3A_272 = %scan3A_200 to %scan3A_202 step %scan3A_203 iter_args(%scan3A_273 = %broadcast_in_dim3A_199) -> (vector<16xf32>)  : i32 {
      %mul3A_274 = arith.constant 4 : i32
      %mul3A_275 = arith.muli %scan3A_272, %mul3A_274 : i32
      %add3A_276 = arith.constant 16000 : i32
      %add3A_277 = arith.addi %add3A_276, %mul3A_275 : i32
      %add3A_278 = arith.constant 0 : i32
      %add3A_279 = arith.addi %add3A_277, %add3A_278 : i32
      %add3A_280 = vector.broadcast %add3A_279 : i32 to vector<16xi32>
      %add3A_281 = arith.addi %mul3A_79, %add3A_280 : vector<16xi32>
      %shift_right_logical3A = arith.constant 7 : i32
      %shift_right_logical3A_282 = vector.broadcast %shift_right_logical3A : i32 to vector<16xi32>
      %shift_right_logical3A_283 = arith.shrui %add3A_281, %shift_right_logical3A_282 : vector<16xi32>
      %and3A = arith.constant 127 : i32
      %and3A_284 = vector.broadcast %and3A : i32 to vector<16xi32>
      %and3A_285 = arith.andi %add3A_281, %and3A_284 : vector<16xi32>
      %gather3A = tpu.vector_load_idx %arg7[%shift_right_logical3A_283, %and3A_285] : memref<200x128xf32, #tpu.memory_space<vmem>>[vector<16xi32>, vector<16xi32>], vector<16xf32>,
      %mul3A_286 = arith.constant 0.818730711 : f32
      %mul3A_287 = vector.broadcast %mul3A_286 : f32 to vector<16xf32>
      %mul3A_288 = arith.mulf %scan3A_273, %mul3A_287 : vector<16xf32>
      %add3A_289 = arith.addf %mul3A_288, %gather3A : vector<16xf32>
      %mul3A_290 = arith.constant 0.00999999977 : f32
      %mul3A_291 = vector.broadcast %mul3A_290 : f32 to vector<16xf32>
      %mul3A_292 = arith.mulf %mul3A_291, %add3A_289 : vector<16xf32>
      %mul3A_293 = arith.mulf %mul3A_292, %gather3A : vector<16xf32>
      tpu.vector_store_idx %arg7[%shift_right_logical3A_283, %and3A_285], %mul3A_293 : memref<200x128xf32, #tpu.memory_space<vmem>>[vector<16xi32>, vector<16xi32>], vector<16xf32>,
      %add3A_294 = arith.constant 16000 : i32
      %add3A_295 = arith.addi %add3A_294, %mul3A_275 : i32
      %add3A_296 = arith.constant 1 : i32
      %add3A_297 = arith.addi %add3A_295, %add3A_296 : i32
      %add3A_298 = vector.broadcast %add3A_297 : i32 to vector<16xi32>
      %add3A_299 = arith.addi %mul3A_79, %add3A_298 : vector<16xi32>
      %shift_right_logical3A_300 = arith.constant 7 : i32
      %shift_right_logical3A_301 = vector.broadcast %shift_right_logical3A_300 : i32 to vector<16xi32>
      %shift_right_logical3A_302 = arith.shrui %add3A_299, %shift_right_logical3A_301 : vector<16xi32>
      %and3A_303 = arith.constant 127 : i32
      %and3A_304 = vector.broadcast %and3A_303 : i32 to vector<16xi32>
      %and3A_305 = arith.andi %add3A_299, %and3A_304 : vector<16xi32>
      %gather3A_306 = tpu.vector_load_idx %arg7[%shift_right_logical3A_302, %and3A_305] : memref<200x128xf32, #tpu.memory_space<vmem>>[vector<16xi32>, vector<16xi32>], vector<16xf32>,
      %mul3A_307 = arith.constant 0.818730711 : f32
      %mul3A_308 = vector.broadcast %mul3A_307 : f32 to vector<16xf32>
      %mul3A_309 = arith.mulf %add3A_289, %mul3A_308 : vector<16xf32>
      %add3A_310 = arith.addf %mul3A_309, %gather3A_306 : vector<16xf32>
      %mul3A_311 = arith.constant 0.00999999977 : f32
      %mul3A_312 = vector.broadcast %mul3A_311 : f32 to vector<16xf32>
      %mul3A_313 = arith.mulf %mul3A_312, %add3A_310 : vector<16xf32>
      %mul3A_314 = arith.mulf %mul3A_313, %gather3A_306 : vector<16xf32>
      tpu.vector_store_idx %arg7[%shift_right_logical3A_302, %and3A_305], %mul3A_314 : memref<200x128xf32, #tpu.memory_space<vmem>>[vector<16xi32>, vector<16xi32>], vector<16xf32>,
      %add3A_315 = arith.constant 16000 : i32
      %add3A_316 = arith.addi %add3A_315, %mul3A_275 : i32
      %add3A_317 = arith.constant 2 : i32
      %add3A_318 = arith.addi %add3A_316, %add3A_317 : i32
      %add3A_319 = vector.broadcast %add3A_318 : i32 to vector<16xi32>
      %add3A_320 = arith.addi %mul3A_79, %add3A_319 : vector<16xi32>
      %shift_right_logical3A_321 = arith.constant 7 : i32
      %shift_right_logical3A_322 = vector.broadcast %shift_right_logical3A_321 : i32 to vector<16xi32>
      %shift_right_logical3A_323 = arith.shrui %add3A_320, %shift_right_logical3A_322 : vector<16xi32>
      %and3A_324 = arith.constant 127 : i32
      %and3A_325 = vector.broadcast %and3A_324 : i32 to vector<16xi32>
      %and3A_326 = arith.andi %add3A_320, %and3A_325 : vector<16xi32>
      %gather3A_327 = tpu.vector_load_idx %arg7[%shift_right_logical3A_323, %and3A_326] : memref<200x128xf32, #tpu.memory_space<vmem>>[vector<16xi32>, vector<16xi32>], vector<16xf32>,
      %mul3A_328 = arith.constant 0.818730711 : f32
      %mul3A_329 = vector.broadcast %mul3A_328 : f32 to vector<16xf32>
      %mul3A_330 = arith.mulf %add3A_310, %mul3A_329 : vector<16xf32>
      %add3A_331 = arith.addf %mul3A_330, %gather3A_327 : vector<16xf32>
      %mul3A_332 = arith.constant 0.00999999977 : f32
      %mul3A_333 = vector.broadcast %mul3A_332 : f32 to vector<16xf32>
      %mul3A_334 = arith.mulf %mul3A_333, %add3A_331 : vector<16xf32>
      %mul3A_335 = arith.mulf %mul3A_334, %gather3A_327 : vector<16xf32>
      tpu.vector_store_idx %arg7[%shift_right_logical3A_323, %and3A_326], %mul3A_335 : memref<200x128xf32, #tpu.memory_space<vmem>>[vector<16xi32>, vector<16xi32>], vector<16xf32>,
      %add3A_336 = arith.constant 16000 : i32
      %add3A_337 = arith.addi %add3A_336, %mul3A_275 : i32
      %add3A_338 = arith.constant 3 : i32
      %add3A_339 = arith.addi %add3A_337, %add3A_338 : i32
      %add3A_340 = vector.broadcast %add3A_339 : i32 to vector<16xi32>
      %add3A_341 = arith.addi %mul3A_79, %add3A_340 : vector<16xi32>
      %shift_right_logical3A_342 = arith.constant 7 : i32
      %shift_right_logical3A_343 = vector.broadcast %shift_right_logical3A_342 : i32 to vector<16xi32>
      %shift_right_logical3A_344 = arith.shrui %add3A_341, %shift_right_logical3A_343 : vector<16xi32>
      %and3A_345 = arith.constant 127 : i32
      %and3A_346 = vector.broadcast %and3A_345 : i32 to vector<16xi32>
      %and3A_347 = arith.andi %add3A_341, %and3A_346 : vector<16xi32>
      %gather3A_348 = tpu.vector_load_idx %arg7[%shift_right_logical3A_344, %and3A_347] : memref<200x128xf32, #tpu.memory_space<vmem>>[vector<16xi32>, vector<16xi32>], vector<16xf32>,
      %mul3A_349 = arith.constant 0.818730711 : f32
      %mul3A_350 = vector.broadcast %mul3A_349 : f32 to vector<16xf32>
      %mul3A_351 = arith.mulf %add3A_331, %mul3A_350 : vector<16xf32>
      %add3A_352 = arith.addf %mul3A_351, %gather3A_348 : vector<16xf32>
      %mul3A_353 = arith.constant 0.00999999977 : f32
      %mul3A_354 = vector.broadcast %mul3A_353 : f32 to vector<16xf32>
      %mul3A_355 = arith.mulf %mul3A_354, %add3A_352 : vector<16xf32>
      %mul3A_356 = arith.mulf %mul3A_355, %gather3A_348 : vector<16xf32>
      tpu.vector_store_idx %arg7[%shift_right_logical3A_344, %and3A_347], %mul3A_356 : memref<200x128xf32, #tpu.memory_space<vmem>>[vector<16xi32>, vector<16xi32>], vector<16xf32>,
      scf.yield %add3A_352 : vector<16xf32>
    }
    %scan3A_205 = arith.constant 50 : i32
    %scan3A_206 = arith.constant 0 : i32
    %scan3A_207 = arith.constant 100 : i32
    %scan3A_208 = arith.constant 25 : i32
    %scan3A_209 = arith.addi %scan3A_207, %scan3A_208 : i32
    %scan3A_210 = arith.constant 1 : i32
    scf.for %scan3A_272 = %scan3A_207 to %scan3A_209 step %scan3A_210  : i32 {
      %dma_wait3A_273 = arith.constant 0 : i32
      %dma_wait3A_274 = tpu.memref_slice %arg7[%scan3A_272, %dma_wait3A_273] : memref<200x128xf32, #tpu.memory_space<vmem>> -> memref<1x128xf32, #tpu.memory_space<vmem>>
      %dma_wait3A_275 = tpu.memref_squeeze %dma_wait3A_274 : memref<1x128xf32, #tpu.memory_space<vmem>> -> memref<128xf32, #tpu.memory_space<vmem>>
      %dma_wait3A_276 = arith.constant 0 : i32
      %dma_wait3A_277 = tpu.memref_slice %arg6[%scan3A_272, %dma_wait3A_276] : memref<200x128xi32, #tpu.memory_space<vmem>> -> memref<1x128xi32, #tpu.memory_space<vmem>>
      %dma_wait3A_278 = tpu.memref_squeeze %dma_wait3A_277 : memref<1x128xi32, #tpu.memory_space<vmem>> -> memref<128xi32, #tpu.memory_space<vmem>>
      %dma_wait3A_279 = arith.constant 0 : i32
      %dma_wait3A_280 = tpu.memref_slice %arg9[%dma_wait3A_279] : memref<1048576xf32, #tpu.memory_space<vmem_shared>> -> memref<1048576xf32, #tpu.memory_space<vmem_shared>>
      tpu.wait_indirect_dma semaphore(%arg13 : memref<!tpu.dma_semaphore, #tpu.memory_space<semaphore_mem>>) src(%dma_wait3A_275 : memref<128xf32, #tpu.memory_space<vmem>>) dst(%dma_wait3A_280 : memref<1048576xf32, #tpu.memory_space<vmem_shared>>)
    }
    %scan3A_211 = arith.constant 25 : i32
    %scan3A_212 = arith.constant 0 : i32
    %scan3A_213 = arith.constant 125 : i32
    %scan3A_214 = arith.constant 25 : i32
    %scan3A_215 = arith.addi %scan3A_213, %scan3A_214 : i32
    %scan3A_216 = arith.constant 1 : i32
    scf.for %scan3A_272 = %scan3A_213 to %scan3A_215 step %scan3A_216  : i32 {
      %dma_start3A_273 = arith.constant 0 : i32
      %dma_start3A_274 = tpu.memref_slice %arg7[%scan3A_272, %dma_start3A_273] : memref<200x128xf32, #tpu.memory_space<vmem>> -> memref<1x128xf32, #tpu.memory_space<vmem>>
      %dma_start3A_275 = tpu.memref_squeeze %dma_start3A_274 : memref<1x128xf32, #tpu.memory_space<vmem>> -> memref<128xf32, #tpu.memory_space<vmem>>
      %dma_start3A_276 = arith.constant 0 : i32
      %dma_start3A_277 = tpu.memref_slice %arg6[%scan3A_272, %dma_start3A_276] : memref<200x128xi32, #tpu.memory_space<vmem>> -> memref<1x128xi32, #tpu.memory_space<vmem>>
      %dma_start3A_278 = tpu.memref_squeeze %dma_start3A_277 : memref<1x128xi32, #tpu.memory_space<vmem>> -> memref<128xi32, #tpu.memory_space<vmem>>
      %dma_start3A_279 = arith.constant 0 : i32
      %dma_start3A_280 = tpu.memref_slice %arg9[%dma_start3A_279] : memref<1048576xf32, #tpu.memory_space<vmem_shared>> -> memref<1048576xf32, #tpu.memory_space<vmem_shared>>
      tpu.enqueue_indirect_dma source(%dma_start3A_275 : memref<128xf32, #tpu.memory_space<vmem>>) target(%dma_start3A_280 : memref<1048576xf32, #tpu.memory_space<vmem_shared>>) offsets(%dma_start3A_278 : memref<128xi32, #tpu.memory_space<vmem>>) semaphore(%arg13 : memref<!tpu.dma_semaphore, #tpu.memory_space<semaphore_mem>>) {add = true}
    }
    %scan3A_217 = arith.constant 25 : i32
    %broadcast_in_dim3A_218 = arith.constant 0.000000e+00 : f32
    %broadcast_in_dim3A_219 = vector.broadcast %broadcast_in_dim3A_218 : f32 to vector<16xf32>
    %scan3A_220 = arith.constant 0 : i32
    %scan3A_221 = arith.constant 50 : i32
    %scan3A_222 = arith.addi %scan3A_220, %scan3A_221 : i32
    %scan3A_223 = arith.constant 1 : i32
    %scan3A_224 = scf.for %scan3A_272 = %scan3A_220 to %scan3A_222 step %scan3A_223 iter_args(%scan3A_273 = %broadcast_in_dim3A_219) -> (vector<16xf32>)  : i32 {
      %mul3A_274 = arith.constant 4 : i32
      %mul3A_275 = arith.muli %scan3A_272, %mul3A_274 : i32
      %add3A_276 = arith.constant 19200 : i32
      %add3A_277 = arith.addi %add3A_276, %mul3A_275 : i32
      %add3A_278 = arith.constant 0 : i32
      %add3A_279 = arith.addi %add3A_277, %add3A_278 : i32
      %add3A_280 = vector.broadcast %add3A_279 : i32 to vector<16xi32>
      %add3A_281 = arith.addi %mul3A_79, %add3A_280 : vector<16xi32>
      %shift_right_logical3A = arith.constant 7 : i32
      %shift_right_logical3A_282 = vector.broadcast %shift_right_logical3A : i32 to vector<16xi32>
      %shift_right_logical3A_283 = arith.shrui %add3A_281, %shift_right_logical3A_282 : vector<16xi32>
      %and3A = arith.constant 127 : i32
      %and3A_284 = vector.broadcast %and3A : i32 to vector<16xi32>
      %and3A_285 = arith.andi %add3A_281, %and3A_284 : vector<16xi32>
      %gather3A = tpu.vector_load_idx %arg7[%shift_right_logical3A_283, %and3A_285] : memref<200x128xf32, #tpu.memory_space<vmem>>[vector<16xi32>, vector<16xi32>], vector<16xf32>,
      %mul3A_286 = arith.constant 0.818730711 : f32
      %mul3A_287 = vector.broadcast %mul3A_286 : f32 to vector<16xf32>
      %mul3A_288 = arith.mulf %scan3A_273, %mul3A_287 : vector<16xf32>
      %add3A_289 = arith.addf %mul3A_288, %gather3A : vector<16xf32>
      %mul3A_290 = arith.constant 0.00999999977 : f32
      %mul3A_291 = vector.broadcast %mul3A_290 : f32 to vector<16xf32>
      %mul3A_292 = arith.mulf %mul3A_291, %add3A_289 : vector<16xf32>
      %mul3A_293 = arith.mulf %mul3A_292, %gather3A : vector<16xf32>
      tpu.vector_store_idx %arg7[%shift_right_logical3A_283, %and3A_285], %mul3A_293 : memref<200x128xf32, #tpu.memory_space<vmem>>[vector<16xi32>, vector<16xi32>], vector<16xf32>,
      %add3A_294 = arith.constant 19200 : i32
      %add3A_295 = arith.addi %add3A_294, %mul3A_275 : i32
      %add3A_296 = arith.constant 1 : i32
      %add3A_297 = arith.addi %add3A_295, %add3A_296 : i32
      %add3A_298 = vector.broadcast %add3A_297 : i32 to vector<16xi32>
      %add3A_299 = arith.addi %mul3A_79, %add3A_298 : vector<16xi32>
      %shift_right_logical3A_300 = arith.constant 7 : i32
      %shift_right_logical3A_301 = vector.broadcast %shift_right_logical3A_300 : i32 to vector<16xi32>
      %shift_right_logical3A_302 = arith.shrui %add3A_299, %shift_right_logical3A_301 : vector<16xi32>
      %and3A_303 = arith.constant 127 : i32
      %and3A_304 = vector.broadcast %and3A_303 : i32 to vector<16xi32>
      %and3A_305 = arith.andi %add3A_299, %and3A_304 : vector<16xi32>
      %gather3A_306 = tpu.vector_load_idx %arg7[%shift_right_logical3A_302, %and3A_305] : memref<200x128xf32, #tpu.memory_space<vmem>>[vector<16xi32>, vector<16xi32>], vector<16xf32>,
      %mul3A_307 = arith.constant 0.818730711 : f32
      %mul3A_308 = vector.broadcast %mul3A_307 : f32 to vector<16xf32>
      %mul3A_309 = arith.mulf %add3A_289, %mul3A_308 : vector<16xf32>
      %add3A_310 = arith.addf %mul3A_309, %gather3A_306 : vector<16xf32>
      %mul3A_311 = arith.constant 0.00999999977 : f32
      %mul3A_312 = vector.broadcast %mul3A_311 : f32 to vector<16xf32>
      %mul3A_313 = arith.mulf %mul3A_312, %add3A_310 : vector<16xf32>
      %mul3A_314 = arith.mulf %mul3A_313, %gather3A_306 : vector<16xf32>
      tpu.vector_store_idx %arg7[%shift_right_logical3A_302, %and3A_305], %mul3A_314 : memref<200x128xf32, #tpu.memory_space<vmem>>[vector<16xi32>, vector<16xi32>], vector<16xf32>,
      %add3A_315 = arith.constant 19200 : i32
      %add3A_316 = arith.addi %add3A_315, %mul3A_275 : i32
      %add3A_317 = arith.constant 2 : i32
      %add3A_318 = arith.addi %add3A_316, %add3A_317 : i32
      %add3A_319 = vector.broadcast %add3A_318 : i32 to vector<16xi32>
      %add3A_320 = arith.addi %mul3A_79, %add3A_319 : vector<16xi32>
      %shift_right_logical3A_321 = arith.constant 7 : i32
      %shift_right_logical3A_322 = vector.broadcast %shift_right_logical3A_321 : i32 to vector<16xi32>
      %shift_right_logical3A_323 = arith.shrui %add3A_320, %shift_right_logical3A_322 : vector<16xi32>
      %and3A_324 = arith.constant 127 : i32
      %and3A_325 = vector.broadcast %and3A_324 : i32 to vector<16xi32>
      %and3A_326 = arith.andi %add3A_320, %and3A_325 : vector<16xi32>
      %gather3A_327 = tpu.vector_load_idx %arg7[%shift_right_logical3A_323, %and3A_326] : memref<200x128xf32, #tpu.memory_space<vmem>>[vector<16xi32>, vector<16xi32>], vector<16xf32>,
      %mul3A_328 = arith.constant 0.818730711 : f32
      %mul3A_329 = vector.broadcast %mul3A_328 : f32 to vector<16xf32>
      %mul3A_330 = arith.mulf %add3A_310, %mul3A_329 : vector<16xf32>
      %add3A_331 = arith.addf %mul3A_330, %gather3A_327 : vector<16xf32>
      %mul3A_332 = arith.constant 0.00999999977 : f32
      %mul3A_333 = vector.broadcast %mul3A_332 : f32 to vector<16xf32>
      %mul3A_334 = arith.mulf %mul3A_333, %add3A_331 : vector<16xf32>
      %mul3A_335 = arith.mulf %mul3A_334, %gather3A_327 : vector<16xf32>
      tpu.vector_store_idx %arg7[%shift_right_logical3A_323, %and3A_326], %mul3A_335 : memref<200x128xf32, #tpu.memory_space<vmem>>[vector<16xi32>, vector<16xi32>], vector<16xf32>,
      %add3A_336 = arith.constant 19200 : i32
      %add3A_337 = arith.addi %add3A_336, %mul3A_275 : i32
      %add3A_338 = arith.constant 3 : i32
      %add3A_339 = arith.addi %add3A_337, %add3A_338 : i32
      %add3A_340 = vector.broadcast %add3A_339 : i32 to vector<16xi32>
      %add3A_341 = arith.addi %mul3A_79, %add3A_340 : vector<16xi32>
      %shift_right_logical3A_342 = arith.constant 7 : i32
      %shift_right_logical3A_343 = vector.broadcast %shift_right_logical3A_342 : i32 to vector<16xi32>
      %shift_right_logical3A_344 = arith.shrui %add3A_341, %shift_right_logical3A_343 : vector<16xi32>
      %and3A_345 = arith.constant 127 : i32
      %and3A_346 = vector.broadcast %and3A_345 : i32 to vector<16xi32>
      %and3A_347 = arith.andi %add3A_341, %and3A_346 : vector<16xi32>
      %gather3A_348 = tpu.vector_load_idx %arg7[%shift_right_logical3A_344, %and3A_347] : memref<200x128xf32, #tpu.memory_space<vmem>>[vector<16xi32>, vector<16xi32>], vector<16xf32>,
      %mul3A_349 = arith.constant 0.818730711 : f32
      %mul3A_350 = vector.broadcast %mul3A_349 : f32 to vector<16xf32>
      %mul3A_351 = arith.mulf %add3A_331, %mul3A_350 : vector<16xf32>
      %add3A_352 = arith.addf %mul3A_351, %gather3A_348 : vector<16xf32>
      %mul3A_353 = arith.constant 0.00999999977 : f32
      %mul3A_354 = vector.broadcast %mul3A_353 : f32 to vector<16xf32>
      %mul3A_355 = arith.mulf %mul3A_354, %add3A_352 : vector<16xf32>
      %mul3A_356 = arith.mulf %mul3A_355, %gather3A_348 : vector<16xf32>
      tpu.vector_store_idx %arg7[%shift_right_logical3A_344, %and3A_347], %mul3A_356 : memref<200x128xf32, #tpu.memory_space<vmem>>[vector<16xi32>, vector<16xi32>], vector<16xf32>,
      scf.yield %add3A_352 : vector<16xf32>
    }
    %scan3A_225 = arith.constant 50 : i32
    %scan3A_226 = arith.constant 0 : i32
    %scan3A_227 = arith.constant 125 : i32
    %scan3A_228 = arith.constant 25 : i32
    %scan3A_229 = arith.addi %scan3A_227, %scan3A_228 : i32
    %scan3A_230 = arith.constant 1 : i32
    scf.for %scan3A_272 = %scan3A_227 to %scan3A_229 step %scan3A_230  : i32 {
      %dma_wait3A_273 = arith.constant 0 : i32
      %dma_wait3A_274 = tpu.memref_slice %arg7[%scan3A_272, %dma_wait3A_273] : memref<200x128xf32, #tpu.memory_space<vmem>> -> memref<1x128xf32, #tpu.memory_space<vmem>>
      %dma_wait3A_275 = tpu.memref_squeeze %dma_wait3A_274 : memref<1x128xf32, #tpu.memory_space<vmem>> -> memref<128xf32, #tpu.memory_space<vmem>>
      %dma_wait3A_276 = arith.constant 0 : i32
      %dma_wait3A_277 = tpu.memref_slice %arg6[%scan3A_272, %dma_wait3A_276] : memref<200x128xi32, #tpu.memory_space<vmem>> -> memref<1x128xi32, #tpu.memory_space<vmem>>
      %dma_wait3A_278 = tpu.memref_squeeze %dma_wait3A_277 : memref<1x128xi32, #tpu.memory_space<vmem>> -> memref<128xi32, #tpu.memory_space<vmem>>
      %dma_wait3A_279 = arith.constant 0 : i32
      %dma_wait3A_280 = tpu.memref_slice %arg9[%dma_wait3A_279] : memref<1048576xf32, #tpu.memory_space<vmem_shared>> -> memref<1048576xf32, #tpu.memory_space<vmem_shared>>
      tpu.wait_indirect_dma semaphore(%arg13 : memref<!tpu.dma_semaphore, #tpu.memory_space<semaphore_mem>>) src(%dma_wait3A_275 : memref<128xf32, #tpu.memory_space<vmem>>) dst(%dma_wait3A_280 : memref<1048576xf32, #tpu.memory_space<vmem_shared>>)
    }
    %scan3A_231 = arith.constant 25 : i32
    %scan3A_232 = arith.constant 0 : i32
    %scan3A_233 = arith.constant 150 : i32
    %scan3A_234 = arith.constant 25 : i32
    %scan3A_235 = arith.addi %scan3A_233, %scan3A_234 : i32
    %scan3A_236 = arith.constant 1 : i32
    scf.for %scan3A_272 = %scan3A_233 to %scan3A_235 step %scan3A_236  : i32 {
      %dma_start3A_273 = arith.constant 0 : i32
      %dma_start3A_274 = tpu.memref_slice %arg7[%scan3A_272, %dma_start3A_273] : memref<200x128xf32, #tpu.memory_space<vmem>> -> memref<1x128xf32, #tpu.memory_space<vmem>>
      %dma_start3A_275 = tpu.memref_squeeze %dma_start3A_274 : memref<1x128xf32, #tpu.memory_space<vmem>> -> memref<128xf32, #tpu.memory_space<vmem>>
      %dma_start3A_276 = arith.constant 0 : i32
      %dma_start3A_277 = tpu.memref_slice %arg6[%scan3A_272, %dma_start3A_276] : memref<200x128xi32, #tpu.memory_space<vmem>> -> memref<1x128xi32, #tpu.memory_space<vmem>>
      %dma_start3A_278 = tpu.memref_squeeze %dma_start3A_277 : memref<1x128xi32, #tpu.memory_space<vmem>> -> memref<128xi32, #tpu.memory_space<vmem>>
      %dma_start3A_279 = arith.constant 0 : i32
      %dma_start3A_280 = tpu.memref_slice %arg9[%dma_start3A_279] : memref<1048576xf32, #tpu.memory_space<vmem_shared>> -> memref<1048576xf32, #tpu.memory_space<vmem_shared>>
      tpu.enqueue_indirect_dma source(%dma_start3A_275 : memref<128xf32, #tpu.memory_space<vmem>>) target(%dma_start3A_280 : memref<1048576xf32, #tpu.memory_space<vmem_shared>>) offsets(%dma_start3A_278 : memref<128xi32, #tpu.memory_space<vmem>>) semaphore(%arg13 : memref<!tpu.dma_semaphore, #tpu.memory_space<semaphore_mem>>) {add = true}
    }
    %scan3A_237 = arith.constant 25 : i32
    %broadcast_in_dim3A_238 = arith.constant 0.000000e+00 : f32
    %broadcast_in_dim3A_239 = vector.broadcast %broadcast_in_dim3A_238 : f32 to vector<16xf32>
    %scan3A_240 = arith.constant 0 : i32
    %scan3A_241 = arith.constant 50 : i32
    %scan3A_242 = arith.addi %scan3A_240, %scan3A_241 : i32
    %scan3A_243 = arith.constant 1 : i32
    %scan3A_244 = scf.for %scan3A_272 = %scan3A_240 to %scan3A_242 step %scan3A_243 iter_args(%scan3A_273 = %broadcast_in_dim3A_239) -> (vector<16xf32>)  : i32 {
      %mul3A_274 = arith.constant 4 : i32
      %mul3A_275 = arith.muli %scan3A_272, %mul3A_274 : i32
      %add3A_276 = arith.constant 22400 : i32
      %add3A_277 = arith.addi %add3A_276, %mul3A_275 : i32
      %add3A_278 = arith.constant 0 : i32
      %add3A_279 = arith.addi %add3A_277, %add3A_278 : i32
      %add3A_280 = vector.broadcast %add3A_279 : i32 to vector<16xi32>
      %add3A_281 = arith.addi %mul3A_79, %add3A_280 : vector<16xi32>
      %shift_right_logical3A = arith.constant 7 : i32
      %shift_right_logical3A_282 = vector.broadcast %shift_right_logical3A : i32 to vector<16xi32>
      %shift_right_logical3A_283 = arith.shrui %add3A_281, %shift_right_logical3A_282 : vector<16xi32>
      %and3A = arith.constant 127 : i32
      %and3A_284 = vector.broadcast %and3A : i32 to vector<16xi32>
      %and3A_285 = arith.andi %add3A_281, %and3A_284 : vector<16xi32>
      %gather3A = tpu.vector_load_idx %arg7[%shift_right_logical3A_283, %and3A_285] : memref<200x128xf32, #tpu.memory_space<vmem>>[vector<16xi32>, vector<16xi32>], vector<16xf32>,
      %mul3A_286 = arith.constant 0.818730711 : f32
      %mul3A_287 = vector.broadcast %mul3A_286 : f32 to vector<16xf32>
      %mul3A_288 = arith.mulf %scan3A_273, %mul3A_287 : vector<16xf32>
      %add3A_289 = arith.addf %mul3A_288, %gather3A : vector<16xf32>
      %mul3A_290 = arith.constant 0.00999999977 : f32
      %mul3A_291 = vector.broadcast %mul3A_290 : f32 to vector<16xf32>
      %mul3A_292 = arith.mulf %mul3A_291, %add3A_289 : vector<16xf32>
      %mul3A_293 = arith.mulf %mul3A_292, %gather3A : vector<16xf32>
      tpu.vector_store_idx %arg7[%shift_right_logical3A_283, %and3A_285], %mul3A_293 : memref<200x128xf32, #tpu.memory_space<vmem>>[vector<16xi32>, vector<16xi32>], vector<16xf32>,
      %add3A_294 = arith.constant 22400 : i32
      %add3A_295 = arith.addi %add3A_294, %mul3A_275 : i32
      %add3A_296 = arith.constant 1 : i32
      %add3A_297 = arith.addi %add3A_295, %add3A_296 : i32
      %add3A_298 = vector.broadcast %add3A_297 : i32 to vector<16xi32>
      %add3A_299 = arith.addi %mul3A_79, %add3A_298 : vector<16xi32>
      %shift_right_logical3A_300 = arith.constant 7 : i32
      %shift_right_logical3A_301 = vector.broadcast %shift_right_logical3A_300 : i32 to vector<16xi32>
      %shift_right_logical3A_302 = arith.shrui %add3A_299, %shift_right_logical3A_301 : vector<16xi32>
      %and3A_303 = arith.constant 127 : i32
      %and3A_304 = vector.broadcast %and3A_303 : i32 to vector<16xi32>
      %and3A_305 = arith.andi %add3A_299, %and3A_304 : vector<16xi32>
      %gather3A_306 = tpu.vector_load_idx %arg7[%shift_right_logical3A_302, %and3A_305] : memref<200x128xf32, #tpu.memory_space<vmem>>[vector<16xi32>, vector<16xi32>], vector<16xf32>,
      %mul3A_307 = arith.constant 0.818730711 : f32
      %mul3A_308 = vector.broadcast %mul3A_307 : f32 to vector<16xf32>
      %mul3A_309 = arith.mulf %add3A_289, %mul3A_308 : vector<16xf32>
      %add3A_310 = arith.addf %mul3A_309, %gather3A_306 : vector<16xf32>
      %mul3A_311 = arith.constant 0.00999999977 : f32
      %mul3A_312 = vector.broadcast %mul3A_311 : f32 to vector<16xf32>
      %mul3A_313 = arith.mulf %mul3A_312, %add3A_310 : vector<16xf32>
      %mul3A_314 = arith.mulf %mul3A_313, %gather3A_306 : vector<16xf32>
      tpu.vector_store_idx %arg7[%shift_right_logical3A_302, %and3A_305], %mul3A_314 : memref<200x128xf32, #tpu.memory_space<vmem>>[vector<16xi32>, vector<16xi32>], vector<16xf32>,
      %add3A_315 = arith.constant 22400 : i32
      %add3A_316 = arith.addi %add3A_315, %mul3A_275 : i32
      %add3A_317 = arith.constant 2 : i32
      %add3A_318 = arith.addi %add3A_316, %add3A_317 : i32
      %add3A_319 = vector.broadcast %add3A_318 : i32 to vector<16xi32>
      %add3A_320 = arith.addi %mul3A_79, %add3A_319 : vector<16xi32>
      %shift_right_logical3A_321 = arith.constant 7 : i32
      %shift_right_logical3A_322 = vector.broadcast %shift_right_logical3A_321 : i32 to vector<16xi32>
      %shift_right_logical3A_323 = arith.shrui %add3A_320, %shift_right_logical3A_322 : vector<16xi32>
      %and3A_324 = arith.constant 127 : i32
      %and3A_325 = vector.broadcast %and3A_324 : i32 to vector<16xi32>
      %and3A_326 = arith.andi %add3A_320, %and3A_325 : vector<16xi32>
      %gather3A_327 = tpu.vector_load_idx %arg7[%shift_right_logical3A_323, %and3A_326] : memref<200x128xf32, #tpu.memory_space<vmem>>[vector<16xi32>, vector<16xi32>], vector<16xf32>,
      %mul3A_328 = arith.constant 0.818730711 : f32
      %mul3A_329 = vector.broadcast %mul3A_328 : f32 to vector<16xf32>
      %mul3A_330 = arith.mulf %add3A_310, %mul3A_329 : vector<16xf32>
      %add3A_331 = arith.addf %mul3A_330, %gather3A_327 : vector<16xf32>
      %mul3A_332 = arith.constant 0.00999999977 : f32
      %mul3A_333 = vector.broadcast %mul3A_332 : f32 to vector<16xf32>
      %mul3A_334 = arith.mulf %mul3A_333, %add3A_331 : vector<16xf32>
      %mul3A_335 = arith.mulf %mul3A_334, %gather3A_327 : vector<16xf32>
      tpu.vector_store_idx %arg7[%shift_right_logical3A_323, %and3A_326], %mul3A_335 : memref<200x128xf32, #tpu.memory_space<vmem>>[vector<16xi32>, vector<16xi32>], vector<16xf32>,
      %add3A_336 = arith.constant 22400 : i32
      %add3A_337 = arith.addi %add3A_336, %mul3A_275 : i32
      %add3A_338 = arith.constant 3 : i32
      %add3A_339 = arith.addi %add3A_337, %add3A_338 : i32
      %add3A_340 = vector.broadcast %add3A_339 : i32 to vector<16xi32>
      %add3A_341 = arith.addi %mul3A_79, %add3A_340 : vector<16xi32>
      %shift_right_logical3A_342 = arith.constant 7 : i32
      %shift_right_logical3A_343 = vector.broadcast %shift_right_logical3A_342 : i32 to vector<16xi32>
      %shift_right_logical3A_344 = arith.shrui %add3A_341, %shift_right_logical3A_343 : vector<16xi32>
      %and3A_345 = arith.constant 127 : i32
      %and3A_346 = vector.broadcast %and3A_345 : i32 to vector<16xi32>
      %and3A_347 = arith.andi %add3A_341, %and3A_346 : vector<16xi32>
      %gather3A_348 = tpu.vector_load_idx %arg7[%shift_right_logical3A_344, %and3A_347] : memref<200x128xf32, #tpu.memory_space<vmem>>[vector<16xi32>, vector<16xi32>], vector<16xf32>,
      %mul3A_349 = arith.constant 0.818730711 : f32
      %mul3A_350 = vector.broadcast %mul3A_349 : f32 to vector<16xf32>
      %mul3A_351 = arith.mulf %add3A_331, %mul3A_350 : vector<16xf32>
      %add3A_352 = arith.addf %mul3A_351, %gather3A_348 : vector<16xf32>
      %mul3A_353 = arith.constant 0.00999999977 : f32
      %mul3A_354 = vector.broadcast %mul3A_353 : f32 to vector<16xf32>
      %mul3A_355 = arith.mulf %mul3A_354, %add3A_352 : vector<16xf32>
      %mul3A_356 = arith.mulf %mul3A_355, %gather3A_348 : vector<16xf32>
      tpu.vector_store_idx %arg7[%shift_right_logical3A_344, %and3A_347], %mul3A_356 : memref<200x128xf32, #tpu.memory_space<vmem>>[vector<16xi32>, vector<16xi32>], vector<16xf32>,
      scf.yield %add3A_352 : vector<16xf32>
    }
    %scan3A_245 = arith.constant 50 : i32
    %scan3A_246 = arith.constant 0 : i32
    %scan3A_247 = arith.constant 150 : i32
    %scan3A_248 = arith.constant 25 : i32
    %scan3A_249 = arith.addi %scan3A_247, %scan3A_248 : i32
    %scan3A_250 = arith.constant 1 : i32
    scf.for %scan3A_272 = %scan3A_247 to %scan3A_249 step %scan3A_250  : i32 {
      %dma_wait3A_273 = arith.constant 0 : i32
      %dma_wait3A_274 = tpu.memref_slice %arg7[%scan3A_272, %dma_wait3A_273] : memref<200x128xf32, #tpu.memory_space<vmem>> -> memref<1x128xf32, #tpu.memory_space<vmem>>
      %dma_wait3A_275 = tpu.memref_squeeze %dma_wait3A_274 : memref<1x128xf32, #tpu.memory_space<vmem>> -> memref<128xf32, #tpu.memory_space<vmem>>
      %dma_wait3A_276 = arith.constant 0 : i32
      %dma_wait3A_277 = tpu.memref_slice %arg6[%scan3A_272, %dma_wait3A_276] : memref<200x128xi32, #tpu.memory_space<vmem>> -> memref<1x128xi32, #tpu.memory_space<vmem>>
      %dma_wait3A_278 = tpu.memref_squeeze %dma_wait3A_277 : memref<1x128xi32, #tpu.memory_space<vmem>> -> memref<128xi32, #tpu.memory_space<vmem>>
      %dma_wait3A_279 = arith.constant 0 : i32
      %dma_wait3A_280 = tpu.memref_slice %arg9[%dma_wait3A_279] : memref<1048576xf32, #tpu.memory_space<vmem_shared>> -> memref<1048576xf32, #tpu.memory_space<vmem_shared>>
      tpu.wait_indirect_dma semaphore(%arg13 : memref<!tpu.dma_semaphore, #tpu.memory_space<semaphore_mem>>) src(%dma_wait3A_275 : memref<128xf32, #tpu.memory_space<vmem>>) dst(%dma_wait3A_280 : memref<1048576xf32, #tpu.memory_space<vmem_shared>>)
    }
    %scan3A_251 = arith.constant 25 : i32
    %scan3A_252 = arith.constant 0 : i32
    %scan3A_253 = arith.constant 175 : i32
    %scan3A_254 = arith.constant 25 : i32
    %scan3A_255 = arith.addi %scan3A_253, %scan3A_254 : i32
    %scan3A_256 = arith.constant 1 : i32
    scf.for %scan3A_272 = %scan3A_253 to %scan3A_255 step %scan3A_256  : i32 {
      %dma_start3A_273 = arith.constant 0 : i32
      %dma_start3A_274 = tpu.memref_slice %arg7[%scan3A_272, %dma_start3A_273] : memref<200x128xf32, #tpu.memory_space<vmem>> -> memref<1x128xf32, #tpu.memory_space<vmem>>
      %dma_start3A_275 = tpu.memref_squeeze %dma_start3A_274 : memref<1x128xf32, #tpu.memory_space<vmem>> -> memref<128xf32, #tpu.memory_space<vmem>>
      %dma_start3A_276 = arith.constant 0 : i32
      %dma_start3A_277 = tpu.memref_slice %arg6[%scan3A_272, %dma_start3A_276] : memref<200x128xi32, #tpu.memory_space<vmem>> -> memref<1x128xi32, #tpu.memory_space<vmem>>
      %dma_start3A_278 = tpu.memref_squeeze %dma_start3A_277 : memref<1x128xi32, #tpu.memory_space<vmem>> -> memref<128xi32, #tpu.memory_space<vmem>>
      %dma_start3A_279 = arith.constant 0 : i32
      %dma_start3A_280 = tpu.memref_slice %arg9[%dma_start3A_279] : memref<1048576xf32, #tpu.memory_space<vmem_shared>> -> memref<1048576xf32, #tpu.memory_space<vmem_shared>>
      tpu.enqueue_indirect_dma source(%dma_start3A_275 : memref<128xf32, #tpu.memory_space<vmem>>) target(%dma_start3A_280 : memref<1048576xf32, #tpu.memory_space<vmem_shared>>) offsets(%dma_start3A_278 : memref<128xi32, #tpu.memory_space<vmem>>) semaphore(%arg13 : memref<!tpu.dma_semaphore, #tpu.memory_space<semaphore_mem>>) {add = true}
    }
    %scan3A_257 = arith.constant 25 : i32
    %scan3A_258 = arith.constant 0 : i32
    %scan3A_259 = arith.constant 175 : i32
    %scan3A_260 = arith.constant 25 : i32
    %scan3A_261 = arith.addi %scan3A_259, %scan3A_260 : i32
    %scan3A_262 = arith.constant 1 : i32
    scf.for %scan3A_272 = %scan3A_259 to %scan3A_261 step %scan3A_262  : i32 {
      %dma_wait3A_273 = arith.constant 0 : i32
      %dma_wait3A_274 = tpu.memref_slice %arg7[%scan3A_272, %dma_wait3A_273] : memref<200x128xf32, #tpu.memory_space<vmem>> -> memref<1x128xf32, #tpu.memory_space<vmem>>
      %dma_wait3A_275 = tpu.memref_squeeze %dma_wait3A_274 : memref<1x128xf32, #tpu.memory_space<vmem>> -> memref<128xf32, #tpu.memory_space<vmem>>
      %dma_wait3A_276 = arith.constant 0 : i32
      %dma_wait3A_277 = tpu.memref_slice %arg6[%scan3A_272, %dma_wait3A_276] : memref<200x128xi32, #tpu.memory_space<vmem>> -> memref<1x128xi32, #tpu.memory_space<vmem>>
      %dma_wait3A_278 = tpu.memref_squeeze %dma_wait3A_277 : memref<1x128xi32, #tpu.memory_space<vmem>> -> memref<128xi32, #tpu.memory_space<vmem>>
      %dma_wait3A_279 = arith.constant 0 : i32
      %dma_wait3A_280 = tpu.memref_slice %arg9[%dma_wait3A_279] : memref<1048576xf32, #tpu.memory_space<vmem_shared>> -> memref<1048576xf32, #tpu.memory_space<vmem_shared>>
      tpu.wait_indirect_dma semaphore(%arg13 : memref<!tpu.dma_semaphore, #tpu.memory_space<semaphore_mem>>) src(%dma_wait3A_275 : memref<128xf32, #tpu.memory_space<vmem>>) dst(%dma_wait3A_280 : memref<1048576xf32, #tpu.memory_space<vmem_shared>>)
    }
    %scan3A_263 = arith.constant 25 : i32
    %barrier3A_264 = arith.constant 0 : index
    tpu.barrier barrier_id(%barrier3A_264)
    %eq3A = arith.constant 0 : i32
    %eq3A_265 = arith.cmpi eq, %arg0, %eq3A : i32
    %convert_element_type3A = arith.extui %eq3A_265 : i1 to i32
    %cond3A = arith.constant 0 : i32
    %cond3A_266 = arith.cmpi ne, %convert_element_type3A, %cond3A : i32
    scf.if %cond3A_266 {
      %mul3A_272 = arith.constant 65536 : i32
      %mul3A_273 = arith.muli %arg1, %mul3A_272 : i32
      %mul3A_274 = arith.constant 65536 : i32
      %mul3A_275 = arith.muli %arg1, %mul3A_274 : i32
      "tpu.region"() ({
        %run_scoped3A = tpu.sem_alloc : memref<!tpu.dma_semaphore, #tpu.memory_space<semaphore_mem>>
        %dma_start3A_276 = tpu.memref_slice %arg4[%mul3A_275] : memref<1048576xf32, #tpu.memory_space<hbm>> -> memref<65536xf32, #tpu.memory_space<hbm>>
        %dma_start3A_277 = tpu.memref_slice %arg9[%mul3A_273] : memref<1048576xf32, #tpu.memory_space<vmem_shared>> -> memref<65536xf32, #tpu.memory_space<vmem_shared>>
        tpu.enqueue_dma source(%dma_start3A_277 : memref<65536xf32, #tpu.memory_space<vmem_shared>>) target(%dma_start3A_276 : memref<65536xf32, #tpu.memory_space<hbm>>) target_semaphore(%run_scoped3A : memref<!tpu.dma_semaphore, #tpu.memory_space<semaphore_mem>>)
        %dma_wait3A_278 = tpu.memref_slice %arg4[%mul3A_275] : memref<1048576xf32, #tpu.memory_space<hbm>> -> memref<65536xf32, #tpu.memory_space<hbm>>
        %dma_wait3A_279 = tpu.memref_slice %arg9[%mul3A_273] : memref<1048576xf32, #tpu.memory_space<vmem_shared>> -> memref<65536xf32, #tpu.memory_space<vmem_shared>>
        tpu.wait_dma2 semaphore(%run_scoped3A : memref<!tpu.dma_semaphore, #tpu.memory_space<semaphore_mem>>) src(%dma_wait3A_279 : memref<65536xf32, #tpu.memory_space<vmem_shared>>) dst(%dma_wait3A_278 : memref<65536xf32, #tpu.memory_space<hbm>>)
        tpu.yield
      }) : () -> ()
    } else {
    }
    %eq3A_267 = arith.constant 1 : i32
    %eq3A_268 = arith.cmpi eq, %arg0, %eq3A_267 : i32
    %convert_element_type3A_269 = arith.extui %eq3A_268 : i1 to i32
    %cond3A_270 = arith.constant 0 : i32
    %cond3A_271 = arith.cmpi ne, %convert_element_type3A_269, %cond3A_270 : i32
    scf.if %cond3A_271 {
      %mul3A_272 = arith.constant 65536 : i32
      %mul3A_273 = arith.muli %arg1, %mul3A_272 : i32
      %mul3A_274 = arith.constant 65536 : i32
      %mul3A_275 = arith.muli %arg1, %mul3A_274 : i32
      "tpu.region"() ({
        %run_scoped3A = tpu.sem_alloc : memref<!tpu.dma_semaphore, #tpu.memory_space<semaphore_mem>>
        %dma_start3A_276 = tpu.memref_slice %arg5[%mul3A_275] : memref<1048576xf32, #tpu.memory_space<hbm>> -> memref<65536xf32, #tpu.memory_space<hbm>>
        %dma_start3A_277 = tpu.memref_slice %arg9[%mul3A_273] : memref<1048576xf32, #tpu.memory_space<vmem_shared>> -> memref<65536xf32, #tpu.memory_space<vmem_shared>>
        tpu.enqueue_dma source(%dma_start3A_277 : memref<65536xf32, #tpu.memory_space<vmem_shared>>) target(%dma_start3A_276 : memref<65536xf32, #tpu.memory_space<hbm>>) target_semaphore(%run_scoped3A : memref<!tpu.dma_semaphore, #tpu.memory_space<semaphore_mem>>)
        %dma_wait3A_278 = tpu.memref_slice %arg5[%mul3A_275] : memref<1048576xf32, #tpu.memory_space<hbm>> -> memref<65536xf32, #tpu.memory_space<hbm>>
        %dma_wait3A_279 = tpu.memref_slice %arg9[%mul3A_273] : memref<1048576xf32, #tpu.memory_space<vmem_shared>> -> memref<65536xf32, #tpu.memory_space<vmem_shared>>
        tpu.wait_dma2 semaphore(%run_scoped3A : memref<!tpu.dma_semaphore, #tpu.memory_space<semaphore_mem>>) src(%dma_wait3A_279 : memref<65536xf32, #tpu.memory_space<vmem_shared>>) dst(%dma_wait3A_278 : memref<65536xf32, #tpu.memory_space<hbm>>)
        tpu.yield
      }) : () -> ()
    } else {
    }
    return
  }
}

module attributes {stable_mosaic.version = 14 : i64} {
  func.func @_combine_body(%arg0: i32, %arg1: memref<65536xf32, #tpu.memory_space<vmem>>, %arg2: memref<65536xf32, #tpu.memory_space<vmem>>, %arg3: memref<65536xf32, #tpu.memory_space<vmem>>, %arg4: memref<65536xf32, #tpu.memory_space<vmem>>) attributes {dimension_semantics = [#tpu.dimension_semantics<arbitrary>], iteration_bounds = array<i64: 16>, scalar_prefetch = 0 : i64, scratch_operands = 0 : i64, tpu.core_type = #tpu.core_type<tc>, window_params = [{transform_indices = @transform_0, window_bounds = array<i64: 65536>}, {transform_indices = @transform_1, window_bounds = array<i64: 65536>}, {transform_indices = @transform_2, window_bounds = array<i64: 65536>}, {transform_indices = @transform_3, window_bounds = array<i64: 65536>}]} {
    %get3A = arith.constant 0 : index
    %get3A_0 = vector.load %arg3[%get3A] : memref<65536xf32, #tpu.memory_space<vmem>>, vector<65536xf32>
    %get3A_1 = arith.constant 0 : index
    %get3A_2 = vector.load %arg1[%get3A_1] : memref<65536xf32, #tpu.memory_space<vmem>>, vector<65536xf32>
    %add3A = arith.addf %get3A_0, %get3A_2 : vector<65536xf32>
    %get3A_3 = arith.constant 0 : index
    %get3A_4 = vector.load %arg2[%get3A_3] : memref<65536xf32, #tpu.memory_space<vmem>>, vector<65536xf32>
    %add3A_5 = arith.addf %add3A, %get3A_4 : vector<65536xf32>
    %mul3A = arith.constant 9.900000e-01 : f32
    %mul3A_6 = vector.broadcast %mul3A : f32 to vector<65536xf32>
    %mul3A_7 = arith.mulf %add3A_5, %mul3A_6 : vector<65536xf32>
    %jit3A = arith.constant 0.000000e+00 : f32
    %jit3A_8 = arith.constant 1.000000e+00 : f32
    %max3A = vector.broadcast %jit3A : f32 to vector<65536xf32>
    %max3A_9 = arith.maximumf %max3A, %mul3A_7 : vector<65536xf32>
    %min3A = vector.broadcast %jit3A_8 : f32 to vector<65536xf32>
    %min3A_10 = arith.minimumf %min3A, %max3A_9 : vector<65536xf32>
    %swap3A = arith.constant 0 : index
    %swap3A_11 = vector.load %arg4[%swap3A] : memref<65536xf32, #tpu.memory_space<vmem>>, vector<65536xf32>
    tpu.vector_store %arg4[%swap3A], %min3A_10 {strides = array<i32>} : memref<65536xf32, #tpu.memory_space<vmem>>, vector<65536xf32>,
    return
  }
  func.func @transform_0(%arg0: i32) -> i32 {
    %c0_i32 = arith.constant 0 : i32
    return %arg0 : i32
  }
  func.func @transform_1(%arg0: i32) -> i32 {
    %c0_i32 = arith.constant 0 : i32
    return %arg0 : i32
  }
  func.func @transform_2(%arg0: i32) -> i32 {
    %c0_i32 = arith.constant 0 : i32
    return %arg0 : i32
  }
  func.func @transform_3(%arg0: i32) -> i32 {
    %c0_i32 = arith.constant 0 : i32
    return %arg0 : i32
  }
}

</mosaic_0001>

<sc_bundles>
// kernel: kernel.4.cloned.1.call-start
scs
__scs_entry_jumppad:
0x0: {  	(pc) =	sbr.rel $0x88, $3  }
0x1: {  	(tag) =	ssettag $0x0;
	lr =	simm.s32 $0x1  }
0x2: {  	[smem:$0x3F9E] =	sst lr;
	_ =	strace $0xD0000000  }
0x3: {  	_ = 	snop  }
0x4: {  	_ = 	snop  }
0x5: {  	_ = 	snop  }
0x6: {  	_ = 	snop  }
0x7: {  	_ = 	snop  }
__scs_overlays_trampoline_lowered:
0x8: {  	[smem:$0x3FAD] =	sst s0  }
0x9: {  	[smem:$0x3FAE] =	sst s1  }
0xa: {  	[smem:$0x3FAF] =	sst s2  }
0xb: {  	[smem:$0x3FB0] =	sst s3  }
0xc: {  	[smem:$0x3FB1] =	sst s4  }
0xd: {  	[smem:$0x3FB2] =	sst s5  }
0xe: {  	[smem:$0x3FB3] =	sst s6  }
0xf: {  	[smem:$0x3FB4] =	sst s7  }
0x10: {  	[smem:$0x3FB5] =	sst s8  }
0x11: {  	[smem:$0x3FB6] =	sst s9;
	s0 =	simm.s32 @!p0 $0x0  }
0x12: {  	s1 =	sld [smem:$0x3F9C];
	s0 =	simm.s32 @p0 $0x1  }
0x13: {  	[smem:$0x3FB7] =	sst s0;
	s0 =	simm.s32 @!p1 $0x0  }
0x14: {  	s2 =	sld [smem:$0x3F9B];
	s0 =	simm.s32 @p1 $0x1  }
0x15: {  	[smem:$0x3FB8] =	sst s0;
	s0 =	simm.s32 @!p2 $0x0  }
0x16: {  	s3 =	sld [smem:$0x3FDB];
	s0 =	simm.s32 @p2 $0x1  }
0x17: {  	s4 =	simm.s32 $0x1BF5;
	[smem:$0x3FBA] =	sst s0  }
0x18: {  	s0 =	sld [smem:$0x3F9D];
	_ =	swait.ge [sflag:s4], $0x0  }
0x19: {  	s7 =	sld [smem:$0x3F9E]  }
0x1a: {  	s8 =	sadd.s32 $0xFFFFE003, lr  }
0x1b: {  	s9 =	sadd.s32 $0xFFFFFEF7, lr;
	s5 =	simm.s32 $0xFFFFFFFF;
	p2 =	slt.u32 s8, $0xFFFFF086  }
0x1c: {  	p1 =	slt.u32 s9, $0xF7A;
	s5 =	simm.s32 @!p2 $0x0  }
0x1d: {  	s5 =	simm.s32 @p1 $0x1;
	p0 =	seq.s32 s7, s2  }
0x1e: {  	s7 =	smul.u32 @!p0 $0xF7A, s2;
	p2 =	seq.s32 @!p0 s5, $0x0  }
0x1f: {  	s9 =	smul.u32 $0xF7A, s1;
	s8 =	simm.s32 @!p0 $0x1BF5;
	p2 =	por !p2, p0  }
0x20: {  	[sflag:s8] =	ssyncset.s32 @!p0 $0xFFFFF086;
	s6 =	sadd.s32 @!p0 s3, s7;
	s7 =	simm.s32 @!p0 $0x108  }
0x21: {  	s3 =	sadd.s32 s3, s9;
	s6 =	sadd.s32 @!p0 $0x88, s6;
	s7 =	simm.s32 @p2 $0x1082  }
0x22: {  	[simem:s7], [sflag:s8] =	dma.local @!p0 [hbm:s6], $0xF7A  }
0x23: {  	s9 =	sor.u32 $0xD0000000, s2;
	s6 =	simm.s32 $0x108;
	_ =	swait.ge @!p0 [sflag:s8], $0x0  }
0x24: {  	s3 =	sadd.s32 $0x88, s3;
	s6 =	simm.s32 @!p1 $0x1082;
	[sflag:s4] =	ssyncset.s32 $0xFFFFF086  }
0x25: {  	[simem:s6], [sflag:s4] =	dma.local [hbm:s3], $0xF7A  }
0x26: {  	[smem:$0x3F9E] =	sst s1;
	(tag) =	ssettag s2;
	_ =	strace s9  }
0x27: {  	s1 =	sld [smem:$0x3FAE]  }
0x28: {  	s2 =	sld [smem:$0x3FAF]  }
0x29: {  	s4 =	sld [smem:$0x3FB1]  }
0x2a: {  	p0 =	seq.s32 s5, $0x0;
	s5 =	sld [smem:$0x3FB2]  }
0x2b: {  	s6 =	sld [smem:$0x3FB3]  }
0x2c: {  	s7 =	sld [smem:$0x3FB4]  }
0x2d: {  	s3 =	simm.s32 $0x108;
	s8 =	sld [smem:$0x3FB5]  }
0x2e: {  	s3 =	simm.s32 @!p0 $0x1082;
	s9 =	sld [smem:$0x3FB6]  }
0x2f: {  	lr =	sadd.s32 s0, s3;
	s0 =	sld [smem:$0x3FAD]  }
0x30: {  	s3 =	sld [smem:$0x3FB0]  }
0x31: {  	[smem:$0x3FB9] =	sst s10  }
0x32: {  	s10 =	sld [smem:$0x3FB7];
	_ =	sdelay $0x3  }
0x33: {  	p0 =	seq.s32 s10, $0x1;
	s10 =	sld [smem:$0x3FB9];
	_ =	sdelay $0x3  }
0x34: {  	[smem:$0x3FB9] =	sst s10  }
0x35: {  	s10 =	sld [smem:$0x3FB8];
	_ =	sdelay $0x3  }
0x36: {  	p1 =	seq.s32 s10, $0x1;
	s10 =	sld [smem:$0x3FB9];
	_ =	sdelay $0x3  }
0x37: {  	[smem:$0x3FB9] =	sst s10  }
0x38: {  	s10 =	sld [smem:$0x3FBA]  }
0x39: {  	_ = 	snop;
	(pc) =	sbr.ind lr, $3  }
0x3a: {  	_ = 	snop  }
0x3b: {  	_ = 	snop  }
0x3c: {  	p2 =	seq.s32 s10, $0x1;
	s10 =	sld [smem:$0x3FB9]  }
0x3d: {  	_ =	shalt  }
0x3e: {  	_ =	shalt  }
0x3f: {  	_ =	shalt  }
0x40: {  	_ =	shalt  }
0x41: {  	_ =	shalt  }
0x42: {  	_ =	shalt  }
0x43: {  	_ =	shalt  }
0x44: {  	_ =	shalt  }
0x45: {  	_ =	shalt  }
0x46: {  	_ =	shalt  }
0x47: {  	_ =	shalt  }
0x48: {  	_ =	shalt  }
0x49: {  	_ =	shalt  }
0x4a: {  	_ =	shalt  }
0x4b: {  	_ =	shalt  }
0x4c: {  	_ =	shalt  }
0x4d: {  	_ =	shalt  }
0x4e: {  	_ =	shalt  }
0x4f: {  	_ =	shalt  }
0x50: {  	_ =	shalt  }
0x51: {  	_ =	shalt  }
0x52: {  	_ =	shalt  }
0x53: {  	_ =	shalt  }
0x54: {  	_ =	shalt  }
0x55: {  	_ =	shalt  }
0x56: {  	_ =	shalt  }
0x57: {  	_ =	shalt  }
0x58: {  	_ =	shalt  }
0x59: {  	_ =	shalt  }
0x5a: {  	_ =	shalt  }
0x5b: {  	_ =	shalt  }
0x5c: {  	_ =	shalt  }
0x5d: {  	_ =	shalt  }
0x5e: {  	_ =	shalt  }
0x5f: {  	_ =	shalt  }
0x60: {  	_ =	shalt  }
0x61: {  	_ =	shalt  }
0x62: {  	_ =	shalt  }
0x63: {  	_ =	shalt  }
0x64: {  	_ =	shalt  }
0x65: {  	_ =	shalt  }
0x66: {  	_ =	shalt  }
0x67: {  	_ =	shalt  }
0x68: {  	_ =	shalt  }
0x69: {  	_ =	shalt  }
0x6a: {  	_ =	shalt  }
0x6b: {  	_ =	shalt  }
0x6c: {  	_ =	shalt  }
0x6d: {  	_ =	shalt  }
0x6e: {  	_ =	shalt  }
0x6f: {  	_ =	shalt  }
0x70: {  	_ =	shalt  }
0x71: {  	_ =	shalt  }
0x72: {  	_ =	shalt  }
0x73: {  	_ =	shalt  }
0x74: {  	_ =	shalt  }
0x75: {  	_ =	shalt  }
0x76: {  	_ =	shalt  }
0x77: {  	_ =	shalt  }
0x78: {  	_ =	shalt  }
0x79: {  	_ =	shalt  }
0x7a: {  	_ =	shalt  }
0x7b: {  	_ =	shalt  }
0x7c: {  	_ =	shalt  }
0x7d: {  	_ =	shalt  }
0x7e: {  	_ =	shalt  }
0x7f: {  	_ =	shalt  }
0x80: {  	_ =	shalt  }
0x81: {  	_ =	shalt  }
0x82: {  	_ =	shalt  }
0x83: {  	_ =	shalt  }
0x84: {  	_ =	shalt  }
0x85: {  	_ =	shalt  }
0x86: {  	_ =	shalt  }
0x87: {  	_ =	shalt  }
.Lfunc_end0:
.L_simem_size_0:
called_computation_lowered:
.L_overlay_start_0:
0x88: {  	s2 =	sld [smem:$0x3FD9]  }
0x89: {  	s3 =	sld [smem:$0x3FFE];
	_ =	sdelay $0x1  }
0x8a: {  	s1 =	srdreg.scid  }
0x8b: {  	s0 =	sand.u32 $0x1, s1  }
0x8c: {  	s17 =	sshll.u32 s0, $0xA;
	s2 =	sadd.s32 s3, s2  }
0x8d: {  	s2 =	sadd.s32 s2, s17  }
0x8e: {  	[smem:$0x3FC5] =	sst s2  }
0x8f: {  	_ = 	snop  }
0x90: {  	s2 =	sld [smem:$0x3FD0];
	(tm) =	ssettm $0x1  }
0x91: {  	s18 =	sld [smem:$0x3FFB];
	_ =	sdelay $0x3  }
0x92: {  	_ =	strace s18  }
0x93: {  	s3 =	sld [smem:$0x3FFC];
	_ =	sdelay $0x3  }
0x94: {  	_ =	strace s3  }
0x95: {  	s3 =	sld [smem:$0x3FFD];
	_ =	sdelay $0x3  }
0x96: {  	_ =	strace s3  }
0x97: {  	_ =	strace $0x8FFFFFFF  }
0x98: {  	s19 =	sld [smem:$0x3FDB];
	_ =	sdelay $0x1  }
0x99: {  	s4 =	simm.s32 $_scs_section_size  }
0x9a: {  	s5 =	simm.s32 $_size__tile_overlayer_lowered;
	s6 =	simm.s32 $_tile_overlayer_lowered  }
0x9b: {  	s22 =	simm.s32 $0x1BFF;
	s21 =	sshll.u32 s6, $0x1;
	s3 =	sadd.s32 s4, s19  }
0x9c: {  	s7 =	simm.s32 $0x0;
	s20 =	sshll.u32 s5, $0x1;
	s5 =	sadd.s32 s21, s3  }
0x9d: {  	[timem:s7], [sflag:s22] =	dma.local [hbm:s5], s20  }
0x9e: {  	_ =	swait.ge [sflag:s22], s20  }
0x9f: {  	s4 =	ssub.s32 $0x0, s20;
	[sflag:s22] =	ssyncset.done $0x0  }
0xa0: {  	[sflag:s22] =	ssyncadd.s32 s4;
	_ =	sdelay $0x1  }
0xa1: {  	s23 =	simm.s32 $0x1B8B  }
0xa2: {  	_ =	swait.ge [sflag:s23], $0x1  }
0xa3: {  	[sflag:s23] =	ssyncset.done $0x0  }
0xa4: {  	s25 =	simm.s32 $0x1B8E;
	s24 =	sld [smem:$0x3FFE];
	[sflag:s23] =	ssyncadd.s32 $0xFFFFFFFF  }
0xa5: {  	s26 =	simm.s32 $execute0_lowered;
	[smem:$0x3FD2] =	sst s25  }
0xa6: {  	s5 =	sshll.u32 s26, $0x1;
	_ =	strace $0x80000046;
	[dreg:$0x1] =	wrdreg $0xFFFFFFFF  }
0xa7: {  	s28 =	simm.s32 $_size_execute0_lowered;
	s3 =	sadd.s32 s3, s5;
	[dreg:$0x0] =	wrdreg $0x0  }
0xa8: {  	s5 =	sshll.u32 s28, $0x1;
	[dreg:$0x2] =	wrdreg s3  }
0xa9: {  	[dreg:$0x3] =	wrdreg s5  }
0xaa: {  	[dreg:$0x4] =	wrdreg $0xC0  }
0xab: {  	_ =	task [dreg:s7], $0x5FFFF  }
0xac: {  	[dreg:$0x1] =	wrdreg $0xFFFFFFFF  }
0xad: {  	[dreg:$0x0] =	wrdreg $0x60  }
0xae: {  	[dreg:$0x2] =	wrdreg s2  }
0xaf: {  	[dreg:$0x3] =	wrdreg s24  }
0xb0: {  	[dreg:$0x4] =	wrdreg $0xE8000  }
0xb1: {  	[dreg:$0x5] =	wrdreg $0x9  }
0xb2: {  	_ =	task.clear_ibuf [dreg:s7], $0x6FFFF;
	_ =	strace $0x90000046  }
0xb3: {  	s29 =	simm.s32 $0x9;
	_ =	strace $0x80000048  }
0xb4: {  	_ =	swait.ge [sflag:s29], $0x1  }
0xb5: {  	[sflag:s29] =	ssyncadd.s32 $0xFFFFFFFF  }
0xb6: {  	_ =	strace $0x90000048  }
0xb7: {  	_ =	sfence  }
0xb8: {  	s30 =	sld [smem:$0x0];
	_ =	sdelay $0x2  }
0xb9: {  	s31 =	sshll.u32 s1, $0xD;
	s1 =	sshrl.u32 s1, $0x2  }
0xba: {  	s3 =	sand.u32 $0x4000, s31;
	s1 =	sadd.s32 s1, s30  }
0xbb: {  	s0 =	sor.u32 s3, s0;
	s1 =	sshll.u32 s1, $0x11  }
0xbc: {  	s0 =	sor.u32 s1, s0  }
0xbd: {  	s0 =	sadd.s32 $0x8F2B, s0  }
0xbe: {  	[sflag:s0] =	ssyncadd.remote.s32 $0x1  }
0xbf: {  	_ =	sfence.sel $0xFFFF  }
0xc0: {  	[dreg:$0x0] =	wrdreg $0xFFFFFFFF;
	(pc) =	sbr.abs _section_cstart, $3  }
0xc1: {  	[dreg:$0x1] =	wrdreg $0xFFFFFFFF  }
0xc2: {  	_ =	task.clear_ibuf [dreg:s7], $0x2FFFF;
	_ =	strace $0x9FFFFFFF  }
0xc3: {  	(tm) =	ssettm $0x7FFFFFFF  }
tec
execute0_lowered:
.L_overlay_start_1:
0x0: {  	(tag) =	ssettag $0x1  }
0x1: {  	s0 =	rddreg [dreg:$0x0]  }
0x2: {  	s1 =	srdreg.scid;
	s14 =	rddreg [dreg:$0x1]  }
0x3: {  	s2 =	rddreg [dreg:$0x2];
	s16 =	stileid.u32  }
0x4: {  	s3 =	simm.s32 $0x0;
	s17 =	simm.s32 $0xC800;
	s18 =	simm.s32 $0x2  }
0x5: {  	s19 =	simm.s32 $0x3;
	s20 =	simm.s32 $0x1;
	s21 =	simm.s32 $0x80  }
0x6: {  	s30 =	simm.s32 $0x4;
	s28 =	simm.s32 $0x6300;
	s29 =	simm.s32 $0xC700  }
0x7: {  	s31 =	simm.s32 $0x6380;
	s22 =	simm.s32 $0x5;
	s1 =	sand.u32 $0x1, s1  }
0x8: {  	[smem:$0x7FF] =	sst s3;
	s25 =	sshll.u32 s16, $0x10;
	s26 =	sshll.u32 s16, $0xD  }
0x9: {  	s4 =	sshll.u32 s1, $0x4;
	s5 =	ssub.s32 $0x2, s1;
	_ =	strace $0x80000047  }
0xa: {  	p0 =	seq.s32 s1, $0x1;
	s1 =	simm.s32 $0x0;
	s6 =	sshrl.u32 s5, $0x1  }
0xb: {  	s4 =	sor.u32 s16, s4;
	s15 =	ssub.s32 s5, s6;
	s6 =	sadd.s32 s25, s2  }
0xc: {  	s16 =	simm.s32 $0x6400;
	s4 =	smul.u32 $0xC80, s4;
	s8 =	sadd.s32 $0x4000, s6  }
0xd: {  	s9 =	sadd.s32 $0x6000, s6;
	s10 =	sadd.s32 $0x8000, s6;
	s11 =	sadd.s32 $0xA000, s6  }
0xe: {  	s7 =	sadd.s32 s4, s14;
	s4 =	sadd.s32 s0, s4;
	s0 =	simm.s32 $0x3A000  }
0xf: {  	s12 =	sadd.s32 $0xC000, s6;
	s13 =	sadd.s32 $0xE000, s6;
	s0 =	simm.s32 @!p0 $0x1A000  }
0x10: {  	v1 =	vlaneseq.u32;
	s5 =	sadd.s32 $0x1000, s7;
	s7 =	sadd.s32 $0x2000, s6;
	s0 =	sadd.s32 s0, s14  }
0x11: {  	v0 =	vimm.f32 $0.0e+00;
	v1 =	vmul.u32 $0xC8, v1;
	s14 =	smax.u32 s15, $0x1;
	s15 =	sadd.s32 s0, s26;
	s0 =	simm.s32 $0xC780  }
.LBB2_1:
0x12: {  	[tilespmem:s3], [sflag:$0x1] =	stream.linear.gather [hbm4b:s4+s3], $0x6400, $0x38;
	[tilespmem:$0x1E800] =	vst v63  }
0x13: {  	s23 =	simm.s32 $0x40;
	s24 =	simm.s32 $0x0  }
0x14: {  	[tilespmem:s16], [sflag:$0x2] =	stream.linear.gather [hbm4b:s5+s3], $0x6400, $0x38;
	[tilespmem:$0x1E800] =	vst v63  }
.LBB2_2:
0x15: {  	p0 =	sne.s32 s23, $0x7FC0;
	[tilespmem:s24+$0xC800] =	vst v0;
	s24 =	smov.u32 s23;
	s23 =	sadd.s32 $0x40, s23  }
.Ltmp0:
0x16: {  	(pc) =	sbr.rel @p0 .LBB2_2-.Ltmp0, $2  }
0x17: {  	_ =	sdelay $0x2  }
0x18: {  	s24 =	sshra.s32 s24, $0x2  }
0x19: {  	[tilespmem:s24+$0xC800] =	vst v0  }
0x1a: {  	[spmem:s6] =	stream.linear.scatter [tilespmem:s17], [sflag:$0x3], $0x2000, $0x38;
	[tilespmem:$0x1E800] =	vst v63  }
0x1b: {  	_ = 	snop  }
0x1c: {  	[spmem:s7] =	stream.linear.scatter [tilespmem:s17], [sflag:$0x3], $0x2000, $0x38;
	[tilespmem:$0x1E800] =	vst v63  }
0x1d: {  	_ = 	snop  }
0x1e: {  	[spmem:s8] =	stream.linear.scatter [tilespmem:s17], [sflag:$0x3], $0x2000, $0x38;
	[tilespmem:$0x1E800] =	vst v63  }
0x1f: {  	_ = 	snop  }
0x20: {  	[spmem:s9] =	stream.linear.scatter [tilespmem:s17], [sflag:$0x3], $0x2000, $0x38;
	[tilespmem:$0x1E800] =	vst v63  }
0x21: {  	_ = 	snop  }
0x22: {  	[spmem:s10] =	stream.linear.scatter [tilespmem:s17], [sflag:$0x3], $0x2000, $0x38;
	[tilespmem:$0x1E800] =	vst v63  }
0x23: {  	_ = 	snop  }
0x24: {  	[spmem:s11] =	stream.linear.scatter [tilespmem:s17], [sflag:$0x3], $0x2000, $0x38;
	[tilespmem:$0x1E800] =	vst v63  }
0x25: {  	s23 =	simm.s32 $0x0  }
0x26: {  	[spmem:s12] =	stream.linear.scatter [tilespmem:s17], [sflag:$0x3], $0x2000, $0x38;
	[tilespmem:$0x1E800] =	vst v63  }
0x27: {  	v2 =	vadd.s32 s23, v1  }
0x28: {  	[spmem:s13] =	stream.linear.scatter [tilespmem:s17], [sflag:$0x3], $0x2000, $0x38;
	[tilespmem:$0x1E800] =	vst v63  }
0x29: {  	_ =	swait.ge [sflag:s18], $0x6400  }
0x2a: {  	[sflag:s18] =	ssyncset.done $0x0  }
0x2b: {  	[sflag:s18] =	ssyncadd.s32 $0xFFFF9C00  }
0x2c: {  	v3 =	vld.idx.msk [tilespmem:v2+s16+$0x0], $0xffff;
	_ =	sdelay $0x1  }
0x2d: {  	v4 =	vimm.f32 $0.0e+00  }
0x2e: {  	v4 =	vmul.f32 $8.187307110e-01, v4;
	_ =	sdelay $0x1  }
0x2f: {  	v4 =	vadd.f32 v3, v4  }
0x30: {  	s24 =	simm.s32 $0x1  }
0x31: {  	v6 =	vadd.s32 s24, v1;
	v5 =	vmul.f32 $9.999999770e-03, v4;
	_ =	sdelay $0x1  }
0x32: {  	v3 =	vmul.f32 v5, v3;
	_ =	sdelay $0x1  }
0x33: {  	[tilespmem:v2+s16+$0x0] =	vst.idx.msk $0xffff, v3  }
0x34: {  	v2 =	vld.idx.msk [tilespmem:v6+s16+$0x0], $0xffff;
	_ =	sdelay $0x2  }
0x35: {  	v3 =	vmul.f32 $8.187307110e-01, v4;
	_ =	sdelay $0x1  }
0x36: {  	v3 =	vadd.f32 v2, v3  }
0x37: {  	s25 =	simm.s32 $0x2  }
0x38: {  	v5 =	vadd.s32 s25, v1;
	v4 =	vmul.f32 $9.999999770e-03, v3;
	_ =	sdelay $0x1  }
0x39: {  	v2 =	vmul.f32 v4, v2;
	_ =	sdelay $0x1  }
0x3a: {  	[tilespmem:v6+s16+$0x0] =	vst.idx.msk $0xffff, v2  }
0x3b: {  	v4 =	vld.idx.msk [tilespmem:v5+s16+$0x0], $0xffff;
	_ =	sdelay $0x2  }
0x3c: {  	v2 =	vmul.f32 $8.187307110e-01, v3;
	_ =	sdelay $0x1  }
0x3d: {  	v3 =	vadd.f32 v4, v2  }
0x3e: {  	s26 =	simm.s32 $0x3  }
0x3f: {  	v2 =	vadd.s32 s26, v1;
	v6 =	vmul.f32 $9.999999770e-03, v3;
	_ =	sdelay $0x1  }
0x40: {  	v4 =	vmul.f32 v6, v4;
	_ =	sdelay $0x1  }
0x41: {  	[tilespmem:v5+s16+$0x0] =	vst.idx.msk $0xffff, v4  }
0x42: {  	v5 =	vld.idx.msk [tilespmem:v2+s16+$0x0], $0xffff;
	_ =	sdelay $0x2  }
0x43: {  	v3 =	vmul.f32 $8.187307110e-01, v3;
	_ =	sdelay $0x1  }
0x44: {  	v4 =	vadd.f32 v5, v3  }
0x45: {  	s25 =	simm.s32 $0x4  }
0x46: {  	v3 =	vadd.s32 s25, v1;
	v6 =	vmul.f32 $9.999999770e-03, v4;
	_ =	sdelay $0x1  }
0x47: {  	s23 =	simm.s32 $0x7;
	s24 =	simm.s32 $0xB;
	v5 =	vmul.f32 v6, v5  }
.LBB2_4:
0x48: {  	_ = 	snop  }
0x49: {  	p0 =	sne.s32 s24, $0xC7;
	s25 =	smov.u32 s24;
	s24 =	sadd.s32 $0x4, s24;
	[tilespmem:v2+s16+$0x0] =	vst.idx.msk $0xffff, v5  }
0x4a: {  	v2 =	vld.idx.msk [tilespmem:v3+s16+$0x0], $0xffff;
	_ =	sdelay $0x3  }
0x4b: {  	v4 =	vmul.f32 $8.187307110e-01, v4;
	_ =	sdelay $0x1  }
0x4c: {  	v4 =	vadd.f32 v2, v4  }
0x4d: {  	s26 =	sadd.s32 $0xFFFFFFFE, s23  }
0x4e: {  	v6 =	vadd.s32 s26, v1;
	v5 =	vmul.f32 $9.999999770e-03, v4;
	_ =	sdelay $0x1  }
0x4f: {  	v2 =	vmul.f32 v5, v2;
	_ =	sdelay $0x1  }
0x50: {  	[tilespmem:v3+s16+$0x0] =	vst.idx.msk $0xffff, v2  }
0x51: {  	v2 =	vld.idx.msk [tilespmem:v6+s16+$0x0], $0xffff;
	_ =	sdelay $0x3  }
0x52: {  	v3 =	vmul.f32 $8.187307110e-01, v4;
	_ =	sdelay $0x1  }
0x53: {  	v3 =	vadd.f32 v2, v3  }
0x54: {  	s26 =	sadd.s32 $0xFFFFFFFF, s23  }
0x55: {  	v5 =	vadd.s32 s26, v1;
	v4 =	vmul.f32 $9.999999770e-03, v3;
	_ =	sdelay $0x1  }
0x56: {  	v2 =	vmul.f32 v4, v2;
	_ =	sdelay $0x1  }
0x57: {  	[tilespmem:v6+s16+$0x0] =	vst.idx.msk $0xffff, v2  }
0x58: {  	v4 =	vld.idx.msk [tilespmem:v5+s16+$0x0], $0xffff;
	_ =	sdelay $0x3  }
0x59: {  	v2 =	vmul.f32 $8.187307110e-01, v3;
	_ =	sdelay $0x1  }
0x5a: {  	v3 =	vadd.f32 v4, v2;
	_ =	sdelay $0x1  }
0x5b: {  	v2 =	vadd.s32 s23, v1;
	s23 =	smov.u32 s25;
	v6 =	vmul.f32 $9.999999770e-03, v3;
	_ =	sdelay $0x1  }
0x5c: {  	v4 =	vmul.f32 v6, v4;
	_ =	sdelay $0x1  }
0x5d: {  	[tilespmem:v5+s16+$0x0] =	vst.idx.msk $0xffff, v4  }
0x5e: {  	v5 =	vld.idx.msk [tilespmem:v2+s16+$0x0], $0xffff;
	_ =	sdelay $0x3  }
0x5f: {  	v3 =	vmul.f32 $8.187307110e-01, v3;
	_ =	sdelay $0x1  }
.Ltmp1:
0x60: {  	v4 =	vadd.f32 v5, v3;
	(pc) =	sbr.rel @p0 .LBB2_4-.Ltmp1, $3  }
0x61: {  	s25 =	sadd.s32 $0xFFFFFFFD, s23  }
0x62: {  	v3 =	vadd.s32 s25, v1;
	v6 =	vmul.f32 $9.999999770e-03, v4;
	_ =	sdelay $0x1  }
0x63: {  	v5 =	vmul.f32 v6, v5  }
0x64: {  	_ =	sdelay $0x3  }
0x65: {  	[tilespmem:v2+s16+$0x0] =	vst.idx.msk $0xffff, v5  }
0x66: {  	v2 =	vld.idx.msk [tilespmem:v3+s16+$0x0], $0xffff;
	_ =	sdelay $0x2  }
0x67: {  	v4 =	vmul.f32 $8.187307110e-01, v4;
	_ =	sdelay $0x1  }
0x68: {  	v4 =	vadd.f32 v2, v4  }
0x69: {  	s24 =	sadd.s32 $0xFFFFFFFE, s23  }
0x6a: {  	v6 =	vadd.s32 s24, v1;
	v5 =	vmul.f32 $9.999999770e-03, v4;
	_ =	sdelay $0x1  }
0x6b: {  	v2 =	vmul.f32 v5, v2;
	_ =	sdelay $0x1  }
0x6c: {  	[tilespmem:v3+s16+$0x0] =	vst.idx.msk $0xffff, v2  }
0x6d: {  	v2 =	vld.idx.msk [tilespmem:v6+s16+$0x0], $0xffff;
	_ =	sdelay $0x2  }
0x6e: {  	v3 =	vmul.f32 $8.187307110e-01, v4;
	_ =	sdelay $0x1  }
0x6f: {  	v3 =	vadd.f32 v2, v3  }
0x70: {  	s26 =	sadd.s32 $0xFFFFFFFF, s23  }
0x71: {  	v5 =	vadd.s32 s26, v1;
	v4 =	vmul.f32 $9.999999770e-03, v3;
	_ =	sdelay $0x1  }
0x72: {  	v2 =	vmul.f32 v4, v2;
	_ =	sdelay $0x1  }
0x73: {  	[tilespmem:v6+s16+$0x0] =	vst.idx.msk $0xffff, v2  }
0x74: {  	v2 =	vld.idx.msk [tilespmem:v5+s16+$0x0], $0xffff;
	_ =	sdelay $0x2  }
0x75: {  	v3 =	vmul.f32 $8.187307110e-01, v3;
	_ =	sdelay $0x1  }
0x76: {  	v3 =	vadd.f32 v2, v3;
	_ =	sdelay $0x1  }
0x77: {  	v6 =	vadd.s32 s23, v1;
	v4 =	vmul.f32 $9.999999770e-03, v3;
	_ =	sdelay $0x1  }
0x78: {  	v2 =	vmul.f32 v4, v2;
	_ =	sdelay $0x1  }
0x79: {  	[tilespmem:v5+s16+$0x0] =	vst.idx.msk $0xffff, v2  }
0x7a: {  	v2 =	vld.idx.msk [tilespmem:v6+s16+$0x0], $0xffff;
	_ =	sdelay $0x2  }
0x7b: {  	v3 =	vmul.f32 $8.187307110e-01, v3;
	_ =	sdelay $0x1  }
0x7c: {  	v3 =	vadd.f32 v2, v3;
	_ =	sdelay $0x1  }
0x7d: {  	v3 =	vmul.f32 $9.999999770e-03, v3;
	_ =	sdelay $0x1  }
0x7e: {  	v2 =	vmul.f32 v3, v2;
	_ =	sdelay $0x1  }
0x7f: {  	[tilespmem:v6+s16+$0x0] =	vst.idx.msk $0xffff, v2  }
0x80: {  	_ =	swait.ge [sflag:s19], $0x2000  }
0x81: {  	[sflag:s19] =	ssyncset.done $0x0  }
0x82: {  	[sflag:s19] =	ssyncadd.s32 $0xFFFFE000  }
0x83: {  	_ =	swait.ge [sflag:s19], $0x2000  }
0x84: {  	[sflag:s19] =	ssyncset.done $0x0  }
0x85: {  	[sflag:s19] =	ssyncadd.s32 $0xFFFFE000  }
0x86: {  	_ =	swait.ge [sflag:s19], $0x2000  }
0x87: {  	[sflag:s19] =	ssyncset.done $0x0  }
0x88: {  	[sflag:s19] =	ssyncadd.s32 $0xFFFFE000  }
0x89: {  	_ =	swait.ge [sflag:s19], $0x2000  }
0x8a: {  	[sflag:s19] =	ssyncset.done $0x0  }
0x8b: {  	[sflag:s19] =	ssyncadd.s32 $0xFFFFE000  }
0x8c: {  	_ =	swait.ge [sflag:s19], $0x2000  }
0x8d: {  	[sflag:s19] =	ssyncset.done $0x0  }
0x8e: {  	[sflag:s19] =	ssyncadd.s32 $0xFFFFE000  }
0x8f: {  	_ =	swait.ge [sflag:s19], $0x2000  }
0x90: {  	[sflag:s19] =	ssyncset.done $0x0  }
0x91: {  	[sflag:s19] =	ssyncadd.s32 $0xFFFFE000  }
0x92: {  	_ =	swait.ge [sflag:s19], $0x2000  }
0x93: {  	[sflag:s19] =	ssyncset.done $0x0  }
0x94: {  	[sflag:s19] =	ssyncadd.s32 $0xFFFFE000  }
0x95: {  	_ =	swait.ge [sflag:s19], $0x2000  }
0x96: {  	[sflag:s19] =	ssyncset.done $0x0  }
0x97: {  	[sflag:s19] =	ssyncadd.s32 $0xFFFFE000  }
0x98: {  	[bflag:$0x0] =	sbarrier.arrive $0xFFFF  }
0x99: {  	_ =	swait.ge [sflag:s20], $0x6400  }
0x9a: {  	[sflag:s20] =	ssyncset.done $0x0  }
0x9b: {  	[sflag:s20] =	ssyncadd.s32 $0xFFFF9C00  }
0x9c: {  	[spmem:s2] =	stream.indirect.scatter.add.f32 [tilespmem:s16], [sflag:$0x4], $0x1, s3, s21, $0xb8;
	[tilespmem:$0x1E800] =	vst v63  }
0x9d: {  	s24 =	simm.s32 $0x6480  }
0x9e: {  	[spmem:s2] =	stream.indirect.scatter.add.f32 [tilespmem:s24], [sflag:$0x4], $0x1, s21, s21, $0xb8;
	[tilespmem:$0x1E800] =	vst v63  }
0x9f: {  	s25 =	simm.s32 $0x100;
	s26 =	simm.s32 $0x6500  }
0xa0: {  	[spmem:s2] =	stream.indirect.scatter.add.f32 [tilespmem:s26], [sflag:$0x4], $0x1, s25, s21, $0xb8;
	[tilespmem:$0x1E800] =	vst v63  }
0xa1: {  	s25 =	simm.s32 $0x180;
	s26 =	simm.s32 $0x6580  }
0xa2: {  	[spmem:s2] =	stream.indirect.scatter.add.f32 [tilespmem:s26], [sflag:$0x4], $0x1, s25, s21, $0xb8;
	[tilespmem:$0x1E800] =	vst v63  }
0xa3: {  	s25 =	simm.s32 $0x200;
	s26 =	simm.s32 $0x6600  }
0xa4: {  	[spmem:s2] =	stream.indirect.scatter.add.f32 [tilespmem:s26], [sflag:$0x4], $0x1, s25, s21, $0xb8;
	[tilespmem:$0x1E800] =	vst v63  }
0xa5: {  	s25 =	simm.s32 $0x280;
	s26 =	simm.s32 $0x6680  }
0xa6: {  	[spmem:s2] =	stream.indirect.scatter.add.f32 [tilespmem:s26], [sflag:$0x4], $0x1, s25, s21, $0xb8;
	[tilespmem:$0x1E800] =	vst v63  }
0xa7: {  	s25 =	simm.s32 $0x300;
	s26 =	simm.s32 $0x6700  }
0xa8: {  	[spmem:s2] =	stream.indirect.scatter.add.f32 [tilespmem:s26], [sflag:$0x4], $0x1, s25, s21, $0xb8;
	[tilespmem:$0x1E800] =	vst v63  }
0xa9: {  	s25 =	simm.s32 $0x380;
	s26 =	simm.s32 $0x6780  }
0xaa: {  	[spmem:s2] =	stream.indirect.scatter.add.f32 [tilespmem:s26], [sflag:$0x4], $0x1, s25, s21, $0xb8;
	[tilespmem:$0x1E800] =	vst v63  }
0xab: {  	s25 =	simm.s32 $0x400;
	s26 =	simm.s32 $0x6800  }
0xac: {  	[spmem:s2] =	stream.indirect.scatter.add.f32 [tilespmem:s26], [sflag:$0x4], $0x1, s25, s21, $0xb8;
	[tilespmem:$0x1E800] =	vst v63  }
0xad: {  	s25 =	simm.s32 $0x480;
	s26 =	simm.s32 $0x6880  }
0xae: {  	[spmem:s2] =	stream.indirect.scatter.add.f32 [tilespmem:s26], [sflag:$0x4], $0x1, s25, s21, $0xb8;
	[tilespmem:$0x1E800] =	vst v63  }
0xaf: {  	s25 =	simm.s32 $0x500;
	s26 =	simm.s32 $0x6900  }
0xb0: {  	[spmem:s2] =	stream.indirect.scatter.add.f32 [tilespmem:s26], [sflag:$0x4], $0x1, s25, s21, $0xb8;
	[tilespmem:$0x1E800] =	vst v63  }
0xb1: {  	s25 =	simm.s32 $0x580;
	s26 =	simm.s32 $0x6980  }
0xb2: {  	[spmem:s2] =	stream.indirect.scatter.add.f32 [tilespmem:s26], [sflag:$0x4], $0x1, s25, s21, $0xb8;
	[tilespmem:$0x1E800] =	vst v63  }
0xb3: {  	s25 =	simm.s32 $0x600;
	s26 =	simm.s32 $0x6A00  }
0xb4: {  	[spmem:s2] =	stream.indirect.scatter.add.f32 [tilespmem:s26], [sflag:$0x4], $0x1, s25, s21, $0xb8;
	[tilespmem:$0x1E800] =	vst v63  }
0xb5: {  	s25 =	simm.s32 $0x680;
	s26 =	simm.s32 $0x6A80  }
0xb6: {  	[spmem:s2] =	stream.indirect.scatter.add.f32 [tilespmem:s26], [sflag:$0x4], $0x1, s25, s21, $0xb8;
	[tilespmem:$0x1E800] =	vst v63  }
0xb7: {  	s25 =	simm.s32 $0x700;
	s26 =	simm.s32 $0x6B00  }
0xb8: {  	[spmem:s2] =	stream.indirect.scatter.add.f32 [tilespmem:s26], [sflag:$0x4], $0x1, s25, s21, $0xb8;
	[tilespmem:$0x1E800] =	vst v63  }
0xb9: {  	s25 =	simm.s32 $0x780;
	s26 =	simm.s32 $0x6B80  }
0xba: {  	[spmem:s2] =	stream.indirect.scatter.add.f32 [tilespmem:s26], [sflag:$0x4], $0x1, s25, s21, $0xb8;
	[tilespmem:$0x1E800] =	vst v63  }
0xbb: {  	s25 =	simm.s32 $0x800;
	s26 =	simm.s32 $0x6C00  }
0xbc: {  	[spmem:s2] =	stream.indirect.scatter.add.f32 [tilespmem:s26], [sflag:$0x4], $0x1, s25, s21, $0xb8;
	[tilespmem:$0x1E800] =	vst v63  }
0xbd: {  	s25 =	simm.s32 $0x880;
	s26 =	simm.s32 $0x6C80  }
0xbe: {  	[spmem:s2] =	stream.indirect.scatter.add.f32 [tilespmem:s26], [sflag:$0x4], $0x1, s25, s21, $0xb8;
	[tilespmem:$0x1E800] =	vst v63  }
0xbf: {  	s25 =	simm.s32 $0x900;
	s26 =	simm.s32 $0x6D00  }
0xc0: {  	[spmem:s2] =	stream.indirect.scatter.add.f32 [tilespmem:s26], [sflag:$0x4], $0x1, s25, s21, $0xb8;
	[tilespmem:$0x1E800] =	vst v63  }
0xc1: {  	s25 =	simm.s32 $0x980;
	s26 =	simm.s32 $0x6D80  }
0xc2: {  	[spmem:s2] =	stream.indirect.scatter.add.f32 [tilespmem:s26], [sflag:$0x4], $0x1, s25, s21, $0xb8;
	[tilespmem:$0x1E800] =	vst v63  }
0xc3: {  	s25 =	simm.s32 $0xA00;
	s26 =	simm.s32 $0x6E00  }
0xc4: {  	[spmem:s2] =	stream.indirect.scatter.add.f32 [tilespmem:s26], [sflag:$0x4], $0x1, s25, s21, $0xb8;
	[tilespmem:$0x1E800] =	vst v63  }
0xc5: {  	s24 =	simm.s32 $0xA80;
	s25 =	simm.s32 $0x6E80  }
0xc6: {  	[spmem:s2] =	stream.indirect.scatter.add.f32 [tilespmem:s25], [sflag:$0x4], $0x1, s24, s21, $0xb8;
	[tilespmem:$0x1E800] =	vst v63  }
0xc7: {  	s23 =	simm.s32 $0xC80;
	s26 =	simm.s32 $0xB00;
	s25 =	simm.s32 $0x6F00  }
0xc8: {  	v2 =	vadd.s32 s23, v1;
	[spmem:s2] =	stream.indirect.scatter.add.f32 [tilespmem:s25], [sflag:$0x4], $0x1, s26, s21, $0xb8;
	[tilespmem:$0x1E800] =	vst v63  }
0xc9: {  	s25 =	simm.s32 $0xB80;
	s26 =	simm.s32 $0x6F80  }
0xca: {  	[spmem:s2] =	stream.indirect.scatter.add.f32 [tilespmem:s26], [sflag:$0x4], $0x1, s25, s21, $0xb8;
	[tilespmem:$0x1E800] =	vst v63  }
0xcb: {  	s25 =	simm.s32 $0xC00;
	s26 =	simm.s32 $0x7000  }
0xcc: {  	[spmem:s2] =	stream.indirect.scatter.add.f32 [tilespmem:s26], [sflag:$0x4], $0x1, s25, s21, $0xb8;
	[tilespmem:$0x1E800] =	vst v63  }
0xcd: {  	v3 =	vld.idx.msk [tilespmem:v2+s16+$0x0], $0xffff;
	_ =	sdelay $0x1  }
0xce: {  	v4 =	vimm.f32 $0.0e+00  }
0xcf: {  	v4 =	vmul.f32 $8.187307110e-01, v4;
	_ =	sdelay $0x1  }
0xd0: {  	v4 =	vadd.f32 v3, v4  }
0xd1: {  	s24 =	simm.s32 $0xC81  }
0xd2: {  	v6 =	vadd.s32 s24, v1;
	v5 =	vmul.f32 $9.999999770e-03, v4;
	_ =	sdelay $0x1  }
0xd3: {  	v3 =	vmul.f32 v5, v3;
	_ =	sdelay $0x1  }
0xd4: {  	[tilespmem:v2+s16+$0x0] =	vst.idx.msk $0xffff, v3  }
0xd5: {  	v2 =	vld.idx.msk [tilespmem:v6+s16+$0x0], $0xffff;
	_ =	sdelay $0x2  }
0xd6: {  	v3 =	vmul.f32 $8.187307110e-01, v4;
	_ =	sdelay $0x1  }
0xd7: {  	v3 =	vadd.f32 v2, v3  }
0xd8: {  	s25 =	simm.s32 $0xC82  }
0xd9: {  	v5 =	vadd.s32 s25, v1;
	v4 =	vmul.f32 $9.999999770e-03, v3;
	_ =	sdelay $0x1  }
0xda: {  	v2 =	vmul.f32 v4, v2;
	_ =	sdelay $0x1  }
0xdb: {  	[tilespmem:v6+s16+$0x0] =	vst.idx.msk $0xffff, v2  }
0xdc: {  	v2 =	vld.idx.msk [tilespmem:v5+s16+$0x0], $0xffff;
	_ =	sdelay $0x2  }
0xdd: {  	v3 =	vmul.f32 $8.187307110e-01, v3;
	_ =	sdelay $0x1  }
0xde: {  	v4 =	vadd.f32 v2, v3  }
0xdf: {  	s26 =	simm.s32 $0xC83  }
0xe0: {  	v3 =	vadd.s32 s26, v1;
	v6 =	vmul.f32 $9.999999770e-03, v4;
	_ =	sdelay $0x1  }
0xe1: {  	v2 =	vmul.f32 v6, v2;
	_ =	sdelay $0x1  }
0xe2: {  	[tilespmem:v5+s16+$0x0] =	vst.idx.msk $0xffff, v2  }
0xe3: {  	v5 =	vld.idx.msk [tilespmem:v3+s16+$0x0], $0xffff;
	_ =	sdelay $0x2  }
0xe4: {  	v2 =	vmul.f32 $8.187307110e-01, v4;
	_ =	sdelay $0x1  }
0xe5: {  	v4 =	vadd.f32 v5, v2  }
0xe6: {  	s23 =	simm.s32 $0xC84  }
0xe7: {  	v2 =	vadd.s32 s23, v1;
	v6 =	vmul.f32 $9.999999770e-03, v4;
	_ =	sdelay $0x1  }
0xe8: {  	s24 =	simm.s32 $0xC88;
	v5 =	vmul.f32 v6, v5  }
.LBB2_6:
0xe9: {  	_ = 	snop  }
0xea: {  	p0 =	sne.s32 s24, $0xD44;
	s25 =	smov.u32 s24;
	s24 =	sadd.s32 $0x4, s24;
	[tilespmem:v3+s16+$0x0] =	vst.idx.msk $0xffff, v5  }
0xeb: {  	v3 =	vld.idx.msk [tilespmem:v2+s16+$0x0], $0xffff;
	_ =	sdelay $0x3  }
0xec: {  	v4 =	vmul.f32 $8.187307110e-01, v4;
	_ =	sdelay $0x1  }
0xed: {  	v4 =	vadd.f32 v3, v4  }
0xee: {  	s26 =	sadd.s32 $0x1, s23  }
0xef: {  	v6 =	vadd.s32 s26, v1;
	v5 =	vmul.f32 $9.999999770e-03, v4;
	_ =	sdelay $0x1  }
0xf0: {  	v3 =	vmul.f32 v5, v3;
	_ =	sdelay $0x1  }
0xf1: {  	[tilespmem:v2+s16+$0x0] =	vst.idx.msk $0xffff, v3  }
0xf2: {  	v2 =	vld.idx.msk [tilespmem:v6+s16+$0x0], $0xffff;
	_ =	sdelay $0x3  }
0xf3: {  	v3 =	vmul.f32 $8.187307110e-01, v4;
	_ =	sdelay $0x1  }
0xf4: {  	v3 =	vadd.f32 v2, v3  }
0xf5: {  	s26 =	sadd.s32 $0x2, s23  }
0xf6: {  	v5 =	vadd.s32 s26, v1;
	v4 =	vmul.f32 $9.999999770e-03, v3;
	_ =	sdelay $0x1  }
0xf7: {  	v2 =	vmul.f32 v4, v2;
	_ =	sdelay $0x1  }
0xf8: {  	[tilespmem:v6+s16+$0x0] =	vst.idx.msk $0xffff, v2  }
0xf9: {  	v2 =	vld.idx.msk [tilespmem:v5+s16+$0x0], $0xffff;
	_ =	sdelay $0x3  }
0xfa: {  	v3 =	vmul.f32 $8.187307110e-01, v3;
	_ =	sdelay $0x1  }
0xfb: {  	v4 =	vadd.f32 v2, v3  }
0xfc: {  	s26 =	sadd.s32 $0x3, s23;
	s23 =	smov.u32 s25  }
0xfd: {  	v3 =	vadd.s32 s26, v1;
	v6 =	vmul.f32 $9.999999770e-03, v4;
	_ =	sdelay $0x1  }
0xfe: {  	v2 =	vmul.f32 v6, v2;
	_ =	sdelay $0x1  }
0xff: {  	[tilespmem:v5+s16+$0x0] =	vst.idx.msk $0xffff, v2  }
0x100: {  	v5 =	vld.idx.msk [tilespmem:v3+s16+$0x0], $0xffff;
	_ =	sdelay $0x3  }
0x101: {  	v2 =	vmul.f32 $8.187307110e-01, v4;
	_ =	sdelay $0x1  }
.Ltmp2:
0x102: {  	v4 =	vadd.f32 v5, v2;
	(pc) =	sbr.rel @p0 .LBB2_6-.Ltmp2, $3  }
0x103: {  	_ = 	snop  }
0x104: {  	v2 =	vadd.s32 s23, v1;
	v6 =	vmul.f32 $9.999999770e-03, v4;
	_ =	sdelay $0x1  }
0x105: {  	v5 =	vmul.f32 v6, v5  }
0x106: {  	_ =	sdelay $0x3  }
0x107: {  	[tilespmem:v3+s16+$0x0] =	vst.idx.msk $0xffff, v5  }
0x108: {  	v3 =	vld.idx.msk [tilespmem:v2+s16+$0x0], $0xffff;
	_ =	sdelay $0x2  }
0x109: {  	v4 =	vmul.f32 $8.187307110e-01, v4;
	_ =	sdelay $0x1  }
0x10a: {  	v4 =	vadd.f32 v3, v4  }
0x10b: {  	s24 =	sadd.s32 $0x1, s23  }
0x10c: {  	v6 =	vadd.s32 s24, v1;
	v5 =	vmul.f32 $9.999999770e-03, v4;
	_ =	sdelay $0x1  }
0x10d: {  	v3 =	vmul.f32 v5, v3;
	_ =	sdelay $0x1  }
0x10e: {  	[tilespmem:v2+s16+$0x0] =	vst.idx.msk $0xffff, v3  }
0x10f: {  	v2 =	vld.idx.msk [tilespmem:v6+s16+$0x0], $0xffff;
	_ =	sdelay $0x2  }
0x110: {  	v3 =	vmul.f32 $8.187307110e-01, v4;
	_ =	sdelay $0x1  }
0x111: {  	v3 =	vadd.f32 v2, v3  }
0x112: {  	s26 =	sadd.s32 $0x2, s23  }
0x113: {  	v5 =	vadd.s32 s26, v1;
	v4 =	vmul.f32 $9.999999770e-03, v3;
	_ =	sdelay $0x1  }
0x114: {  	v2 =	vmul.f32 v4, v2;
	_ =	sdelay $0x1  }
0x115: {  	[tilespmem:v6+s16+$0x0] =	vst.idx.msk $0xffff, v2  }
0x116: {  	v2 =	vld.idx.msk [tilespmem:v5+s16+$0x0], $0xffff;
	_ =	sdelay $0x2  }
0x117: {  	v3 =	vmul.f32 $8.187307110e-01, v3;
	_ =	sdelay $0x1  }
0x118: {  	v3 =	vadd.f32 v2, v3  }
0x119: {  	s24 =	sadd.s32 $0x3, s23  }
0x11a: {  	v6 =	vadd.s32 s24, v1;
	v4 =	vmul.f32 $9.999999770e-03, v3;
	_ =	sdelay $0x1  }
0x11b: {  	v2 =	vmul.f32 v4, v2;
	_ =	sdelay $0x1  }
0x11c: {  	[tilespmem:v5+s16+$0x0] =	vst.idx.msk $0xffff, v2  }
0x11d: {  	v2 =	vld.idx.msk [tilespmem:v6+s16+$0x0], $0xffff;
	_ =	sdelay $0x2  }
0x11e: {  	v3 =	vmul.f32 $8.187307110e-01, v3;
	_ =	sdelay $0x1  }
0x11f: {  	v3 =	vadd.f32 v2, v3;
	_ =	sdelay $0x1  }
0x120: {  	v3 =	vmul.f32 $9.999999770e-03, v3;
	_ =	sdelay $0x1  }
0x121: {  	v2 =	vmul.f32 v3, v2;
	_ =	sdelay $0x1  }
0x122: {  	[tilespmem:v6+s16+$0x0] =	vst.idx.msk $0xffff, v2  }
0x123: {  	_ =	swait.ge [sflag:s30], $0x80  }
0x124: {  	[sflag:s30] =	ssyncset.done $0x0  }
0x125: {  	[sflag:s30] =	ssyncadd.s32 $0xFFFFFF80  }
0x126: {  	_ =	swait.ge [sflag:s30], $0x80  }
0x127: {  	[sflag:s30] =	ssyncset.done $0x0  }
0x128: {  	[sflag:s30] =	ssyncadd.s32 $0xFFFFFF80  }
0x129: {  	_ =	swait.ge [sflag:s30], $0x80  }
0x12a: {  	[sflag:s30] =	ssyncset.done $0x0  }
0x12b: {  	[sflag:s30] =	ssyncadd.s32 $0xFFFFFF80  }
0x12c: {  	_ =	swait.ge [sflag:s30], $0x80  }
0x12d: {  	[sflag:s30] =	ssyncset.done $0x0  }
0x12e: {  	[sflag:s30] =	ssyncadd.s32 $0xFFFFFF80  }
0x12f: {  	_ =	swait.ge [sflag:s30], $0x80  }
0x130: {  	[sflag:s30] =	ssyncset.done $0x0  }
0x131: {  	[sflag:s30] =	ssyncadd.s32 $0xFFFFFF80  }
0x132: {  	_ =	swait.ge [sflag:s30], $0x80  }
0x133: {  	[sflag:s30] =	ssyncset.done $0x0  }
0x134: {  	[sflag:s30] =	ssyncadd.s32 $0xFFFFFF80  }
0x135: {  	_ =	swait.ge [sflag:s30], $0x80  }
0x136: {  	[sflag:s30] =	ssyncset.done $0x0  }
0x137: {  	[sflag:s30] =	ssyncadd.s32 $0xFFFFFF80  }
0x138: {  	_ =	swait.ge [sflag:s30], $0x80  }
0x139: {  	[sflag:s30] =	ssyncset.done $0x0  }
0x13a: {  	[sflag:s30] =	ssyncadd.s32 $0xFFFFFF80  }
0x13b: {  	_ =	swait.ge [sflag:s30], $0x80  }
0x13c: {  	[sflag:s30] =	ssyncset.done $0x0  }
0x13d: {  	[sflag:s30] =	ssyncadd.s32 $0xFFFFFF80  }
0x13e: {  	_ =	swait.ge [sflag:s30], $0x80  }
0x13f: {  	[sflag:s30] =	ssyncset.done $0x0  }
0x140: {  	[sflag:s30] =	ssyncadd.s32 $0xFFFFFF80  }
0x141: {  	_ =	swait.ge [sflag:s30], $0x80  }
0x142: {  	[sflag:s30] =	ssyncset.done $0x0  }
0x143: {  	[sflag:s30] =	ssyncadd.s32 $0xFFFFFF80  }
0x144: {  	_ =	swait.ge [sflag:s30], $0x80  }
0x145: {  	[sflag:s30] =	ssyncset.done $0x0  }
0x146: {  	[sflag:s30] =	ssyncadd.s32 $0xFFFFFF80  }
0x147: {  	_ =	swait.ge [sflag:s30], $0x80  }
0x148: {  	[sflag:s30] =	ssyncset.done $0x0  }
0x149: {  	[sflag:s30] =	ssyncadd.s32 $0xFFFFFF80  }
0x14a: {  	_ =	swait.ge [sflag:s30], $0x80  }
0x14b: {  	[sflag:s30] =	ssyncset.done $0x0  }
0x14c: {  	[sflag:s30] =	ssyncadd.s32 $0xFFFFFF80  }
0x14d: {  	_ =	swait.ge [sflag:s30], $0x80  }
0x14e: {  	[sflag:s30] =	ssyncset.done $0x0  }
0x14f: {  	[sflag:s30] =	ssyncadd.s32 $0xFFFFFF80  }
0x150: {  	_ =	swait.ge [sflag:s30], $0x80  }
0x151: {  	[sflag:s30] =	ssyncset.done $0x0  }
0x152: {  	[sflag:s30] =	ssyncadd.s32 $0xFFFFFF80  }
0x153: {  	_ =	swait.ge [sflag:s30], $0x80  }
0x154: {  	[sflag:s30] =	ssyncset.done $0x0  }
0x155: {  	[sflag:s30] =	ssyncadd.s32 $0xFFFFFF80  }
0x156: {  	_ =	swait.ge [sflag:s30], $0x80  }
0x157: {  	[sflag:s30] =	ssyncset.done $0x0  }
0x158: {  	[sflag:s30] =	ssyncadd.s32 $0xFFFFFF80  }
0x159: {  	_ =	swait.ge [sflag:s30], $0x80  }
0x15a: {  	[sflag:s30] =	ssyncset.done $0x0  }
0x15b: {  	[sflag:s30] =	ssyncadd.s32 $0xFFFFFF80  }
0x15c: {  	_ =	swait.ge [sflag:s30], $0x80  }
0x15d: {  	[sflag:s30] =	ssyncset.done $0x0  }
0x15e: {  	[sflag:s30] =	ssyncadd.s32 $0xFFFFFF80  }
0x15f: {  	_ =	swait.ge [sflag:s30], $0x80  }
0x160: {  	[sflag:s30] =	ssyncset.done $0x0  }
0x161: {  	[sflag:s30] =	ssyncadd.s32 $0xFFFFFF80  }
0x162: {  	_ =	swait.ge [sflag:s30], $0x80  }
0x163: {  	[sflag:s30] =	ssyncset.done $0x0  }
0x164: {  	[sflag:s30] =	ssyncadd.s32 $0xFFFFFF80  }
0x165: {  	_ =	swait.ge [sflag:s30], $0x80  }
0x166: {  	[sflag:s30] =	ssyncset.done $0x0  }
0x167: {  	[sflag:s30] =	ssyncadd.s32 $0xFFFFFF80  }
0x168: {  	_ =	swait.ge [sflag:s30], $0x80  }
0x169: {  	[sflag:s30] =	ssyncset.done $0x0  }
0x16a: {  	[sflag:s30] =	ssyncadd.s32 $0xFFFFFF80  }
0x16b: {  	_ =	swait.ge [sflag:s30], $0x80  }
0x16c: {  	[sflag:s30] =	ssyncset.done $0x0  }
0x16d: {  	s25 =	simm.s32 $0xC80;
	s26 =	simm.s32 $0x7080;
	[sflag:s30] =	ssyncadd.s32 $0xFFFFFF80  }
0x16e: {  	[spmem:s2] =	stream.indirect.scatter.add.f32 [tilespmem:s26], [sflag:$0x4], $0x1, s25, s21, $0xb8;
	[tilespmem:$0x1E800] =	vst v63  }
0x16f: {  	s25 =	simm.s32 $0xD00;
	s26 =	simm.s32 $0x7100  }
0x170: {  	[spmem:s2] =	stream.indirect.scatter.add.f32 [tilespmem:s26], [sflag:$0x4], $0x1, s25, s21, $0xb8;
	[tilespmem:$0x1E800] =	vst v63  }
0x171: {  	s25 =	simm.s32 $0xD80;
	s26 =	simm.s32 $0x7180  }
0x172: {  	[spmem:s2] =	stream.indirect.scatter.add.f32 [tilespmem:s26], [sflag:$0x4], $0x1, s25, s21, $0xb8;
	[tilespmem:$0x1E800] =	vst v63  }
0x173: {  	s25 =	simm.s32 $0xE00;
	s26 =	simm.s32 $0x7200  }
0x174: {  	[spmem:s2] =	stream.indirect.scatter.add.f32 [tilespmem:s26], [sflag:$0x4], $0x1, s25, s21, $0xb8;
	[tilespmem:$0x1E800] =	vst v63  }
0x175: {  	s25 =	simm.s32 $0xE80;
	s26 =	simm.s32 $0x7280  }
0x176: {  	[spmem:s2] =	stream.indirect.scatter.add.f32 [tilespmem:s26], [sflag:$0x4], $0x1, s25, s21, $0xb8;
	[tilespmem:$0x1E800] =	vst v63  }
0x177: {  	s25 =	simm.s32 $0xF00;
	s26 =	simm.s32 $0x7300  }
0x178: {  	[spmem:s2] =	stream.indirect.scatter.add.f32 [tilespmem:s26], [sflag:$0x4], $0x1, s25, s21, $0xb8;
	[tilespmem:$0x1E800] =	vst v63  }
0x179: {  	s25 =	simm.s32 $0xF80;
	s26 =	simm.s32 $0x7380  }
0x17a: {  	[spmem:s2] =	stream.indirect.scatter.add.f32 [tilespmem:s26], [sflag:$0x4], $0x1, s25, s21, $0xb8;
	[tilespmem:$0x1E800] =	vst v63  }
0x17b: {  	s25 =	simm.s32 $0x1000;
	s26 =	simm.s32 $0x7400  }
0x17c: {  	[spmem:s2] =	stream.indirect.scatter.add.f32 [tilespmem:s26], [sflag:$0x4], $0x1, s25, s21, $0xb8;
	[tilespmem:$0x1E800] =	vst v63  }
0x17d: {  	s25 =	simm.s32 $0x1080;
	s26 =	simm.s32 $0x7480  }
0x17e: {  	[spmem:s2] =	stream.indirect.scatter.add.f32 [tilespmem:s26], [sflag:$0x4], $0x1, s25, s21, $0xb8;
	[tilespmem:$0x1E800] =	vst v63  }
0x17f: {  	s25 =	simm.s32 $0x1100;
	s26 =	simm.s32 $0x7500  }
0x180: {  	[spmem:s2] =	stream.indirect.scatter.add.f32 [tilespmem:s26], [sflag:$0x4], $0x1, s25, s21, $0xb8;
	[tilespmem:$0x1E800] =	vst v63  }
0x181: {  	s25 =	simm.s32 $0x1180;
	s26 =	simm.s32 $0x7580  }
0x182: {  	[spmem:s2] =	stream.indirect.scatter.add.f32 [tilespmem:s26], [sflag:$0x4], $0x1, s25, s21, $0xb8;
	[tilespmem:$0x1E800] =	vst v63  }
0x183: {  	s25 =	simm.s32 $0x1200;
	s26 =	simm.s32 $0x7600  }
0x184: {  	[spmem:s2] =	stream.indirect.scatter.add.f32 [tilespmem:s26], [sflag:$0x4], $0x1, s25, s21, $0xb8;
	[tilespmem:$0x1E800] =	vst v63  }
0x185: {  	s25 =	simm.s32 $0x1280;
	s26 =	simm.s32 $0x7680  }
0x186: {  	[spmem:s2] =	stream.indirect.scatter.add.f32 [tilespmem:s26], [sflag:$0x4], $0x1, s25, s21, $0xb8;
	[tilespmem:$0x1E800] =	vst v63  }
0x187: {  	s25 =	simm.s32 $0x1300;
	s26 =	simm.s32 $0x7700  }
0x188: {  	[spmem:s2] =	stream.indirect.scatter.add.f32 [tilespmem:s26], [sflag:$0x4], $0x1, s25, s21, $0xb8;
	[tilespmem:$0x1E800] =	vst v63  }
0x189: {  	s25 =	simm.s32 $0x1380;
	s26 =	simm.s32 $0x7780  }
0x18a: {  	[spmem:s2] =	stream.indirect.scatter.add.f32 [tilespmem:s26], [sflag:$0x4], $0x1, s25, s21, $0xb8;
	[tilespmem:$0x1E800] =	vst v63  }
0x18b: {  	s25 =	simm.s32 $0x1400;
	s26 =	simm.s32 $0x7800  }
0x18c: {  	[spmem:s2] =	stream.indirect.scatter.add.f32 [tilespmem:s26], [sflag:$0x4], $0x1, s25, s21, $0xb8;
	[tilespmem:$0x1E800] =	vst v63  }
0x18d: {  	s25 =	simm.s32 $0x1480;
	s26 =	simm.s32 $0x7880  }
0x18e: {  	[spmem:s2] =	stream.indirect.scatter.add.f32 [tilespmem:s26], [sflag:$0x4], $0x1, s25, s21, $0xb8;
	[tilespmem:$0x1E800] =	vst v63  }
0x18f: {  	s25 =	simm.s32 $0x1500;
	s26 =	simm.s32 $0x7900  }
0x190: {  	[spmem:s2] =	stream.indirect.scatter.add.f32 [tilespmem:s26], [sflag:$0x4], $0x1, s25, s21, $0xb8;
	[tilespmem:$0x1E800] =	vst v63  }
0x191: {  	s25 =	simm.s32 $0x1580;
	s26 =	simm.s32 $0x7980  }
0x192: {  	[spmem:s2] =	stream.indirect.scatter.add.f32 [tilespmem:s26], [sflag:$0x4], $0x1, s25, s21, $0xb8;
	[tilespmem:$0x1E800] =	vst v63  }
0x193: {  	s25 =	simm.s32 $0x1600;
	s26 =	simm.s32 $0x7A00  }
0x194: {  	[spmem:s2] =	stream.indirect.scatter.add.f32 [tilespmem:s26], [sflag:$0x4], $0x1, s25, s21, $0xb8;
	[tilespmem:$0x1E800] =	vst v63  }
0x195: {  	s25 =	simm.s32 $0x1680;
	s26 =	simm.s32 $0x7A80  }
0x196: {  	[spmem:s2] =	stream.indirect.scatter.add.f32 [tilespmem:s26], [sflag:$0x4], $0x1, s25, s21, $0xb8;
	[tilespmem:$0x1E800] =	vst v63  }
0x197: {  	s24 =	simm.s32 $0x1700;
	s25 =	simm.s32 $0x7B00  }
0x198: {  	[spmem:s2] =	stream.indirect.scatter.add.f32 [tilespmem:s25], [sflag:$0x4], $0x1, s24, s21, $0xb8;
	[tilespmem:$0x1E800] =	vst v63  }
0x199: {  	s23 =	simm.s32 $0x1900;
	s26 =	simm.s32 $0x1780;
	s25 =	simm.s32 $0x7B80  }
0x19a: {  	v2 =	vadd.s32 s23, v1;
	[spmem:s2] =	stream.indirect.scatter.add.f32 [tilespmem:s25], [sflag:$0x4], $0x1, s26, s21, $0xb8;
	[tilespmem:$0x1E800] =	vst v63  }
0x19b: {  	s25 =	simm.s32 $0x1800;
	s26 =	simm.s32 $0x7C00  }
0x19c: {  	[spmem:s2] =	stream.indirect.scatter.add.f32 [tilespmem:s26], [sflag:$0x4], $0x1, s25, s21, $0xb8;
	[tilespmem:$0x1E800] =	vst v63  }
0x19d: {  	s25 =	simm.s32 $0x1880;
	s26 =	simm.s32 $0x7C80  }
0x19e: {  	[spmem:s2] =	stream.indirect.scatter.add.f32 [tilespmem:s26], [sflag:$0x4], $0x1, s25, s21, $0xb8;
	[tilespmem:$0x1E800] =	vst v63  }
0x19f: {  	v3 =	vld.idx.msk [tilespmem:v2+s16+$0x0], $0xffff;
	_ =	sdelay $0x1  }
0x1a0: {  	v4 =	vimm.f32 $0.0e+00  }
0x1a1: {  	v4 =	vmul.f32 $8.187307110e-01, v4;
	_ =	sdelay $0x1  }
0x1a2: {  	v4 =	vadd.f32 v3, v4  }
0x1a3: {  	s24 =	simm.s32 $0x1901  }
0x1a4: {  	v6 =	vadd.s32 s24, v1;
	v5 =	vmul.f32 $9.999999770e-03, v4;
	_ =	sdelay $0x1  }
0x1a5: {  	v3 =	vmul.f32 v5, v3;
	_ =	sdelay $0x1  }
0x1a6: {  	[tilespmem:v2+s16+$0x0] =	vst.idx.msk $0xffff, v3  }
0x1a7: {  	v2 =	vld.idx.msk [tilespmem:v6+s16+$0x0], $0xffff;
	_ =	sdelay $0x2  }
0x1a8: {  	v3 =	vmul.f32 $8.187307110e-01, v4;
	_ =	sdelay $0x1  }
0x1a9: {  	v3 =	vadd.f32 v2, v3  }
0x1aa: {  	s25 =	simm.s32 $0x1902  }
0x1ab: {  	v5 =	vadd.s32 s25, v1;
	v4 =	vmul.f32 $9.999999770e-03, v3;
	_ =	sdelay $0x1  }
0x1ac: {  	v2 =	vmul.f32 v4, v2;
	_ =	sdelay $0x1  }
0x1ad: {  	[tilespmem:v6+s16+$0x0] =	vst.idx.msk $0xffff, v2  }
0x1ae: {  	v2 =	vld.idx.msk [tilespmem:v5+s16+$0x0], $0xffff;
	_ =	sdelay $0x2  }
0x1af: {  	v3 =	vmul.f32 $8.187307110e-01, v3;
	_ =	sdelay $0x1  }
0x1b0: {  	v4 =	vadd.f32 v2, v3  }
0x1b1: {  	s26 =	simm.s32 $0x1903  }
0x1b2: {  	v3 =	vadd.s32 s26, v1;
	v6 =	vmul.f32 $9.999999770e-03, v4;
	_ =	sdelay $0x1  }
0x1b3: {  	v2 =	vmul.f32 v6, v2;
	_ =	sdelay $0x1  }
0x1b4: {  	[tilespmem:v5+s16+$0x0] =	vst.idx.msk $0xffff, v2  }
0x1b5: {  	v5 =	vld.idx.msk [tilespmem:v3+s16+$0x0], $0xffff;
	_ =	sdelay $0x2  }
0x1b6: {  	v2 =	vmul.f32 $8.187307110e-01, v4;
	_ =	sdelay $0x1  }
0x1b7: {  	v4 =	vadd.f32 v5, v2  }
0x1b8: {  	s23 =	simm.s32 $0x1904  }
0x1b9: {  	v2 =	vadd.s32 s23, v1;
	v6 =	vmul.f32 $9.999999770e-03, v4;
	_ =	sdelay $0x1  }
0x1ba: {  	s24 =	simm.s32 $0x1908;
	v5 =	vmul.f32 v6, v5  }
.LBB2_8:
0x1bb: {  	_ = 	snop  }
0x1bc: {  	p0 =	sne.s32 s24, $0x19C4;
	s25 =	smov.u32 s24;
	s24 =	sadd.s32 $0x4, s24;
	[tilespmem:v3+s16+$0x0] =	vst.idx.msk $0xffff, v5  }
0x1bd: {  	v3 =	vld.idx.msk [tilespmem:v2+s16+$0x0], $0xffff;
	_ =	sdelay $0x3  }
0x1be: {  	v4 =	vmul.f32 $8.187307110e-01, v4;
	_ =	sdelay $0x1  }
0x1bf: {  	v4 =	vadd.f32 v3, v4  }
0x1c0: {  	s26 =	sadd.s32 $0x1, s23  }
0x1c1: {  	v6 =	vadd.s32 s26, v1;
	v5 =	vmul.f32 $9.999999770e-03, v4;
	_ =	sdelay $0x1  }
0x1c2: {  	v3 =	vmul.f32 v5, v3;
	_ =	sdelay $0x1  }
0x1c3: {  	[tilespmem:v2+s16+$0x0] =	vst.idx.msk $0xffff, v3  }
0x1c4: {  	v2 =	vld.idx.msk [tilespmem:v6+s16+$0x0], $0xffff;
	_ =	sdelay $0x3  }
0x1c5: {  	v3 =	vmul.f32 $8.187307110e-01, v4;
	_ =	sdelay $0x1  }
0x1c6: {  	v3 =	vadd.f32 v2, v3  }
0x1c7: {  	s26 =	sadd.s32 $0x2, s23  }
0x1c8: {  	v5 =	vadd.s32 s26, v1;
	v4 =	vmul.f32 $9.999999770e-03, v3;
	_ =	sdelay $0x1  }
0x1c9: {  	v2 =	vmul.f32 v4, v2;
	_ =	sdelay $0x1  }
0x1ca: {  	[tilespmem:v6+s16+$0x0] =	vst.idx.msk $0xffff, v2  }
0x1cb: {  	v2 =	vld.idx.msk [tilespmem:v5+s16+$0x0], $0xffff;
	_ =	sdelay $0x3  }
0x1cc: {  	v3 =	vmul.f32 $8.187307110e-01, v3;
	_ =	sdelay $0x1  }
0x1cd: {  	v4 =	vadd.f32 v2, v3  }
0x1ce: {  	s26 =	sadd.s32 $0x3, s23;
	s23 =	smov.u32 s25  }
0x1cf: {  	v3 =	vadd.s32 s26, v1;
	v6 =	vmul.f32 $9.999999770e-03, v4;
	_ =	sdelay $0x1  }
0x1d0: {  	v2 =	vmul.f32 v6, v2;
	_ =	sdelay $0x1  }
0x1d1: {  	[tilespmem:v5+s16+$0x0] =	vst.idx.msk $0xffff, v2  }
0x1d2: {  	v5 =	vld.idx.msk [tilespmem:v3+s16+$0x0], $0xffff;
	_ =	sdelay $0x3  }
0x1d3: {  	v2 =	vmul.f32 $8.187307110e-01, v4;
	_ =	sdelay $0x1  }
.Ltmp3:
0x1d4: {  	v4 =	vadd.f32 v5, v2;
	(pc) =	sbr.rel @p0 .LBB2_8-.Ltmp3, $3  }
0x1d5: {  	_ = 	snop  }
0x1d6: {  	v2 =	vadd.s32 s23, v1;
	v6 =	vmul.f32 $9.999999770e-03, v4;
	_ =	sdelay $0x1  }
0x1d7: {  	v5 =	vmul.f32 v6, v5  }
0x1d8: {  	_ =	sdelay $0x3  }
0x1d9: {  	[tilespmem:v3+s16+$0x0] =	vst.idx.msk $0xffff, v5  }
0x1da: {  	v3 =	vld.idx.msk [tilespmem:v2+s16+$0x0], $0xffff;
	_ =	sdelay $0x2  }
0x1db: {  	v4 =	vmul.f32 $8.187307110e-01, v4;
	_ =	sdelay $0x1  }
0x1dc: {  	v4 =	vadd.f32 v3, v4  }
0x1dd: {  	s24 =	sadd.s32 $0x1, s23  }
0x1de: {  	v6 =	vadd.s32 s24, v1;
	v5 =	vmul.f32 $9.999999770e-03, v4;
	_ =	sdelay $0x1  }
0x1df: {  	v3 =	vmul.f32 v5, v3;
	_ =	sdelay $0x1  }
0x1e0: {  	[tilespmem:v2+s16+$0x0] =	vst.idx.msk $0xffff, v3  }
0x1e1: {  	v2 =	vld.idx.msk [tilespmem:v6+s16+$0x0], $0xffff;
	_ =	sdelay $0x2  }
0x1e2: {  	v3 =	vmul.f32 $8.187307110e-01, v4;
	_ =	sdelay $0x1  }
0x1e3: {  	v3 =	vadd.f32 v2, v3  }
0x1e4: {  	s26 =	sadd.s32 $0x2, s23  }
0x1e5: {  	v5 =	vadd.s32 s26, v1;
	v4 =	vmul.f32 $9.999999770e-03, v3;
	_ =	sdelay $0x1  }
0x1e6: {  	v2 =	vmul.f32 v4, v2;
	_ =	sdelay $0x1  }
0x1e7: {  	[tilespmem:v6+s16+$0x0] =	vst.idx.msk $0xffff, v2  }
0x1e8: {  	v2 =	vld.idx.msk [tilespmem:v5+s16+$0x0], $0xffff;
	_ =	sdelay $0x2  }
0x1e9: {  	v3 =	vmul.f32 $8.187307110e-01, v3;
	_ =	sdelay $0x1  }
0x1ea: {  	v3 =	vadd.f32 v2, v3  }
0x1eb: {  	s24 =	sadd.s32 $0x3, s23  }
0x1ec: {  	v6 =	vadd.s32 s24, v1;
	v4 =	vmul.f32 $9.999999770e-03, v3;
	_ =	sdelay $0x1  }
0x1ed: {  	v2 =	vmul.f32 v4, v2;
	_ =	sdelay $0x1  }
0x1ee: {  	[tilespmem:v5+s16+$0x0] =	vst.idx.msk $0xffff, v2  }
0x1ef: {  	v2 =	vld.idx.msk [tilespmem:v6+s16+$0x0], $0xffff;
	_ =	sdelay $0x2  }
0x1f0: {  	v3 =	vmul.f32 $8.187307110e-01, v3;
	_ =	sdelay $0x1  }
0x1f1: {  	v3 =	vadd.f32 v2, v3;
	_ =	sdelay $0x1  }
0x1f2: {  	v3 =	vmul.f32 $9.999999770e-03, v3;
	_ =	sdelay $0x1  }
0x1f3: {  	v2 =	vmul.f32 v3, v2;
	_ =	sdelay $0x1  }
0x1f4: {  	[tilespmem:v6+s16+$0x0] =	vst.idx.msk $0xffff, v2  }
0x1f5: {  	_ =	swait.ge [sflag:s30], $0x80  }
0x1f6: {  	[sflag:s30] =	ssyncset.done $0x0  }
0x1f7: {  	[sflag:s30] =	ssyncadd.s32 $0xFFFFFF80  }
0x1f8: {  	_ =	swait.ge [sflag:s30], $0x80  }
0x1f9: {  	[sflag:s30] =	ssyncset.done $0x0  }
0x1fa: {  	[sflag:s30] =	ssyncadd.s32 $0xFFFFFF80  }
0x1fb: {  	_ =	swait.ge [sflag:s30], $0x80  }
0x1fc: {  	[sflag:s30] =	ssyncset.done $0x0  }
0x1fd: {  	[sflag:s30] =	ssyncadd.s32 $0xFFFFFF80  }
0x1fe: {  	_ =	swait.ge [sflag:s30], $0x80  }
0x1ff: {  	[sflag:s30] =	ssyncset.done $0x0  }
0x200: {  	[sflag:s30] =	ssyncadd.s32 $0xFFFFFF80  }
0x201: {  	_ =	swait.ge [sflag:s30], $0x80  }
0x202: {  	[sflag:s30] =	ssyncset.done $0x0  }
0x203: {  	[sflag:s30] =	ssyncadd.s32 $0xFFFFFF80  }
0x204: {  	_ =	swait.ge [sflag:s30], $0x80  }
0x205: {  	[sflag:s30] =	ssyncset.done $0x0  }
0x206: {  	[sflag:s30] =	ssyncadd.s32 $0xFFFFFF80  }
0x207: {  	_ =	swait.ge [sflag:s30], $0x80  }
0x208: {  	[sflag:s30] =	ssyncset.done $0x0  }
0x209: {  	[sflag:s30] =	ssyncadd.s32 $0xFFFFFF80  }
0x20a: {  	_ =	swait.ge [sflag:s30], $0x80  }
0x20b: {  	[sflag:s30] =	ssyncset.done $0x0  }
0x20c: {  	[sflag:s30] =	ssyncadd.s32 $0xFFFFFF80  }
0x20d: {  	_ =	swait.ge [sflag:s30], $0x80  }
0x20e: {  	[sflag:s30] =	ssyncset.done $0x0  }
0x20f: {  	[sflag:s30] =	ssyncadd.s32 $0xFFFFFF80  }
0x210: {  	_ =	swait.ge [sflag:s30], $0x80  }
0x211: {  	[sflag:s30] =	ssyncset.done $0x0  }
0x212: {  	[sflag:s30] =	ssyncadd.s32 $0xFFFFFF80  }
0x213: {  	_ =	swait.ge [sflag:s30], $0x80  }
0x214: {  	[sflag:s30] =	ssyncset.done $0x0  }
0x215: {  	[sflag:s30] =	ssyncadd.s32 $0xFFFFFF80  }
0x216: {  	_ =	swait.ge [sflag:s30], $0x80  }
0x217: {  	[sflag:s30] =	ssyncset.done $0x0  }
0x218: {  	[sflag:s30] =	ssyncadd.s32 $0xFFFFFF80  }
0x219: {  	_ =	swait.ge [sflag:s30], $0x80  }
0x21a: {  	[sflag:s30] =	ssyncset.done $0x0  }
0x21b: {  	[sflag:s30] =	ssyncadd.s32 $0xFFFFFF80  }
0x21c: {  	_ =	swait.ge [sflag:s30], $0x80  }
0x21d: {  	[sflag:s30] =	ssyncset.done $0x0  }
0x21e: {  	[sflag:s30] =	ssyncadd.s32 $0xFFFFFF80  }
0x21f: {  	_ =	swait.ge [sflag:s30], $0x80  }
0x220: {  	[sflag:s30] =	ssyncset.done $0x0  }
0x221: {  	[sflag:s30] =	ssyncadd.s32 $0xFFFFFF80  }
0x222: {  	_ =	swait.ge [sflag:s30], $0x80  }
0x223: {  	[sflag:s30] =	ssyncset.done $0x0  }
0x224: {  	[sflag:s30] =	ssyncadd.s32 $0xFFFFFF80  }
0x225: {  	_ =	swait.ge [sflag:s30], $0x80  }
0x226: {  	[sflag:s30] =	ssyncset.done $0x0  }
0x227: {  	[sflag:s30] =	ssyncadd.s32 $0xFFFFFF80  }
0x228: {  	_ =	swait.ge [sflag:s30], $0x80  }
0x229: {  	[sflag:s30] =	ssyncset.done $0x0  }
0x22a: {  	[sflag:s30] =	ssyncadd.s32 $0xFFFFFF80  }
0x22b: {  	_ =	swait.ge [sflag:s30], $0x80  }
0x22c: {  	[sflag:s30] =	ssyncset.done $0x0  }
0x22d: {  	[sflag:s30] =	ssyncadd.s32 $0xFFFFFF80  }
0x22e: {  	_ =	swait.ge [sflag:s30], $0x80  }
0x22f: {  	[sflag:s30] =	ssyncset.done $0x0  }
0x230: {  	[sflag:s30] =	ssyncadd.s32 $0xFFFFFF80  }
0x231: {  	_ =	swait.ge [sflag:s30], $0x80  }
0x232: {  	[sflag:s30] =	ssyncset.done $0x0  }
0x233: {  	[sflag:s30] =	ssyncadd.s32 $0xFFFFFF80  }
0x234: {  	_ =	swait.ge [sflag:s30], $0x80  }
0x235: {  	[sflag:s30] =	ssyncset.done $0x0  }
0x236: {  	[sflag:s30] =	ssyncadd.s32 $0xFFFFFF80  }
0x237: {  	_ =	swait.ge [sflag:s30], $0x80  }
0x238: {  	[sflag:s30] =	ssyncset.done $0x0  }
0x239: {  	[sflag:s30] =	ssyncadd.s32 $0xFFFFFF80  }
0x23a: {  	_ =	swait.ge [sflag:s30], $0x80  }
0x23b: {  	[sflag:s30] =	ssyncset.done $0x0  }
0x23c: {  	[sflag:s30] =	ssyncadd.s32 $0xFFFFFF80  }
0x23d: {  	_ =	swait.ge [sflag:s30], $0x80  }
0x23e: {  	[sflag:s30] =	ssyncset.done $0x0  }
0x23f: {  	s25 =	simm.s32 $0x1900;
	s26 =	simm.s32 $0x7D00;
	[sflag:s30] =	ssyncadd.s32 $0xFFFFFF80  }
0x240: {  	[spmem:s2] =	stream.indirect.scatter.add.f32 [tilespmem:s26], [sflag:$0x4], $0x1, s25, s21, $0xb8;
	[tilespmem:$0x1E800] =	vst v63  }
0x241: {  	s25 =	simm.s32 $0x1980;
	s26 =	simm.s32 $0x7D80  }
0x242: {  	[spmem:s2] =	stream.indirect.scatter.add.f32 [tilespmem:s26], [sflag:$0x4], $0x1, s25, s21, $0xb8;
	[tilespmem:$0x1E800] =	vst v63  }
0x243: {  	s25 =	simm.s32 $0x1A00;
	s26 =	simm.s32 $0x7E00  }
0x244: {  	[spmem:s2] =	stream.indirect.scatter.add.f32 [tilespmem:s26], [sflag:$0x4], $0x1, s25, s21, $0xb8;
	[tilespmem:$0x1E800] =	vst v63  }
0x245: {  	s25 =	simm.s32 $0x1A80;
	s26 =	simm.s32 $0x7E80  }
0x246: {  	[spmem:s2] =	stream.indirect.scatter.add.f32 [tilespmem:s26], [sflag:$0x4], $0x1, s25, s21, $0xb8;
	[tilespmem:$0x1E800] =	vst v63  }
0x247: {  	s25 =	simm.s32 $0x1B00;
	s26 =	simm.s32 $0x7F00  }
0x248: {  	[spmem:s2] =	stream.indirect.scatter.add.f32 [tilespmem:s26], [sflag:$0x4], $0x1, s25, s21, $0xb8;
	[tilespmem:$0x1E800] =	vst v63  }
0x249: {  	s25 =	simm.s32 $0x1B80;
	s26 =	simm.s32 $0x7F80  }
0x24a: {  	[spmem:s2] =	stream.indirect.scatter.add.f32 [tilespmem:s26], [sflag:$0x4], $0x1, s25, s21, $0xb8;
	[tilespmem:$0x1E800] =	vst v63  }
0x24b: {  	s25 =	simm.s32 $0x1C00;
	s26 =	simm.s32 $0x8000  }
0x24c: {  	[spmem:s2] =	stream.indirect.scatter.add.f32 [tilespmem:s26], [sflag:$0x4], $0x1, s25, s21, $0xb8;
	[tilespmem:$0x1E800] =	vst v63  }
0x24d: {  	s25 =	simm.s32 $0x1C80;
	s26 =	simm.s32 $0x8080  }
0x24e: {  	[spmem:s2] =	stream.indirect.scatter.add.f32 [tilespmem:s26], [sflag:$0x4], $0x1, s25, s21, $0xb8;
	[tilespmem:$0x1E800] =	vst v63  }
0x24f: {  	s25 =	simm.s32 $0x1D00;
	s26 =	simm.s32 $0x8100  }
0x250: {  	[spmem:s2] =	stream.indirect.scatter.add.f32 [tilespmem:s26], [sflag:$0x4], $0x1, s25, s21, $0xb8;
	[tilespmem:$0x1E800] =	vst v63  }
0x251: {  	s25 =	simm.s32 $0x1D80;
	s26 =	simm.s32 $0x8180  }
0x252: {  	[spmem:s2] =	stream.indirect.scatter.add.f32 [tilespmem:s26], [sflag:$0x4], $0x1, s25, s21, $0xb8;
	[tilespmem:$0x1E800] =	vst v63  }
0x253: {  	s25 =	simm.s32 $0x1E00;
	s26 =	simm.s32 $0x8200  }
0x254: {  	[spmem:s2] =	stream.indirect.scatter.add.f32 [tilespmem:s26], [sflag:$0x4], $0x1, s25, s21, $0xb8;
	[tilespmem:$0x1E800] =	vst v63  }
0x255: {  	s25 =	simm.s32 $0x1E80;
	s26 =	simm.s32 $0x8280  }
0x256: {  	[spmem:s2] =	stream.indirect.scatter.add.f32 [tilespmem:s26], [sflag:$0x4], $0x1, s25, s21, $0xb8;
	[tilespmem:$0x1E800] =	vst v63  }
0x257: {  	s25 =	simm.s32 $0x1F00;
	s26 =	simm.s32 $0x8300  }
0x258: {  	[spmem:s2] =	stream.indirect.scatter.add.f32 [tilespmem:s26], [sflag:$0x4], $0x1, s25, s21, $0xb8;
	[tilespmem:$0x1E800] =	vst v63  }
0x259: {  	s25 =	simm.s32 $0x1F80;
	s26 =	simm.s32 $0x8380  }
0x25a: {  	[spmem:s2] =	stream.indirect.scatter.add.f32 [tilespmem:s26], [sflag:$0x4], $0x1, s25, s21, $0xb8;
	[tilespmem:$0x1E800] =	vst v63  }
0x25b: {  	s25 =	simm.s32 $0x2000;
	s26 =	simm.s32 $0x8400  }
0x25c: {  	[spmem:s2] =	stream.indirect.scatter.add.f32 [tilespmem:s26], [sflag:$0x4], $0x1, s25, s21, $0xb8;
	[tilespmem:$0x1E800] =	vst v63  }
0x25d: {  	s25 =	simm.s32 $0x2080;
	s26 =	simm.s32 $0x8480  }
0x25e: {  	[spmem:s2] =	stream.indirect.scatter.add.f32 [tilespmem:s26], [sflag:$0x4], $0x1, s25, s21, $0xb8;
	[tilespmem:$0x1E800] =	vst v63  }
0x25f: {  	s25 =	simm.s32 $0x2100;
	s26 =	simm.s32 $0x8500  }
0x260: {  	[spmem:s2] =	stream.indirect.scatter.add.f32 [tilespmem:s26], [sflag:$0x4], $0x1, s25, s21, $0xb8;
	[tilespmem:$0x1E800] =	vst v63  }
0x261: {  	s25 =	simm.s32 $0x2180;
	s26 =	simm.s32 $0x8580  }
0x262: {  	[spmem:s2] =	stream.indirect.scatter.add.f32 [tilespmem:s26], [sflag:$0x4], $0x1, s25, s21, $0xb8;
	[tilespmem:$0x1E800] =	vst v63  }
0x263: {  	s25 =	simm.s32 $0x2200;
	s26 =	simm.s32 $0x8600  }
0x264: {  	[spmem:s2] =	stream.indirect.scatter.add.f32 [tilespmem:s26], [sflag:$0x4], $0x1, s25, s21, $0xb8;
	[tilespmem:$0x1E800] =	vst v63  }
0x265: {  	s25 =	simm.s32 $0x2280;
	s26 =	simm.s32 $0x8680  }
0x266: {  	[spmem:s2] =	stream.indirect.scatter.add.f32 [tilespmem:s26], [sflag:$0x4], $0x1, s25, s21, $0xb8;
	[tilespmem:$0x1E800] =	vst v63  }
0x267: {  	s25 =	simm.s32 $0x2300;
	s26 =	simm.s32 $0x8700  }
0x268: {  	[spmem:s2] =	stream.indirect.scatter.add.f32 [tilespmem:s26], [sflag:$0x4], $0x1, s25, s21, $0xb8;
	[tilespmem:$0x1E800] =	vst v63  }
0x269: {  	s24 =	simm.s32 $0x2380;
	s25 =	simm.s32 $0x8780  }
0x26a: {  	[spmem:s2] =	stream.indirect.scatter.add.f32 [tilespmem:s25], [sflag:$0x4], $0x1, s24, s21, $0xb8;
	[tilespmem:$0x1E800] =	vst v63  }
0x26b: {  	s23 =	simm.s32 $0x2580;
	s26 =	simm.s32 $0x2400;
	s25 =	simm.s32 $0x8800  }
0x26c: {  	v2 =	vadd.s32 s23, v1;
	[spmem:s2] =	stream.indirect.scatter.add.f32 [tilespmem:s25], [sflag:$0x4], $0x1, s26, s21, $0xb8;
	[tilespmem:$0x1E800] =	vst v63  }
0x26d: {  	s25 =	simm.s32 $0x2480;
	s26 =	simm.s32 $0x8880  }
0x26e: {  	[spmem:s2] =	stream.indirect.scatter.add.f32 [tilespmem:s26], [sflag:$0x4], $0x1, s25, s21, $0xb8;
	[tilespmem:$0x1E800] =	vst v63  }
0x26f: {  	s25 =	simm.s32 $0x2500;
	s26 =	simm.s32 $0x8900  }
0x270: {  	[spmem:s2] =	stream.indirect.scatter.add.f32 [tilespmem:s26], [sflag:$0x4], $0x1, s25, s21, $0xb8;
	[tilespmem:$0x1E800] =	vst v63  }
0x271: {  	v3 =	vld.idx.msk [tilespmem:v2+s16+$0x0], $0xffff;
	_ =	sdelay $0x1  }
0x272: {  	v4 =	vimm.f32 $0.0e+00  }
0x273: {  	v4 =	vmul.f32 $8.187307110e-01, v4;
	_ =	sdelay $0x1  }
0x274: {  	v4 =	vadd.f32 v3, v4  }
0x275: {  	s24 =	simm.s32 $0x2581  }
0x276: {  	v6 =	vadd.s32 s24, v1;
	v5 =	vmul.f32 $9.999999770e-03, v4;
	_ =	sdelay $0x1  }
0x277: {  	v3 =	vmul.f32 v5, v3;
	_ =	sdelay $0x1  }
0x278: {  	[tilespmem:v2+s16+$0x0] =	vst.idx.msk $0xffff, v3  }
0x279: {  	v2 =	vld.idx.msk [tilespmem:v6+s16+$0x0], $0xffff;
	_ =	sdelay $0x2  }
0x27a: {  	v3 =	vmul.f32 $8.187307110e-01, v4;
	_ =	sdelay $0x1  }
0x27b: {  	v3 =	vadd.f32 v2, v3  }
0x27c: {  	s25 =	simm.s32 $0x2582  }
0x27d: {  	v5 =	vadd.s32 s25, v1;
	v4 =	vmul.f32 $9.999999770e-03, v3;
	_ =	sdelay $0x1  }
0x27e: {  	v2 =	vmul.f32 v4, v2;
	_ =	sdelay $0x1  }
0x27f: {  	[tilespmem:v6+s16+$0x0] =	vst.idx.msk $0xffff, v2  }
0x280: {  	v2 =	vld.idx.msk [tilespmem:v5+s16+$0x0], $0xffff;
	_ =	sdelay $0x2  }
0x281: {  	v3 =	vmul.f32 $8.187307110e-01, v3;
	_ =	sdelay $0x1  }
0x282: {  	v4 =	vadd.f32 v2, v3  }
0x283: {  	s26 =	simm.s32 $0x2583  }
0x284: {  	v3 =	vadd.s32 s26, v1;
	v6 =	vmul.f32 $9.999999770e-03, v4;
	_ =	sdelay $0x1  }
0x285: {  	v2 =	vmul.f32 v6, v2;
	_ =	sdelay $0x1  }
0x286: {  	[tilespmem:v5+s16+$0x0] =	vst.idx.msk $0xffff, v2  }
0x287: {  	v5 =	vld.idx.msk [tilespmem:v3+s16+$0x0], $0xffff;
	_ =	sdelay $0x2  }
0x288: {  	v2 =	vmul.f32 $8.187307110e-01, v4;
	_ =	sdelay $0x1  }
0x289: {  	v4 =	vadd.f32 v5, v2  }
0x28a: {  	s23 =	simm.s32 $0x2584  }
0x28b: {  	v2 =	vadd.s32 s23, v1;
	v6 =	vmul.f32 $9.999999770e-03, v4;
	_ =	sdelay $0x1  }
0x28c: {  	s24 =	simm.s32 $0x2588;
	v5 =	vmul.f32 v6, v5  }
.LBB2_10:
0x28d: {  	_ = 	snop  }
0x28e: {  	p0 =	sne.s32 s24, $0x2644;
	s25 =	smov.u32 s24;
	s24 =	sadd.s32 $0x4, s24;
	[tilespmem:v3+s16+$0x0] =	vst.idx.msk $0xffff, v5  }
0x28f: {  	v3 =	vld.idx.msk [tilespmem:v2+s16+$0x0], $0xffff;
	_ =	sdelay $0x3  }
0x290: {  	v4 =	vmul.f32 $8.187307110e-01, v4;
	_ =	sdelay $0x1  }
0x291: {  	v4 =	vadd.f32 v3, v4  }
0x292: {  	s26 =	sadd.s32 $0x1, s23  }
0x293: {  	v6 =	vadd.s32 s26, v1;
	v5 =	vmul.f32 $9.999999770e-03, v4;
	_ =	sdelay $0x1  }
0x294: {  	v3 =	vmul.f32 v5, v3;
	_ =	sdelay $0x1  }
0x295: {  	[tilespmem:v2+s16+$0x0] =	vst.idx.msk $0xffff, v3  }
0x296: {  	v2 =	vld.idx.msk [tilespmem:v6+s16+$0x0], $0xffff;
	_ =	sdelay $0x3  }
0x297: {  	v3 =	vmul.f32 $8.187307110e-01, v4;
	_ =	sdelay $0x1  }
0x298: {  	v3 =	vadd.f32 v2, v3  }
0x299: {  	s26 =	sadd.s32 $0x2, s23  }
0x29a: {  	v5 =	vadd.s32 s26, v1;
	v4 =	vmul.f32 $9.999999770e-03, v3;
	_ =	sdelay $0x1  }
0x29b: {  	v2 =	vmul.f32 v4, v2;
	_ =	sdelay $0x1  }
0x29c: {  	[tilespmem:v6+s16+$0x0] =	vst.idx.msk $0xffff, v2  }
0x29d: {  	v2 =	vld.idx.msk [tilespmem:v5+s16+$0x0], $0xffff;
	_ =	sdelay $0x3  }
0x29e: {  	v3 =	vmul.f32 $8.187307110e-01, v3;
	_ =	sdelay $0x1  }
0x29f: {  	v4 =	vadd.f32 v2, v3  }
0x2a0: {  	s26 =	sadd.s32 $0x3, s23;
	s23 =	smov.u32 s25  }
0x2a1: {  	v3 =	vadd.s32 s26, v1;
	v6 =	vmul.f32 $9.999999770e-03, v4;
	_ =	sdelay $0x1  }
0x2a2: {  	v2 =	vmul.f32 v6, v2;
	_ =	sdelay $0x1  }
0x2a3: {  	[tilespmem:v5+s16+$0x0] =	vst.idx.msk $0xffff, v2  }
0x2a4: {  	v5 =	vld.idx.msk [tilespmem:v3+s16+$0x0], $0xffff;
	_ =	sdelay $0x3  }
0x2a5: {  	v2 =	vmul.f32 $8.187307110e-01, v4;
	_ =	sdelay $0x1  }
.Ltmp4:
0x2a6: {  	v4 =	vadd.f32 v5, v2;
	(pc) =	sbr.rel @p0 .LBB2_10-.Ltmp4, $3  }
0x2a7: {  	_ = 	snop  }
0x2a8: {  	v2 =	vadd.s32 s23, v1;
	v6 =	vmul.f32 $9.999999770e-03, v4;
	_ =	sdelay $0x1  }
0x2a9: {  	v5 =	vmul.f32 v6, v5  }
0x2aa: {  	_ =	sdelay $0x3  }
0x2ab: {  	[tilespmem:v3+s16+$0x0] =	vst.idx.msk $0xffff, v5  }
0x2ac: {  	v3 =	vld.idx.msk [tilespmem:v2+s16+$0x0], $0xffff;
	_ =	sdelay $0x2  }
0x2ad: {  	v4 =	vmul.f32 $8.187307110e-01, v4;
	_ =	sdelay $0x1  }
0x2ae: {  	v4 =	vadd.f32 v3, v4  }
0x2af: {  	s24 =	sadd.s32 $0x1, s23  }
0x2b0: {  	v6 =	vadd.s32 s24, v1;
	v5 =	vmul.f32 $9.999999770e-03, v4;
	_ =	sdelay $0x1  }
0x2b1: {  	v3 =	vmul.f32 v5, v3;
	_ =	sdelay $0x1  }
0x2b2: {  	[tilespmem:v2+s16+$0x0] =	vst.idx.msk $0xffff, v3  }
0x2b3: {  	v2 =	vld.idx.msk [tilespmem:v6+s16+$0x0], $0xffff;
	_ =	sdelay $0x2  }
0x2b4: {  	v3 =	vmul.f32 $8.187307110e-01, v4;
	_ =	sdelay $0x1  }
0x2b5: {  	v3 =	vadd.f32 v2, v3  }
0x2b6: {  	s26 =	sadd.s32 $0x2, s23  }
0x2b7: {  	v5 =	vadd.s32 s26, v1;
	v4 =	vmul.f32 $9.999999770e-03, v3;
	_ =	sdelay $0x1  }
0x2b8: {  	v2 =	vmul.f32 v4, v2;
	_ =	sdelay $0x1  }
0x2b9: {  	[tilespmem:v6+s16+$0x0] =	vst.idx.msk $0xffff, v2  }
0x2ba: {  	v2 =	vld.idx.msk [tilespmem:v5+s16+$0x0], $0xffff;
	_ =	sdelay $0x2  }
0x2bb: {  	v3 =	vmul.f32 $8.187307110e-01, v3;
	_ =	sdelay $0x1  }
0x2bc: {  	v3 =	vadd.f32 v2, v3  }
0x2bd: {  	s24 =	sadd.s32 $0x3, s23  }
0x2be: {  	v6 =	vadd.s32 s24, v1;
	v4 =	vmul.f32 $9.999999770e-03, v3;
	_ =	sdelay $0x1  }
0x2bf: {  	v2 =	vmul.f32 v4, v2;
	_ =	sdelay $0x1  }
0x2c0: {  	[tilespmem:v5+s16+$0x0] =	vst.idx.msk $0xffff, v2  }
0x2c1: {  	v2 =	vld.idx.msk [tilespmem:v6+s16+$0x0], $0xffff;
	_ =	sdelay $0x2  }
0x2c2: {  	v3 =	vmul.f32 $8.187307110e-01, v3;
	_ =	sdelay $0x1  }
0x2c3: {  	v3 =	vadd.f32 v2, v3;
	_ =	sdelay $0x1  }
0x2c4: {  	v3 =	vmul.f32 $9.999999770e-03, v3;
	_ =	sdelay $0x1  }
0x2c5: {  	v2 =	vmul.f32 v3, v2;
	_ =	sdelay $0x1  }
0x2c6: {  	[tilespmem:v6+s16+$0x0] =	vst.idx.msk $0xffff, v2  }
0x2c7: {  	_ =	swait.ge [sflag:s30], $0x80  }
0x2c8: {  	[sflag:s30] =	ssyncset.done $0x0  }
0x2c9: {  	[sflag:s30] =	ssyncadd.s32 $0xFFFFFF80  }
0x2ca: {  	_ =	swait.ge [sflag:s30], $0x80  }
0x2cb: {  	[sflag:s30] =	ssyncset.done $0x0  }
0x2cc: {  	[sflag:s30] =	ssyncadd.s32 $0xFFFFFF80  }
0x2cd: {  	_ =	swait.ge [sflag:s30], $0x80  }
0x2ce: {  	[sflag:s30] =	ssyncset.done $0x0  }
0x2cf: {  	[sflag:s30] =	ssyncadd.s32 $0xFFFFFF80  }
0x2d0: {  	_ =	swait.ge [sflag:s30], $0x80  }
0x2d1: {  	[sflag:s30] =	ssyncset.done $0x0  }
0x2d2: {  	[sflag:s30] =	ssyncadd.s32 $0xFFFFFF80  }
0x2d3: {  	_ =	swait.ge [sflag:s30], $0x80  }
0x2d4: {  	[sflag:s30] =	ssyncset.done $0x0  }
0x2d5: {  	[sflag:s30] =	ssyncadd.s32 $0xFFFFFF80  }
0x2d6: {  	_ =	swait.ge [sflag:s30], $0x80  }
0x2d7: {  	[sflag:s30] =	ssyncset.done $0x0  }
0x2d8: {  	[sflag:s30] =	ssyncadd.s32 $0xFFFFFF80  }
0x2d9: {  	_ =	swait.ge [sflag:s30], $0x80  }
0x2da: {  	[sflag:s30] =	ssyncset.done $0x0  }
0x2db: {  	[sflag:s30] =	ssyncadd.s32 $0xFFFFFF80  }
0x2dc: {  	_ =	swait.ge [sflag:s30], $0x80  }
0x2dd: {  	[sflag:s30] =	ssyncset.done $0x0  }
0x2de: {  	[sflag:s30] =	ssyncadd.s32 $0xFFFFFF80  }
0x2df: {  	_ =	swait.ge [sflag:s30], $0x80  }
0x2e0: {  	[sflag:s30] =	ssyncset.done $0x0  }
0x2e1: {  	[sflag:s30] =	ssyncadd.s32 $0xFFFFFF80  }
0x2e2: {  	_ =	swait.ge [sflag:s30], $0x80  }
0x2e3: {  	[sflag:s30] =	ssyncset.done $0x0  }
0x2e4: {  	[sflag:s30] =	ssyncadd.s32 $0xFFFFFF80  }
0x2e5: {  	_ =	swait.ge [sflag:s30], $0x80  }
0x2e6: {  	[sflag:s30] =	ssyncset.done $0x0  }
0x2e7: {  	[sflag:s30] =	ssyncadd.s32 $0xFFFFFF80  }
0x2e8: {  	_ =	swait.ge [sflag:s30], $0x80  }
0x2e9: {  	[sflag:s30] =	ssyncset.done $0x0  }
0x2ea: {  	[sflag:s30] =	ssyncadd.s32 $0xFFFFFF80  }
0x2eb: {  	_ =	swait.ge [sflag:s30], $0x80  }
0x2ec: {  	[sflag:s30] =	ssyncset.done $0x0  }
0x2ed: {  	[sflag:s30] =	ssyncadd.s32 $0xFFFFFF80  }
0x2ee: {  	_ =	swait.ge [sflag:s30], $0x80  }
0x2ef: {  	[sflag:s30] =	ssyncset.done $0x0  }
0x2f0: {  	[sflag:s30] =	ssyncadd.s32 $0xFFFFFF80  }
0x2f1: {  	_ =	swait.ge [sflag:s30], $0x80  }
0x2f2: {  	[sflag:s30] =	ssyncset.done $0x0  }
0x2f3: {  	[sflag:s30] =	ssyncadd.s32 $0xFFFFFF80  }
0x2f4: {  	_ =	swait.ge [sflag:s30], $0x80  }
0x2f5: {  	[sflag:s30] =	ssyncset.done $0x0  }
0x2f6: {  	[sflag:s30] =	ssyncadd.s32 $0xFFFFFF80  }
0x2f7: {  	_ =	swait.ge [sflag:s30], $0x80  }
0x2f8: {  	[sflag:s30] =	ssyncset.done $0x0  }
0x2f9: {  	[sflag:s30] =	ssyncadd.s32 $0xFFFFFF80  }
0x2fa: {  	_ =	swait.ge [sflag:s30], $0x80  }
0x2fb: {  	[sflag:s30] =	ssyncset.done $0x0  }
0x2fc: {  	[sflag:s30] =	ssyncadd.s32 $0xFFFFFF80  }
0x2fd: {  	_ =	swait.ge [sflag:s30], $0x80  }
0x2fe: {  	[sflag:s30] =	ssyncset.done $0x0  }
0x2ff: {  	[sflag:s30] =	ssyncadd.s32 $0xFFFFFF80  }
0x300: {  	_ =	swait.ge [sflag:s30], $0x80  }
0x301: {  	[sflag:s30] =	ssyncset.done $0x0  }
0x302: {  	[sflag:s30] =	ssyncadd.s32 $0xFFFFFF80  }
0x303: {  	_ =	swait.ge [sflag:s30], $0x80  }
0x304: {  	[sflag:s30] =	ssyncset.done $0x0  }
0x305: {  	[sflag:s30] =	ssyncadd.s32 $0xFFFFFF80  }
0x306: {  	_ =	swait.ge [sflag:s30], $0x80  }
0x307: {  	[sflag:s30] =	ssyncset.done $0x0  }
0x308: {  	[sflag:s30] =	ssyncadd.s32 $0xFFFFFF80  }
0x309: {  	_ =	swait.ge [sflag:s30], $0x80  }
0x30a: {  	[sflag:s30] =	ssyncset.done $0x0  }
0x30b: {  	[sflag:s30] =	ssyncadd.s32 $0xFFFFFF80  }
0x30c: {  	_ =	swait.ge [sflag:s30], $0x80  }
0x30d: {  	[sflag:s30] =	ssyncset.done $0x0  }
0x30e: {  	[sflag:s30] =	ssyncadd.s32 $0xFFFFFF80  }
0x30f: {  	_ =	swait.ge [sflag:s30], $0x80  }
0x310: {  	[sflag:s30] =	ssyncset.done $0x0  }
0x311: {  	s25 =	simm.s32 $0x2580;
	s26 =	simm.s32 $0x8980;
	[sflag:s30] =	ssyncadd.s32 $0xFFFFFF80  }
0x312: {  	[spmem:s2] =	stream.indirect.scatter.add.f32 [tilespmem:s26], [sflag:$0x4], $0x1, s25, s21, $0xb8;
	[tilespmem:$0x1E800] =	vst v63  }
0x313: {  	s25 =	simm.s32 $0x2600;
	s26 =	simm.s32 $0x8A00  }
0x314: {  	[spmem:s2] =	stream.indirect.scatter.add.f32 [tilespmem:s26], [sflag:$0x4], $0x1, s25, s21, $0xb8;
	[tilespmem:$0x1E800] =	vst v63  }
0x315: {  	s25 =	simm.s32 $0x2680;
	s26 =	simm.s32 $0x8A80  }
0x316: {  	[spmem:s2] =	stream.indirect.scatter.add.f32 [tilespmem:s26], [sflag:$0x4], $0x1, s25, s21, $0xb8;
	[tilespmem:$0x1E800] =	vst v63  }
0x317: {  	s25 =	simm.s32 $0x2700;
	s26 =	simm.s32 $0x8B00  }
0x318: {  	[spmem:s2] =	stream.indirect.scatter.add.f32 [tilespmem:s26], [sflag:$0x4], $0x1, s25, s21, $0xb8;
	[tilespmem:$0x1E800] =	vst v63  }
0x319: {  	s25 =	simm.s32 $0x2780;
	s26 =	simm.s32 $0x8B80  }
0x31a: {  	[spmem:s2] =	stream.indirect.scatter.add.f32 [tilespmem:s26], [sflag:$0x4], $0x1, s25, s21, $0xb8;
	[tilespmem:$0x1E800] =	vst v63  }
0x31b: {  	s25 =	simm.s32 $0x2800;
	s26 =	simm.s32 $0x8C00  }
0x31c: {  	[spmem:s2] =	stream.indirect.scatter.add.f32 [tilespmem:s26], [sflag:$0x4], $0x1, s25, s21, $0xb8;
	[tilespmem:$0x1E800] =	vst v63  }
0x31d: {  	s25 =	simm.s32 $0x2880;
	s26 =	simm.s32 $0x8C80  }
0x31e: {  	[spmem:s2] =	stream.indirect.scatter.add.f32 [tilespmem:s26], [sflag:$0x4], $0x1, s25, s21, $0xb8;
	[tilespmem:$0x1E800] =	vst v63  }
0x31f: {  	s25 =	simm.s32 $0x2900;
	s26 =	simm.s32 $0x8D00  }
0x320: {  	[spmem:s2] =	stream.indirect.scatter.add.f32 [tilespmem:s26], [sflag:$0x4], $0x1, s25, s21, $0xb8;
	[tilespmem:$0x1E800] =	vst v63  }
0x321: {  	s25 =	simm.s32 $0x2980;
	s26 =	simm.s32 $0x8D80  }
0x322: {  	[spmem:s2] =	stream.indirect.scatter.add.f32 [tilespmem:s26], [sflag:$0x4], $0x1, s25, s21, $0xb8;
	[tilespmem:$0x1E800] =	vst v63  }
0x323: {  	s25 =	simm.s32 $0x2A00;
	s26 =	simm.s32 $0x8E00  }
0x324: {  	[spmem:s2] =	stream.indirect.scatter.add.f32 [tilespmem:s26], [sflag:$0x4], $0x1, s25, s21, $0xb8;
	[tilespmem:$0x1E800] =	vst v63  }
0x325: {  	s25 =	simm.s32 $0x2A80;
	s26 =	simm.s32 $0x8E80  }
0x326: {  	[spmem:s2] =	stream.indirect.scatter.add.f32 [tilespmem:s26], [sflag:$0x4], $0x1, s25, s21, $0xb8;
	[tilespmem:$0x1E800] =	vst v63  }
0x327: {  	s25 =	simm.s32 $0x2B00;
	s26 =	simm.s32 $0x8F00  }
0x328: {  	[spmem:s2] =	stream.indirect.scatter.add.f32 [tilespmem:s26], [sflag:$0x4], $0x1, s25, s21, $0xb8;
	[tilespmem:$0x1E800] =	vst v63  }
0x329: {  	s25 =	simm.s32 $0x2B80;
	s26 =	simm.s32 $0x8F80  }
0x32a: {  	[spmem:s2] =	stream.indirect.scatter.add.f32 [tilespmem:s26], [sflag:$0x4], $0x1, s25, s21, $0xb8;
	[tilespmem:$0x1E800] =	vst v63  }
0x32b: {  	s25 =	simm.s32 $0x2C00;
	s26 =	simm.s32 $0x9000  }
0x32c: {  	[spmem:s2] =	stream.indirect.scatter.add.f32 [tilespmem:s26], [sflag:$0x4], $0x1, s25, s21, $0xb8;
	[tilespmem:$0x1E800] =	vst v63  }
0x32d: {  	s25 =	simm.s32 $0x2C80;
	s26 =	simm.s32 $0x9080  }
0x32e: {  	[spmem:s2] =	stream.indirect.scatter.add.f32 [tilespmem:s26], [sflag:$0x4], $0x1, s25, s21, $0xb8;
	[tilespmem:$0x1E800] =	vst v63  }
0x32f: {  	s25 =	simm.s32 $0x2D00;
	s26 =	simm.s32 $0x9100  }
0x330: {  	[spmem:s2] =	stream.indirect.scatter.add.f32 [tilespmem:s26], [sflag:$0x4], $0x1, s25, s21, $0xb8;
	[tilespmem:$0x1E800] =	vst v63  }
0x331: {  	s25 =	simm.s32 $0x2D80;
	s26 =	simm.s32 $0x9180  }
0x332: {  	[spmem:s2] =	stream.indirect.scatter.add.f32 [tilespmem:s26], [sflag:$0x4], $0x1, s25, s21, $0xb8;
	[tilespmem:$0x1E800] =	vst v63  }
0x333: {  	s25 =	simm.s32 $0x2E00;
	s26 =	simm.s32 $0x9200  }
0x334: {  	[spmem:s2] =	stream.indirect.scatter.add.f32 [tilespmem:s26], [sflag:$0x4], $0x1, s25, s21, $0xb8;
	[tilespmem:$0x1E800] =	vst v63  }
0x335: {  	s25 =	simm.s32 $0x2E80;
	s26 =	simm.s32 $0x9280  }
0x336: {  	[spmem:s2] =	stream.indirect.scatter.add.f32 [tilespmem:s26], [sflag:$0x4], $0x1, s25, s21, $0xb8;
	[tilespmem:$0x1E800] =	vst v63  }
0x337: {  	s25 =	simm.s32 $0x2F00;
	s26 =	simm.s32 $0x9300  }
0x338: {  	[spmem:s2] =	stream.indirect.scatter.add.f32 [tilespmem:s26], [sflag:$0x4], $0x1, s25, s21, $0xb8;
	[tilespmem:$0x1E800] =	vst v63  }
0x339: {  	s25 =	simm.s32 $0x2F80;
	s26 =	simm.s32 $0x9380  }
0x33a: {  	[spmem:s2] =	stream.indirect.scatter.add.f32 [tilespmem:s26], [sflag:$0x4], $0x1, s25, s21, $0xb8;
	[tilespmem:$0x1E800] =	vst v63  }
0x33b: {  	s24 =	simm.s32 $0x3000;
	s25 =	simm.s32 $0x9400  }
0x33c: {  	[spmem:s2] =	stream.indirect.scatter.add.f32 [tilespmem:s25], [sflag:$0x4], $0x1, s24, s21, $0xb8;
	[tilespmem:$0x1E800] =	vst v63  }
0x33d: {  	s23 =	simm.s32 $0x3200;
	s26 =	simm.s32 $0x3080;
	s25 =	simm.s32 $0x9480  }
0x33e: {  	v2 =	vadd.s32 s23, v1;
	[spmem:s2] =	stream.indirect.scatter.add.f32 [tilespmem:s25], [sflag:$0x4], $0x1, s26, s21, $0xb8;
	[tilespmem:$0x1E800] =	vst v63  }
0x33f: {  	s25 =	simm.s32 $0x3100;
	s26 =	simm.s32 $0x9500  }
0x340: {  	[spmem:s2] =	stream.indirect.scatter.add.f32 [tilespmem:s26], [sflag:$0x4], $0x1, s25, s21, $0xb8;
	[tilespmem:$0x1E800] =	vst v63  }
0x341: {  	s25 =	simm.s32 $0x3180;
	s26 =	simm.s32 $0x9580  }
0x342: {  	[spmem:s2] =	stream.indirect.scatter.add.f32 [tilespmem:s26], [sflag:$0x4], $0x1, s25, s21, $0xb8;
	[tilespmem:$0x1E800] =	vst v63  }
0x343: {  	v3 =	vld.idx.msk [tilespmem:v2+s16+$0x0], $0xffff;
	_ =	sdelay $0x1  }
0x344: {  	v4 =	vimm.f32 $0.0e+00  }
0x345: {  	v4 =	vmul.f32 $8.187307110e-01, v4;
	_ =	sdelay $0x1  }
0x346: {  	v4 =	vadd.f32 v3, v4  }
0x347: {  	s24 =	simm.s32 $0x3201  }
0x348: {  	v6 =	vadd.s32 s24, v1;
	v5 =	vmul.f32 $9.999999770e-03, v4;
	_ =	sdelay $0x1  }
0x349: {  	v3 =	vmul.f32 v5, v3;
	_ =	sdelay $0x1  }
0x34a: {  	[tilespmem:v2+s16+$0x0] =	vst.idx.msk $0xffff, v3  }
0x34b: {  	v2 =	vld.idx.msk [tilespmem:v6+s16+$0x0], $0xffff;
	_ =	sdelay $0x2  }
0x34c: {  	v3 =	vmul.f32 $8.187307110e-01, v4;
	_ =	sdelay $0x1  }
0x34d: {  	v3 =	vadd.f32 v2, v3  }
0x34e: {  	s25 =	simm.s32 $0x3202  }
0x34f: {  	v5 =	vadd.s32 s25, v1;
	v4 =	vmul.f32 $9.999999770e-03, v3;
	_ =	sdelay $0x1  }
0x350: {  	v2 =	vmul.f32 v4, v2;
	_ =	sdelay $0x1  }
0x351: {  	[tilespmem:v6+s16+$0x0] =	vst.idx.msk $0xffff, v2  }
0x352: {  	v2 =	vld.idx.msk [tilespmem:v5+s16+$0x0], $0xffff;
	_ =	sdelay $0x2  }
0x353: {  	v3 =	vmul.f32 $8.187307110e-01, v3;
	_ =	sdelay $0x1  }
0x354: {  	v4 =	vadd.f32 v2, v3  }
0x355: {  	s26 =	simm.s32 $0x3203  }
0x356: {  	v3 =	vadd.s32 s26, v1;
	v6 =	vmul.f32 $9.999999770e-03, v4;
	_ =	sdelay $0x1  }
0x357: {  	v2 =	vmul.f32 v6, v2;
	_ =	sdelay $0x1  }
0x358: {  	[tilespmem:v5+s16+$0x0] =	vst.idx.msk $0xffff, v2  }
0x359: {  	v5 =	vld.idx.msk [tilespmem:v3+s16+$0x0], $0xffff;
	_ =	sdelay $0x2  }
0x35a: {  	v2 =	vmul.f32 $8.187307110e-01, v4;
	_ =	sdelay $0x1  }
0x35b: {  	v4 =	vadd.f32 v5, v2  }
0x35c: {  	s23 =	simm.s32 $0x3204  }
0x35d: {  	v2 =	vadd.s32 s23, v1;
	v6 =	vmul.f32 $9.999999770e-03, v4;
	_ =	sdelay $0x1  }
0x35e: {  	s24 =	simm.s32 $0x3208;
	v5 =	vmul.f32 v6, v5  }
.LBB2_12:
0x35f: {  	_ = 	snop  }
0x360: {  	p0 =	sne.s32 s24, $0x32C4;
	s25 =	smov.u32 s24;
	s24 =	sadd.s32 $0x4, s24;
	[tilespmem:v3+s16+$0x0] =	vst.idx.msk $0xffff, v5  }
0x361: {  	v3 =	vld.idx.msk [tilespmem:v2+s16+$0x0], $0xffff;
	_ =	sdelay $0x3  }
0x362: {  	v4 =	vmul.f32 $8.187307110e-01, v4;
	_ =	sdelay $0x1  }
0x363: {  	v4 =	vadd.f32 v3, v4  }
0x364: {  	s26 =	sadd.s32 $0x1, s23  }
0x365: {  	v6 =	vadd.s32 s26, v1;
	v5 =	vmul.f32 $9.999999770e-03, v4;
	_ =	sdelay $0x1  }
0x366: {  	v3 =	vmul.f32 v5, v3;
	_ =	sdelay $0x1  }
0x367: {  	[tilespmem:v2+s16+$0x0] =	vst.idx.msk $0xffff, v3  }
0x368: {  	v2 =	vld.idx.msk [tilespmem:v6+s16+$0x0], $0xffff;
	_ =	sdelay $0x3  }
0x369: {  	v3 =	vmul.f32 $8.187307110e-01, v4;
	_ =	sdelay $0x1  }
0x36a: {  	v3 =	vadd.f32 v2, v3  }
0x36b: {  	s26 =	sadd.s32 $0x2, s23  }
0x36c: {  	v5 =	vadd.s32 s26, v1;
	v4 =	vmul.f32 $9.999999770e-03, v3;
	_ =	sdelay $0x1  }
0x36d: {  	v2 =	vmul.f32 v4, v2;
	_ =	sdelay $0x1  }
0x36e: {  	[tilespmem:v6+s16+$0x0] =	vst.idx.msk $0xffff, v2  }
0x36f: {  	v2 =	vld.idx.msk [tilespmem:v5+s16+$0x0], $0xffff;
	_ =	sdelay $0x3  }
0x370: {  	v3 =	vmul.f32 $8.187307110e-01, v3;
	_ =	sdelay $0x1  }
0x371: {  	v4 =	vadd.f32 v2, v3  }
0x372: {  	s26 =	sadd.s32 $0x3, s23;
	s23 =	smov.u32 s25  }
0x373: {  	v3 =	vadd.s32 s26, v1;
	v6 =	vmul.f32 $9.999999770e-03, v4;
	_ =	sdelay $0x1  }
0x374: {  	v2 =	vmul.f32 v6, v2;
	_ =	sdelay $0x1  }
0x375: {  	[tilespmem:v5+s16+$0x0] =	vst.idx.msk $0xffff, v2  }
0x376: {  	v5 =	vld.idx.msk [tilespmem:v3+s16+$0x0], $0xffff;
	_ =	sdelay $0x3  }
0x377: {  	v2 =	vmul.f32 $8.187307110e-01, v4;
	_ =	sdelay $0x1  }
.Ltmp5:
0x378: {  	v4 =	vadd.f32 v5, v2;
	(pc) =	sbr.rel @p0 .LBB2_12-.Ltmp5, $3  }
0x379: {  	_ = 	snop  }
0x37a: {  	v2 =	vadd.s32 s23, v1;
	v6 =	vmul.f32 $9.999999770e-03, v4;
	_ =	sdelay $0x1  }
0x37b: {  	v5 =	vmul.f32 v6, v5  }
0x37c: {  	_ =	sdelay $0x3  }
0x37d: {  	[tilespmem:v3+s16+$0x0] =	vst.idx.msk $0xffff, v5  }
0x37e: {  	v3 =	vld.idx.msk [tilespmem:v2+s16+$0x0], $0xffff;
	_ =	sdelay $0x2  }
0x37f: {  	v4 =	vmul.f32 $8.187307110e-01, v4;
	_ =	sdelay $0x1  }
0x380: {  	v4 =	vadd.f32 v3, v4  }
0x381: {  	s24 =	sadd.s32 $0x1, s23  }
0x382: {  	v6 =	vadd.s32 s24, v1;
	v5 =	vmul.f32 $9.999999770e-03, v4;
	_ =	sdelay $0x1  }
0x383: {  	v3 =	vmul.f32 v5, v3;
	_ =	sdelay $0x1  }
0x384: {  	[tilespmem:v2+s16+$0x0] =	vst.idx.msk $0xffff, v3  }
0x385: {  	v2 =	vld.idx.msk [tilespmem:v6+s16+$0x0], $0xffff;
	_ =	sdelay $0x2  }
0x386: {  	v3 =	vmul.f32 $8.187307110e-01, v4;
	_ =	sdelay $0x1  }
0x387: {  	v3 =	vadd.f32 v2, v3  }
0x388: {  	s26 =	sadd.s32 $0x2, s23  }
0x389: {  	v5 =	vadd.s32 s26, v1;
	v4 =	vmul.f32 $9.999999770e-03, v3;
	_ =	sdelay $0x1  }
0x38a: {  	v2 =	vmul.f32 v4, v2;
	_ =	sdelay $0x1  }
0x38b: {  	[tilespmem:v6+s16+$0x0] =	vst.idx.msk $0xffff, v2  }
0x38c: {  	v2 =	vld.idx.msk [tilespmem:v5+s16+$0x0], $0xffff;
	_ =	sdelay $0x2  }
0x38d: {  	v3 =	vmul.f32 $8.187307110e-01, v3;
	_ =	sdelay $0x1  }
0x38e: {  	v3 =	vadd.f32 v2, v3  }
0x38f: {  	s24 =	sadd.s32 $0x3, s23  }
0x390: {  	v6 =	vadd.s32 s24, v1;
	v4 =	vmul.f32 $9.999999770e-03, v3;
	_ =	sdelay $0x1  }
0x391: {  	v2 =	vmul.f32 v4, v2;
	_ =	sdelay $0x1  }
0x392: {  	[tilespmem:v5+s16+$0x0] =	vst.idx.msk $0xffff, v2  }
0x393: {  	v2 =	vld.idx.msk [tilespmem:v6+s16+$0x0], $0xffff;
	_ =	sdelay $0x2  }
0x394: {  	v3 =	vmul.f32 $8.187307110e-01, v3;
	_ =	sdelay $0x1  }
0x395: {  	v3 =	vadd.f32 v2, v3;
	_ =	sdelay $0x1  }
0x396: {  	v3 =	vmul.f32 $9.999999770e-03, v3;
	_ =	sdelay $0x1  }
0x397: {  	v2 =	vmul.f32 v3, v2;
	_ =	sdelay $0x1  }
0x398: {  	[tilespmem:v6+s16+$0x0] =	vst.idx.msk $0xffff, v2  }
0x399: {  	_ =	swait.ge [sflag:s30], $0x80  }
0x39a: {  	[sflag:s30] =	ssyncset.done $0x0  }
0x39b: {  	[sflag:s30] =	ssyncadd.s32 $0xFFFFFF80  }
0x39c: {  	_ =	swait.ge [sflag:s30], $0x80  }
0x39d: {  	[sflag:s30] =	ssyncset.done $0x0  }
0x39e: {  	[sflag:s30] =	ssyncadd.s32 $0xFFFFFF80  }
0x39f: {  	_ =	swait.ge [sflag:s30], $0x80  }
0x3a0: {  	[sflag:s30] =	ssyncset.done $0x0  }
0x3a1: {  	[sflag:s30] =	ssyncadd.s32 $0xFFFFFF80  }
0x3a2: {  	_ =	swait.ge [sflag:s30], $0x80  }
0x3a3: {  	[sflag:s30] =	ssyncset.done $0x0  }
0x3a4: {  	[sflag:s30] =	ssyncadd.s32 $0xFFFFFF80  }
0x3a5: {  	_ =	swait.ge [sflag:s30], $0x80  }
0x3a6: {  	[sflag:s30] =	ssyncset.done $0x0  }
0x3a7: {  	[sflag:s30] =	ssyncadd.s32 $0xFFFFFF80  }
0x3a8: {  	_ =	swait.ge [sflag:s30], $0x80  }
0x3a9: {  	[sflag:s30] =	ssyncset.done $0x0  }
0x3aa: {  	[sflag:s30] =	ssyncadd.s32 $0xFFFFFF80  }
0x3ab: {  	_ =	swait.ge [sflag:s30], $0x80  }
0x3ac: {  	[sflag:s30] =	ssyncset.done $0x0  }
0x3ad: {  	[sflag:s30] =	ssyncadd.s32 $0xFFFFFF80  }
0x3ae: {  	_ =	swait.ge [sflag:s30], $0x80  }
0x3af: {  	[sflag:s30] =	ssyncset.done $0x0  }
0x3b0: {  	[sflag:s30] =	ssyncadd.s32 $0xFFFFFF80  }
0x3b1: {  	_ =	swait.ge [sflag:s30], $0x80  }
0x3b2: {  	[sflag:s30] =	ssyncset.done $0x0  }
0x3b3: {  	[sflag:s30] =	ssyncadd.s32 $0xFFFFFF80  }
0x3b4: {  	_ =	swait.ge [sflag:s30], $0x80  }
0x3b5: {  	[sflag:s30] =	ssyncset.done $0x0  }
0x3b6: {  	[sflag:s30] =	ssyncadd.s32 $0xFFFFFF80  }
0x3b7: {  	_ =	swait.ge [sflag:s30], $0x80  }
0x3b8: {  	[sflag:s30] =	ssyncset.done $0x0  }
0x3b9: {  	[sflag:s30] =	ssyncadd.s32 $0xFFFFFF80  }
0x3ba: {  	_ =	swait.ge [sflag:s30], $0x80  }
0x3bb: {  	[sflag:s30] =	ssyncset.done $0x0  }
0x3bc: {  	[sflag:s30] =	ssyncadd.s32 $0xFFFFFF80  }
0x3bd: {  	_ =	swait.ge [sflag:s30], $0x80  }
0x3be: {  	[sflag:s30] =	ssyncset.done $0x0  }
0x3bf: {  	[sflag:s30] =	ssyncadd.s32 $0xFFFFFF80  }
0x3c0: {  	_ =	swait.ge [sflag:s30], $0x80  }
0x3c1: {  	[sflag:s30] =	ssyncset.done $0x0  }
0x3c2: {  	[sflag:s30] =	ssyncadd.s32 $0xFFFFFF80  }
0x3c3: {  	_ =	swait.ge [sflag:s30], $0x80  }
0x3c4: {  	[sflag:s30] =	ssyncset.done $0x0  }
0x3c5: {  	[sflag:s30] =	ssyncadd.s32 $0xFFFFFF80  }
0x3c6: {  	_ =	swait.ge [sflag:s30], $0x80  }
0x3c7: {  	[sflag:s30] =	ssyncset.done $0x0  }
0x3c8: {  	[sflag:s30] =	ssyncadd.s32 $0xFFFFFF80  }
0x3c9: {  	_ =	swait.ge [sflag:s30], $0x80  }
0x3ca: {  	[sflag:s30] =	ssyncset.done $0x0  }
0x3cb: {  	[sflag:s30] =	ssyncadd.s32 $0xFFFFFF80  }
0x3cc: {  	_ =	swait.ge [sflag:s30], $0x80  }
0x3cd: {  	[sflag:s30] =	ssyncset.done $0x0  }
0x3ce: {  	[sflag:s30] =	ssyncadd.s32 $0xFFFFFF80  }
0x3cf: {  	_ =	swait.ge [sflag:s30], $0x80  }
0x3d0: {  	[sflag:s30] =	ssyncset.done $0x0  }
0x3d1: {  	[sflag:s30] =	ssyncadd.s32 $0xFFFFFF80  }
0x3d2: {  	_ =	swait.ge [sflag:s30], $0x80  }
0x3d3: {  	[sflag:s30] =	ssyncset.done $0x0  }
0x3d4: {  	[sflag:s30] =	ssyncadd.s32 $0xFFFFFF80  }
0x3d5: {  	_ =	swait.ge [sflag:s30], $0x80  }
0x3d6: {  	[sflag:s30] =	ssyncset.done $0x0  }
0x3d7: {  	[sflag:s30] =	ssyncadd.s32 $0xFFFFFF80  }
0x3d8: {  	_ =	swait.ge [sflag:s30], $0x80  }
0x3d9: {  	[sflag:s30] =	ssyncset.done $0x0  }
0x3da: {  	[sflag:s30] =	ssyncadd.s32 $0xFFFFFF80  }
0x3db: {  	_ =	swait.ge [sflag:s30], $0x80  }
0x3dc: {  	[sflag:s30] =	ssyncset.done $0x0  }
0x3dd: {  	[sflag:s30] =	ssyncadd.s32 $0xFFFFFF80  }
0x3de: {  	_ =	swait.ge [sflag:s30], $0x80  }
0x3df: {  	[sflag:s30] =	ssyncset.done $0x0  }
0x3e0: {  	[sflag:s30] =	ssyncadd.s32 $0xFFFFFF80  }
0x3e1: {  	_ =	swait.ge [sflag:s30], $0x80  }
0x3e2: {  	[sflag:s30] =	ssyncset.done $0x0  }
0x3e3: {  	s25 =	simm.s32 $0x3200;
	s26 =	simm.s32 $0x9600;
	[sflag:s30] =	ssyncadd.s32 $0xFFFFFF80  }
0x3e4: {  	[spmem:s2] =	stream.indirect.scatter.add.f32 [tilespmem:s26], [sflag:$0x4], $0x1, s25, s21, $0xb8;
	[tilespmem:$0x1E800] =	vst v63  }
0x3e5: {  	s25 =	simm.s32 $0x3280;
	s26 =	simm.s32 $0x9680  }
0x3e6: {  	[spmem:s2] =	stream.indirect.scatter.add.f32 [tilespmem:s26], [sflag:$0x4], $0x1, s25, s21, $0xb8;
	[tilespmem:$0x1E800] =	vst v63  }
0x3e7: {  	s25 =	simm.s32 $0x3300;
	s26 =	simm.s32 $0x9700  }
0x3e8: {  	[spmem:s2] =	stream.indirect.scatter.add.f32 [tilespmem:s26], [sflag:$0x4], $0x1, s25, s21, $0xb8;
	[tilespmem:$0x1E800] =	vst v63  }
0x3e9: {  	s25 =	simm.s32 $0x3380;
	s26 =	simm.s32 $0x9780  }
0x3ea: {  	[spmem:s2] =	stream.indirect.scatter.add.f32 [tilespmem:s26], [sflag:$0x4], $0x1, s25, s21, $0xb8;
	[tilespmem:$0x1E800] =	vst v63  }
0x3eb: {  	s25 =	simm.s32 $0x3400;
	s26 =	simm.s32 $0x9800  }
0x3ec: {  	[spmem:s2] =	stream.indirect.scatter.add.f32 [tilespmem:s26], [sflag:$0x4], $0x1, s25, s21, $0xb8;
	[tilespmem:$0x1E800] =	vst v63  }
0x3ed: {  	s25 =	simm.s32 $0x3480;
	s26 =	simm.s32 $0x9880  }
0x3ee: {  	[spmem:s2] =	stream.indirect.scatter.add.f32 [tilespmem:s26], [sflag:$0x4], $0x1, s25, s21, $0xb8;
	[tilespmem:$0x1E800] =	vst v63  }
0x3ef: {  	s25 =	simm.s32 $0x3500;
	s26 =	simm.s32 $0x9900  }
0x3f0: {  	[spmem:s2] =	stream.indirect.scatter.add.f32 [tilespmem:s26], [sflag:$0x4], $0x1, s25, s21, $0xb8;
	[tilespmem:$0x1E800] =	vst v63  }
0x3f1: {  	s25 =	simm.s32 $0x3580;
	s26 =	simm.s32 $0x9980  }
0x3f2: {  	[spmem:s2] =	stream.indirect.scatter.add.f32 [tilespmem:s26], [sflag:$0x4], $0x1, s25, s21, $0xb8;
	[tilespmem:$0x1E800] =	vst v63  }
0x3f3: {  	s25 =	simm.s32 $0x3600;
	s26 =	simm.s32 $0x9A00  }
0x3f4: {  	[spmem:s2] =	stream.indirect.scatter.add.f32 [tilespmem:s26], [sflag:$0x4], $0x1, s25, s21, $0xb8;
	[tilespmem:$0x1E800] =	vst v63  }
0x3f5: {  	s25 =	simm.s32 $0x3680;
	s26 =	simm.s32 $0x9A80  }
0x3f6: {  	[spmem:s2] =	stream.indirect.scatter.add.f32 [tilespmem:s26], [sflag:$0x4], $0x1, s25, s21, $0xb8;
	[tilespmem:$0x1E800] =	vst v63  }
0x3f7: {  	s25 =	simm.s32 $0x3700;
	s26 =	simm.s32 $0x9B00  }
0x3f8: {  	[spmem:s2] =	stream.indirect.scatter.add.f32 [tilespmem:s26], [sflag:$0x4], $0x1, s25, s21, $0xb8;
	[tilespmem:$0x1E800] =	vst v63  }
0x3f9: {  	s25 =	simm.s32 $0x3780;
	s26 =	simm.s32 $0x9B80  }
0x3fa: {  	[spmem:s2] =	stream.indirect.scatter.add.f32 [tilespmem:s26], [sflag:$0x4], $0x1, s25, s21, $0xb8;
	[tilespmem:$0x1E800] =	vst v63  }
0x3fb: {  	s25 =	simm.s32 $0x3800;
	s26 =	simm.s32 $0x9C00  }
0x3fc: {  	[spmem:s2] =	stream.indirect.scatter.add.f32 [tilespmem:s26], [sflag:$0x4], $0x1, s25, s21, $0xb8;
	[tilespmem:$0x1E800] =	vst v63  }
0x3fd: {  	s25 =	simm.s32 $0x3880;
	s26 =	simm.s32 $0x9C80  }
0x3fe: {  	[spmem:s2] =	stream.indirect.scatter.add.f32 [tilespmem:s26], [sflag:$0x4], $0x1, s25, s21, $0xb8;
	[tilespmem:$0x1E800] =	vst v63  }
0x3ff: {  	s25 =	simm.s32 $0x3900;
	s26 =	simm.s32 $0x9D00  }
0x400: {  	[spmem:s2] =	stream.indirect.scatter.add.f32 [tilespmem:s26], [sflag:$0x4], $0x1, s25, s21, $0xb8;
	[tilespmem:$0x1E800] =	vst v63  }
0x401: {  	s25 =	simm.s32 $0x3980;
	s26 =	simm.s32 $0x9D80  }
0x402: {  	[spmem:s2] =	stream.indirect.scatter.add.f32 [tilespmem:s26], [sflag:$0x4], $0x1, s25, s21, $0xb8;
	[tilespmem:$0x1E800] =	vst v63  }
0x403: {  	s25 =	simm.s32 $0x3A00;
	s26 =	simm.s32 $0x9E00  }
0x404: {  	[spmem:s2] =	stream.indirect.scatter.add.f32 [tilespmem:s26], [sflag:$0x4], $0x1, s25, s21, $0xb8;
	[tilespmem:$0x1E800] =	vst v63  }
0x405: {  	s25 =	simm.s32 $0x3A80;
	s26 =	simm.s32 $0x9E80  }
0x406: {  	[spmem:s2] =	stream.indirect.scatter.add.f32 [tilespmem:s26], [sflag:$0x4], $0x1, s25, s21, $0xb8;
	[tilespmem:$0x1E800] =	vst v63  }
0x407: {  	s25 =	simm.s32 $0x3B00;
	s26 =	simm.s32 $0x9F00  }
0x408: {  	[spmem:s2] =	stream.indirect.scatter.add.f32 [tilespmem:s26], [sflag:$0x4], $0x1, s25, s21, $0xb8;
	[tilespmem:$0x1E800] =	vst v63  }
0x409: {  	s25 =	simm.s32 $0x3B80;
	s26 =	simm.s32 $0x9F80  }
0x40a: {  	[spmem:s2] =	stream.indirect.scatter.add.f32 [tilespmem:s26], [sflag:$0x4], $0x1, s25, s21, $0xb8;
	[tilespmem:$0x1E800] =	vst v63  }
0x40b: {  	s25 =	simm.s32 $0x3C00;
	s26 =	simm.s32 $0xA000  }
0x40c: {  	[spmem:s2] =	stream.indirect.scatter.add.f32 [tilespmem:s26], [sflag:$0x4], $0x1, s25, s21, $0xb8;
	[tilespmem:$0x1E800] =	vst v63  }
0x40d: {  	s24 =	simm.s32 $0x3C80;
	s25 =	simm.s32 $0xA080  }
0x40e: {  	[spmem:s2] =	stream.indirect.scatter.add.f32 [tilespmem:s25], [sflag:$0x4], $0x1, s24, s21, $0xb8;
	[tilespmem:$0x1E800] =	vst v63  }
0x40f: {  	s23 =	simm.s32 $0x3E80;
	s26 =	simm.s32 $0x3D00;
	s25 =	simm.s32 $0xA100  }
0x410: {  	v2 =	vadd.s32 s23, v1;
	[spmem:s2] =	stream.indirect.scatter.add.f32 [tilespmem:s25], [sflag:$0x4], $0x1, s26, s21, $0xb8;
	[tilespmem:$0x1E800] =	vst v63  }
0x411: {  	s25 =	simm.s32 $0x3D80;
	s26 =	simm.s32 $0xA180  }
0x412: {  	[spmem:s2] =	stream.indirect.scatter.add.f32 [tilespmem:s26], [sflag:$0x4], $0x1, s25, s21, $0xb8;
	[tilespmem:$0x1E800] =	vst v63  }
0x413: {  	s25 =	simm.s32 $0x3E00;
	s26 =	simm.s32 $0xA200  }
0x414: {  	[spmem:s2] =	stream.indirect.scatter.add.f32 [tilespmem:s26], [sflag:$0x4], $0x1, s25, s21, $0xb8;
	[tilespmem:$0x1E800] =	vst v63  }
0x415: {  	v3 =	vld.idx.msk [tilespmem:v2+s16+$0x0], $0xffff;
	_ =	sdelay $0x1  }
0x416: {  	v4 =	vimm.f32 $0.0e+00  }
0x417: {  	v4 =	vmul.f32 $8.187307110e-01, v4;
	_ =	sdelay $0x1  }
0x418: {  	v4 =	vadd.f32 v3, v4  }
0x419: {  	s24 =	simm.s32 $0x3E81  }
0x41a: {  	v6 =	vadd.s32 s24, v1;
	v5 =	vmul.f32 $9.999999770e-03, v4;
	_ =	sdelay $0x1  }
0x41b: {  	v3 =	vmul.f32 v5, v3;
	_ =	sdelay $0x1  }
0x41c: {  	[tilespmem:v2+s16+$0x0] =	vst.idx.msk $0xffff, v3  }
0x41d: {  	v2 =	vld.idx.msk [tilespmem:v6+s16+$0x0], $0xffff;
	_ =	sdelay $0x2  }
0x41e: {  	v3 =	vmul.f32 $8.187307110e-01, v4;
	_ =	sdelay $0x1  }
0x41f: {  	v3 =	vadd.f32 v2, v3  }
0x420: {  	s25 =	simm.s32 $0x3E82  }
0x421: {  	v5 =	vadd.s32 s25, v1;
	v4 =	vmul.f32 $9.999999770e-03, v3;
	_ =	sdelay $0x1  }
0x422: {  	v2 =	vmul.f32 v4, v2;
	_ =	sdelay $0x1  }
0x423: {  	[tilespmem:v6+s16+$0x0] =	vst.idx.msk $0xffff, v2  }
0x424: {  	v2 =	vld.idx.msk [tilespmem:v5+s16+$0x0], $0xffff;
	_ =	sdelay $0x2  }
0x425: {  	v3 =	vmul.f32 $8.187307110e-01, v3;
	_ =	sdelay $0x1  }
0x426: {  	v4 =	vadd.f32 v2, v3  }
0x427: {  	s26 =	simm.s32 $0x3E83  }
0x428: {  	v3 =	vadd.s32 s26, v1;
	v6 =	vmul.f32 $9.999999770e-03, v4;
	_ =	sdelay $0x1  }
0x429: {  	v2 =	vmul.f32 v6, v2;
	_ =	sdelay $0x1  }
0x42a: {  	[tilespmem:v5+s16+$0x0] =	vst.idx.msk $0xffff, v2  }
0x42b: {  	v5 =	vld.idx.msk [tilespmem:v3+s16+$0x0], $0xffff;
	_ =	sdelay $0x2  }
0x42c: {  	v2 =	vmul.f32 $8.187307110e-01, v4;
	_ =	sdelay $0x1  }
0x42d: {  	v4 =	vadd.f32 v5, v2  }
0x42e: {  	s23 =	simm.s32 $0x3E84  }
0x42f: {  	v2 =	vadd.s32 s23, v1;
	v6 =	vmul.f32 $9.999999770e-03, v4;
	_ =	sdelay $0x1  }
0x430: {  	s24 =	simm.s32 $0x3E88;
	v5 =	vmul.f32 v6, v5  }
.LBB2_14:
0x431: {  	_ = 	snop  }
0x432: {  	p0 =	sne.s32 s24, $0x3F44;
	s25 =	smov.u32 s24;
	s24 =	sadd.s32 $0x4, s24;
	[tilespmem:v3+s16+$0x0] =	vst.idx.msk $0xffff, v5  }
0x433: {  	v3 =	vld.idx.msk [tilespmem:v2+s16+$0x0], $0xffff;
	_ =	sdelay $0x3  }
0x434: {  	v4 =	vmul.f32 $8.187307110e-01, v4;
	_ =	sdelay $0x1  }
0x435: {  	v4 =	vadd.f32 v3, v4  }
0x436: {  	s26 =	sadd.s32 $0x1, s23  }
0x437: {  	v6 =	vadd.s32 s26, v1;
	v5 =	vmul.f32 $9.999999770e-03, v4;
	_ =	sdelay $0x1  }
0x438: {  	v3 =	vmul.f32 v5, v3;
	_ =	sdelay $0x1  }
0x439: {  	[tilespmem:v2+s16+$0x0] =	vst.idx.msk $0xffff, v3  }
0x43a: {  	v2 =	vld.idx.msk [tilespmem:v6+s16+$0x0], $0xffff;
	_ =	sdelay $0x3  }
0x43b: {  	v3 =	vmul.f32 $8.187307110e-01, v4;
	_ =	sdelay $0x1  }
0x43c: {  	v3 =	vadd.f32 v2, v3  }
0x43d: {  	s26 =	sadd.s32 $0x2, s23  }
0x43e: {  	v5 =	vadd.s32 s26, v1;
	v4 =	vmul.f32 $9.999999770e-03, v3;
	_ =	sdelay $0x1  }
0x43f: {  	v2 =	vmul.f32 v4, v2;
	_ =	sdelay $0x1  }
0x440: {  	[tilespmem:v6+s16+$0x0] =	vst.idx.msk $0xffff, v2  }
0x441: {  	v2 =	vld.idx.msk [tilespmem:v5+s16+$0x0], $0xffff;
	_ =	sdelay $0x3  }
0x442: {  	v3 =	vmul.f32 $8.187307110e-01, v3;
	_ =	sdelay $0x1  }
0x443: {  	v4 =	vadd.f32 v2, v3  }
0x444: {  	s26 =	sadd.s32 $0x3, s23;
	s23 =	smov.u32 s25  }
0x445: {  	v3 =	vadd.s32 s26, v1;
	v6 =	vmul.f32 $9.999999770e-03, v4;
	_ =	sdelay $0x1  }
0x446: {  	v2 =	vmul.f32 v6, v2;
	_ =	sdelay $0x1  }
0x447: {  	[tilespmem:v5+s16+$0x0] =	vst.idx.msk $0xffff, v2  }
0x448: {  	v5 =	vld.idx.msk [tilespmem:v3+s16+$0x0], $0xffff;
	_ =	sdelay $0x3  }
0x449: {  	v2 =	vmul.f32 $8.187307110e-01, v4;
	_ =	sdelay $0x1  }
.Ltmp6:
0x44a: {  	v4 =	vadd.f32 v5, v2;
	(pc) =	sbr.rel @p0 .LBB2_14-.Ltmp6, $3  }
0x44b: {  	_ = 	snop  }
0x44c: {  	v2 =	vadd.s32 s23, v1;
	v6 =	vmul.f32 $9.999999770e-03, v4;
	_ =	sdelay $0x1  }
0x44d: {  	v5 =	vmul.f32 v6, v5  }
0x44e: {  	_ =	sdelay $0x3  }
0x44f: {  	[tilespmem:v3+s16+$0x0] =	vst.idx.msk $0xffff, v5  }
0x450: {  	v3 =	vld.idx.msk [tilespmem:v2+s16+$0x0], $0xffff;
	_ =	sdelay $0x2  }
0x451: {  	v4 =	vmul.f32 $8.187307110e-01, v4;
	_ =	sdelay $0x1  }
0x452: {  	v4 =	vadd.f32 v3, v4  }
0x453: {  	s24 =	sadd.s32 $0x1, s23  }
0x454: {  	v6 =	vadd.s32 s24, v1;
	v5 =	vmul.f32 $9.999999770e-03, v4;
	_ =	sdelay $0x1  }
0x455: {  	v3 =	vmul.f32 v5, v3;
	_ =	sdelay $0x1  }
0x456: {  	[tilespmem:v2+s16+$0x0] =	vst.idx.msk $0xffff, v3  }
0x457: {  	v2 =	vld.idx.msk [tilespmem:v6+s16+$0x0], $0xffff;
	_ =	sdelay $0x2  }
0x458: {  	v3 =	vmul.f32 $8.187307110e-01, v4;
	_ =	sdelay $0x1  }
0x459: {  	v3 =	vadd.f32 v2, v3  }
0x45a: {  	s26 =	sadd.s32 $0x2, s23  }
0x45b: {  	v5 =	vadd.s32 s26, v1;
	v4 =	vmul.f32 $9.999999770e-03, v3;
	_ =	sdelay $0x1  }
0x45c: {  	v2 =	vmul.f32 v4, v2;
	_ =	sdelay $0x1  }
0x45d: {  	[tilespmem:v6+s16+$0x0] =	vst.idx.msk $0xffff, v2  }
0x45e: {  	v2 =	vld.idx.msk [tilespmem:v5+s16+$0x0], $0xffff;
	_ =	sdelay $0x2  }
0x45f: {  	v3 =	vmul.f32 $8.187307110e-01, v3;
	_ =	sdelay $0x1  }
0x460: {  	v3 =	vadd.f32 v2, v3  }
0x461: {  	s24 =	sadd.s32 $0x3, s23  }
0x462: {  	v6 =	vadd.s32 s24, v1;
	v4 =	vmul.f32 $9.999999770e-03, v3;
	_ =	sdelay $0x1  }
0x463: {  	v2 =	vmul.f32 v4, v2;
	_ =	sdelay $0x1  }
0x464: {  	[tilespmem:v5+s16+$0x0] =	vst.idx.msk $0xffff, v2  }
0x465: {  	v2 =	vld.idx.msk [tilespmem:v6+s16+$0x0], $0xffff;
	_ =	sdelay $0x2  }
0x466: {  	v3 =	vmul.f32 $8.187307110e-01, v3;
	_ =	sdelay $0x1  }
0x467: {  	v3 =	vadd.f32 v2, v3;
	_ =	sdelay $0x1  }
0x468: {  	v3 =	vmul.f32 $9.999999770e-03, v3;
	_ =	sdelay $0x1  }
0x469: {  	v2 =	vmul.f32 v3, v2;
	_ =	sdelay $0x1  }
0x46a: {  	[tilespmem:v6+s16+$0x0] =	vst.idx.msk $0xffff, v2  }
0x46b: {  	_ =	swait.ge [sflag:s30], $0x80  }
0x46c: {  	[sflag:s30] =	ssyncset.done $0x0  }
0x46d: {  	[sflag:s30] =	ssyncadd.s32 $0xFFFFFF80  }
0x46e: {  	_ =	swait.ge [sflag:s30], $0x80  }
0x46f: {  	[sflag:s30] =	ssyncset.done $0x0  }
0x470: {  	[sflag:s30] =	ssyncadd.s32 $0xFFFFFF80  }
0x471: {  	_ =	swait.ge [sflag:s30], $0x80  }
0x472: {  	[sflag:s30] =	ssyncset.done $0x0  }
0x473: {  	[sflag:s30] =	ssyncadd.s32 $0xFFFFFF80  }
0x474: {  	_ =	swait.ge [sflag:s30], $0x80  }
0x475: {  	[sflag:s30] =	ssyncset.done $0x0  }
0x476: {  	[sflag:s30] =	ssyncadd.s32 $0xFFFFFF80  }
0x477: {  	_ =	swait.ge [sflag:s30], $0x80  }
0x478: {  	[sflag:s30] =	ssyncset.done $0x0  }
0x479: {  	[sflag:s30] =	ssyncadd.s32 $0xFFFFFF80  }
0x47a: {  	_ =	swait.ge [sflag:s30], $0x80  }
0x47b: {  	[sflag:s30] =	ssyncset.done $0x0  }
0x47c: {  	[sflag:s30] =	ssyncadd.s32 $0xFFFFFF80  }
0x47d: {  	_ =	swait.ge [sflag:s30], $0x80  }
0x47e: {  	[sflag:s30] =	ssyncset.done $0x0  }
0x47f: {  	[sflag:s30] =	ssyncadd.s32 $0xFFFFFF80  }
0x480: {  	_ =	swait.ge [sflag:s30], $0x80  }
0x481: {  	[sflag:s30] =	ssyncset.done $0x0  }
0x482: {  	[sflag:s30] =	ssyncadd.s32 $0xFFFFFF80  }
0x483: {  	_ =	swait.ge [sflag:s30], $0x80  }
0x484: {  	[sflag:s30] =	ssyncset.done $0x0  }
0x485: {  	[sflag:s30] =	ssyncadd.s32 $0xFFFFFF80  }
0x486: {  	_ =	swait.ge [sflag:s30], $0x80  }
0x487: {  	[sflag:s30] =	ssyncset.done $0x0  }
0x488: {  	[sflag:s30] =	ssyncadd.s32 $0xFFFFFF80  }
0x489: {  	_ =	swait.ge [sflag:s30], $0x80  }
0x48a: {  	[sflag:s30] =	ssyncset.done $0x0  }
0x48b: {  	[sflag:s30] =	ssyncadd.s32 $0xFFFFFF80  }
0x48c: {  	_ =	swait.ge [sflag:s30], $0x80  }
0x48d: {  	[sflag:s30] =	ssyncset.done $0x0  }
0x48e: {  	[sflag:s30] =	ssyncadd.s32 $0xFFFFFF80  }
0x48f: {  	_ =	swait.ge [sflag:s30], $0x80  }
0x490: {  	[sflag:s30] =	ssyncset.done $0x0  }
0x491: {  	[sflag:s30] =	ssyncadd.s32 $0xFFFFFF80  }
0x492: {  	_ =	swait.ge [sflag:s30], $0x80  }
0x493: {  	[sflag:s30] =	ssyncset.done $0x0  }
0x494: {  	[sflag:s30] =	ssyncadd.s32 $0xFFFFFF80  }
0x495: {  	_ =	swait.ge [sflag:s30], $0x80  }
0x496: {  	[sflag:s30] =	ssyncset.done $0x0  }
0x497: {  	[sflag:s30] =	ssyncadd.s32 $0xFFFFFF80  }
0x498: {  	_ =	swait.ge [sflag:s30], $0x80  }
0x499: {  	[sflag:s30] =	ssyncset.done $0x0  }
0x49a: {  	[sflag:s30] =	ssyncadd.s32 $0xFFFFFF80  }
0x49b: {  	_ =	swait.ge [sflag:s30], $0x80  }
0x49c: {  	[sflag:s30] =	ssyncset.done $0x0  }
0x49d: {  	[sflag:s30] =	ssyncadd.s32 $0xFFFFFF80  }
0x49e: {  	_ =	swait.ge [sflag:s30], $0x80  }
0x49f: {  	[sflag:s30] =	ssyncset.done $0x0  }
0x4a0: {  	[sflag:s30] =	ssyncadd.s32 $0xFFFFFF80  }
0x4a1: {  	_ =	swait.ge [sflag:s30], $0x80  }
0x4a2: {  	[sflag:s30] =	ssyncset.done $0x0  }
0x4a3: {  	[sflag:s30] =	ssyncadd.s32 $0xFFFFFF80  }
0x4a4: {  	_ =	swait.ge [sflag:s30], $0x80  }
0x4a5: {  	[sflag:s30] =	ssyncset.done $0x0  }
0x4a6: {  	[sflag:s30] =	ssyncadd.s32 $0xFFFFFF80  }
0x4a7: {  	_ =	swait.ge [sflag:s30], $0x80  }
0x4a8: {  	[sflag:s30] =	ssyncset.done $0x0  }
0x4a9: {  	[sflag:s30] =	ssyncadd.s32 $0xFFFFFF80  }
0x4aa: {  	_ =	swait.ge [sflag:s30], $0x80  }
0x4ab: {  	[sflag:s30] =	ssyncset.done $0x0  }
0x4ac: {  	[sflag:s30] =	ssyncadd.s32 $0xFFFFFF80  }
0x4ad: {  	_ =	swait.ge [sflag:s30], $0x80  }
0x4ae: {  	[sflag:s30] =	ssyncset.done $0x0  }
0x4af: {  	[sflag:s30] =	ssyncadd.s32 $0xFFFFFF80  }
0x4b0: {  	_ =	swait.ge [sflag:s30], $0x80  }
0x4b1: {  	[sflag:s30] =	ssyncset.done $0x0  }
0x4b2: {  	[sflag:s30] =	ssyncadd.s32 $0xFFFFFF80  }
0x4b3: {  	_ =	swait.ge [sflag:s30], $0x80  }
0x4b4: {  	[sflag:s30] =	ssyncset.done $0x0  }
0x4b5: {  	s25 =	simm.s32 $0x3E80;
	s26 =	simm.s32 $0xA280;
	[sflag:s30] =	ssyncadd.s32 $0xFFFFFF80  }
0x4b6: {  	[spmem:s2] =	stream.indirect.scatter.add.f32 [tilespmem:s26], [sflag:$0x4], $0x1, s25, s21, $0xb8;
	[tilespmem:$0x1E800] =	vst v63  }
0x4b7: {  	s25 =	simm.s32 $0x3F00;
	s26 =	simm.s32 $0xA300  }
0x4b8: {  	[spmem:s2] =	stream.indirect.scatter.add.f32 [tilespmem:s26], [sflag:$0x4], $0x1, s25, s21, $0xb8;
	[tilespmem:$0x1E800] =	vst v63  }
0x4b9: {  	s25 =	simm.s32 $0x3F80;
	s26 =	simm.s32 $0xA380  }
0x4ba: {  	[spmem:s2] =	stream.indirect.scatter.add.f32 [tilespmem:s26], [sflag:$0x4], $0x1, s25, s21, $0xb8;
	[tilespmem:$0x1E800] =	vst v63  }
0x4bb: {  	s25 =	simm.s32 $0x4000;
	s26 =	simm.s32 $0xA400  }
0x4bc: {  	[spmem:s2] =	stream.indirect.scatter.add.f32 [tilespmem:s26], [sflag:$0x4], $0x1, s25, s21, $0xb8;
	[tilespmem:$0x1E800] =	vst v63  }
0x4bd: {  	s25 =	simm.s32 $0x4080;
	s26 =	simm.s32 $0xA480  }
0x4be: {  	[spmem:s2] =	stream.indirect.scatter.add.f32 [tilespmem:s26], [sflag:$0x4], $0x1, s25, s21, $0xb8;
	[tilespmem:$0x1E800] =	vst v63  }
0x4bf: {  	s25 =	simm.s32 $0x4100;
	s26 =	simm.s32 $0xA500  }
0x4c0: {  	[spmem:s2] =	stream.indirect.scatter.add.f32 [tilespmem:s26], [sflag:$0x4], $0x1, s25, s21, $0xb8;
	[tilespmem:$0x1E800] =	vst v63  }
0x4c1: {  	s25 =	simm.s32 $0x4180;
	s26 =	simm.s32 $0xA580  }
0x4c2: {  	[spmem:s2] =	stream.indirect.scatter.add.f32 [tilespmem:s26], [sflag:$0x4], $0x1, s25, s21, $0xb8;
	[tilespmem:$0x1E800] =	vst v63  }
0x4c3: {  	s25 =	simm.s32 $0x4200;
	s26 =	simm.s32 $0xA600  }
0x4c4: {  	[spmem:s2] =	stream.indirect.scatter.add.f32 [tilespmem:s26], [sflag:$0x4], $0x1, s25, s21, $0xb8;
	[tilespmem:$0x1E800] =	vst v63  }
0x4c5: {  	s25 =	simm.s32 $0x4280;
	s26 =	simm.s32 $0xA680  }
0x4c6: {  	[spmem:s2] =	stream.indirect.scatter.add.f32 [tilespmem:s26], [sflag:$0x4], $0x1, s25, s21, $0xb8;
	[tilespmem:$0x1E800] =	vst v63  }
0x4c7: {  	s25 =	simm.s32 $0x4300;
	s26 =	simm.s32 $0xA700  }
0x4c8: {  	[spmem:s2] =	stream.indirect.scatter.add.f32 [tilespmem:s26], [sflag:$0x4], $0x1, s25, s21, $0xb8;
	[tilespmem:$0x1E800] =	vst v63  }
0x4c9: {  	s25 =	simm.s32 $0x4380;
	s26 =	simm.s32 $0xA780  }
0x4ca: {  	[spmem:s2] =	stream.indirect.scatter.add.f32 [tilespmem:s26], [sflag:$0x4], $0x1, s25, s21, $0xb8;
	[tilespmem:$0x1E800] =	vst v63  }
0x4cb: {  	s25 =	simm.s32 $0x4400;
	s26 =	simm.s32 $0xA800  }
0x4cc: {  	[spmem:s2] =	stream.indirect.scatter.add.f32 [tilespmem:s26], [sflag:$0x4], $0x1, s25, s21, $0xb8;
	[tilespmem:$0x1E800] =	vst v63  }
0x4cd: {  	s25 =	simm.s32 $0x4480;
	s26 =	simm.s32 $0xA880  }
0x4ce: {  	[spmem:s2] =	stream.indirect.scatter.add.f32 [tilespmem:s26], [sflag:$0x4], $0x1, s25, s21, $0xb8;
	[tilespmem:$0x1E800] =	vst v63  }
0x4cf: {  	s25 =	simm.s32 $0x4500;
	s26 =	simm.s32 $0xA900  }
0x4d0: {  	[spmem:s2] =	stream.indirect.scatter.add.f32 [tilespmem:s26], [sflag:$0x4], $0x1, s25, s21, $0xb8;
	[tilespmem:$0x1E800] =	vst v63  }
0x4d1: {  	s25 =	simm.s32 $0x4580;
	s26 =	simm.s32 $0xA980  }
0x4d2: {  	[spmem:s2] =	stream.indirect.scatter.add.f32 [tilespmem:s26], [sflag:$0x4], $0x1, s25, s21, $0xb8;
	[tilespmem:$0x1E800] =	vst v63  }
0x4d3: {  	s25 =	simm.s32 $0x4600;
	s26 =	simm.s32 $0xAA00  }
0x4d4: {  	[spmem:s2] =	stream.indirect.scatter.add.f32 [tilespmem:s26], [sflag:$0x4], $0x1, s25, s21, $0xb8;
	[tilespmem:$0x1E800] =	vst v63  }
0x4d5: {  	s25 =	simm.s32 $0x4680;
	s26 =	simm.s32 $0xAA80  }
0x4d6: {  	[spmem:s2] =	stream.indirect.scatter.add.f32 [tilespmem:s26], [sflag:$0x4], $0x1, s25, s21, $0xb8;
	[tilespmem:$0x1E800] =	vst v63  }
0x4d7: {  	s25 =	simm.s32 $0x4700;
	s26 =	simm.s32 $0xAB00  }
0x4d8: {  	[spmem:s2] =	stream.indirect.scatter.add.f32 [tilespmem:s26], [sflag:$0x4], $0x1, s25, s21, $0xb8;
	[tilespmem:$0x1E800] =	vst v63  }
0x4d9: {  	s25 =	simm.s32 $0x4780;
	s26 =	simm.s32 $0xAB80  }
0x4da: {  	[spmem:s2] =	stream.indirect.scatter.add.f32 [tilespmem:s26], [sflag:$0x4], $0x1, s25, s21, $0xb8;
	[tilespmem:$0x1E800] =	vst v63  }
0x4db: {  	s25 =	simm.s32 $0x4800;
	s26 =	simm.s32 $0xAC00  }
0x4dc: {  	[spmem:s2] =	stream.indirect.scatter.add.f32 [tilespmem:s26], [sflag:$0x4], $0x1, s25, s21, $0xb8;
	[tilespmem:$0x1E800] =	vst v63  }
0x4dd: {  	s25 =	simm.s32 $0x4880;
	s26 =	simm.s32 $0xAC80  }
0x4de: {  	[spmem:s2] =	stream.indirect.scatter.add.f32 [tilespmem:s26], [sflag:$0x4], $0x1, s25, s21, $0xb8;
	[tilespmem:$0x1E800] =	vst v63  }
0x4df: {  	s24 =	simm.s32 $0x4900;
	s25 =	simm.s32 $0xAD00  }
0x4e0: {  	[spmem:s2] =	stream.indirect.scatter.add.f32 [tilespmem:s25], [sflag:$0x4], $0x1, s24, s21, $0xb8;
	[tilespmem:$0x1E800] =	vst v63  }
0x4e1: {  	s23 =	simm.s32 $0x4B00;
	s26 =	simm.s32 $0x4980;
	s25 =	simm.s32 $0xAD80  }
0x4e2: {  	v2 =	vadd.s32 s23, v1;
	[spmem:s2] =	stream.indirect.scatter.add.f32 [tilespmem:s25], [sflag:$0x4], $0x1, s26, s21, $0xb8;
	[tilespmem:$0x1E800] =	vst v63  }
0x4e3: {  	s25 =	simm.s32 $0x4A00;
	s26 =	simm.s32 $0xAE00  }
0x4e4: {  	[spmem:s2] =	stream.indirect.scatter.add.f32 [tilespmem:s26], [sflag:$0x4], $0x1, s25, s21, $0xb8;
	[tilespmem:$0x1E800] =	vst v63  }
0x4e5: {  	s25 =	simm.s32 $0x4A80;
	s26 =	simm.s32 $0xAE80  }
0x4e6: {  	[spmem:s2] =	stream.indirect.scatter.add.f32 [tilespmem:s26], [sflag:$0x4], $0x1, s25, s21, $0xb8;
	[tilespmem:$0x1E800] =	vst v63  }
0x4e7: {  	v3 =	vld.idx.msk [tilespmem:v2+s16+$0x0], $0xffff;
	_ =	sdelay $0x1  }
0x4e8: {  	v4 =	vimm.f32 $0.0e+00  }
0x4e9: {  	v4 =	vmul.f32 $8.187307110e-01, v4;
	_ =	sdelay $0x1  }
0x4ea: {  	v4 =	vadd.f32 v3, v4  }
0x4eb: {  	s24 =	simm.s32 $0x4B01  }
0x4ec: {  	v6 =	vadd.s32 s24, v1;
	v5 =	vmul.f32 $9.999999770e-03, v4;
	_ =	sdelay $0x1  }
0x4ed: {  	v3 =	vmul.f32 v5, v3;
	_ =	sdelay $0x1  }
0x4ee: {  	[tilespmem:v2+s16+$0x0] =	vst.idx.msk $0xffff, v3  }
0x4ef: {  	v2 =	vld.idx.msk [tilespmem:v6+s16+$0x0], $0xffff;
	_ =	sdelay $0x2  }
0x4f0: {  	v3 =	vmul.f32 $8.187307110e-01, v4;
	_ =	sdelay $0x1  }
0x4f1: {  	v3 =	vadd.f32 v2, v3  }
0x4f2: {  	s25 =	simm.s32 $0x4B02  }
0x4f3: {  	v5 =	vadd.s32 s25, v1;
	v4 =	vmul.f32 $9.999999770e-03, v3;
	_ =	sdelay $0x1  }
0x4f4: {  	v2 =	vmul.f32 v4, v2;
	_ =	sdelay $0x1  }
0x4f5: {  	[tilespmem:v6+s16+$0x0] =	vst.idx.msk $0xffff, v2  }
0x4f6: {  	v2 =	vld.idx.msk [tilespmem:v5+s16+$0x0], $0xffff;
	_ =	sdelay $0x2  }
0x4f7: {  	v3 =	vmul.f32 $8.187307110e-01, v3;
	_ =	sdelay $0x1  }
0x4f8: {  	v4 =	vadd.f32 v2, v3  }
0x4f9: {  	s26 =	simm.s32 $0x4B03  }
0x4fa: {  	v3 =	vadd.s32 s26, v1;
	v6 =	vmul.f32 $9.999999770e-03, v4;
	_ =	sdelay $0x1  }
0x4fb: {  	v2 =	vmul.f32 v6, v2;
	_ =	sdelay $0x1  }
0x4fc: {  	[tilespmem:v5+s16+$0x0] =	vst.idx.msk $0xffff, v2  }
0x4fd: {  	v5 =	vld.idx.msk [tilespmem:v3+s16+$0x0], $0xffff;
	_ =	sdelay $0x2  }
0x4fe: {  	v2 =	vmul.f32 $8.187307110e-01, v4;
	_ =	sdelay $0x1  }
0x4ff: {  	v4 =	vadd.f32 v5, v2  }
0x500: {  	s23 =	simm.s32 $0x4B04  }
0x501: {  	v2 =	vadd.s32 s23, v1;
	v6 =	vmul.f32 $9.999999770e-03, v4;
	_ =	sdelay $0x1  }
0x502: {  	s24 =	simm.s32 $0x4B08;
	v5 =	vmul.f32 v6, v5  }
.LBB2_16:
0x503: {  	_ = 	snop  }
0x504: {  	p0 =	sne.s32 s24, $0x4BC4;
	s25 =	smov.u32 s24;
	s24 =	sadd.s32 $0x4, s24;
	[tilespmem:v3+s16+$0x0] =	vst.idx.msk $0xffff, v5  }
0x505: {  	v3 =	vld.idx.msk [tilespmem:v2+s16+$0x0], $0xffff;
	_ =	sdelay $0x3  }
0x506: {  	v4 =	vmul.f32 $8.187307110e-01, v4;
	_ =	sdelay $0x1  }
0x507: {  	v4 =	vadd.f32 v3, v4  }
0x508: {  	s26 =	sadd.s32 $0x1, s23  }
0x509: {  	v6 =	vadd.s32 s26, v1;
	v5 =	vmul.f32 $9.999999770e-03, v4;
	_ =	sdelay $0x1  }
0x50a: {  	v3 =	vmul.f32 v5, v3;
	_ =	sdelay $0x1  }
0x50b: {  	[tilespmem:v2+s16+$0x0] =	vst.idx.msk $0xffff, v3  }
0x50c: {  	v2 =	vld.idx.msk [tilespmem:v6+s16+$0x0], $0xffff;
	_ =	sdelay $0x3  }
0x50d: {  	v3 =	vmul.f32 $8.187307110e-01, v4;
	_ =	sdelay $0x1  }
0x50e: {  	v3 =	vadd.f32 v2, v3  }
0x50f: {  	s26 =	sadd.s32 $0x2, s23  }
0x510: {  	v5 =	vadd.s32 s26, v1;
	v4 =	vmul.f32 $9.999999770e-03, v3;
	_ =	sdelay $0x1  }
0x511: {  	v2 =	vmul.f32 v4, v2;
	_ =	sdelay $0x1  }
0x512: {  	[tilespmem:v6+s16+$0x0] =	vst.idx.msk $0xffff, v2  }
0x513: {  	v2 =	vld.idx.msk [tilespmem:v5+s16+$0x0], $0xffff;
	_ =	sdelay $0x3  }
0x514: {  	v3 =	vmul.f32 $8.187307110e-01, v3;
	_ =	sdelay $0x1  }
0x515: {  	v4 =	vadd.f32 v2, v3  }
0x516: {  	s26 =	sadd.s32 $0x3, s23;
	s23 =	smov.u32 s25  }
0x517: {  	v3 =	vadd.s32 s26, v1;
	v6 =	vmul.f32 $9.999999770e-03, v4;
	_ =	sdelay $0x1  }
0x518: {  	v2 =	vmul.f32 v6, v2;
	_ =	sdelay $0x1  }
0x519: {  	[tilespmem:v5+s16+$0x0] =	vst.idx.msk $0xffff, v2  }
0x51a: {  	v5 =	vld.idx.msk [tilespmem:v3+s16+$0x0], $0xffff;
	_ =	sdelay $0x3  }
0x51b: {  	v2 =	vmul.f32 $8.187307110e-01, v4;
	_ =	sdelay $0x1  }
.Ltmp7:
0x51c: {  	v4 =	vadd.f32 v5, v2;
	(pc) =	sbr.rel @p0 .LBB2_16-.Ltmp7, $3  }
0x51d: {  	_ = 	snop  }
0x51e: {  	v2 =	vadd.s32 s23, v1;
	v6 =	vmul.f32 $9.999999770e-03, v4;
	_ =	sdelay $0x1  }
0x51f: {  	v5 =	vmul.f32 v6, v5  }
0x520: {  	_ =	sdelay $0x3  }
0x521: {  	[tilespmem:v3+s16+$0x0] =	vst.idx.msk $0xffff, v5  }
0x522: {  	v3 =	vld.idx.msk [tilespmem:v2+s16+$0x0], $0xffff;
	_ =	sdelay $0x2  }
0x523: {  	v4 =	vmul.f32 $8.187307110e-01, v4;
	_ =	sdelay $0x1  }
0x524: {  	v4 =	vadd.f32 v3, v4  }
0x525: {  	s24 =	sadd.s32 $0x1, s23  }
0x526: {  	v6 =	vadd.s32 s24, v1;
	v5 =	vmul.f32 $9.999999770e-03, v4;
	_ =	sdelay $0x1  }
0x527: {  	v3 =	vmul.f32 v5, v3;
	_ =	sdelay $0x1  }
0x528: {  	[tilespmem:v2+s16+$0x0] =	vst.idx.msk $0xffff, v3  }
0x529: {  	v2 =	vld.idx.msk [tilespmem:v6+s16+$0x0], $0xffff;
	_ =	sdelay $0x2  }
0x52a: {  	v3 =	vmul.f32 $8.187307110e-01, v4;
	_ =	sdelay $0x1  }
0x52b: {  	v3 =	vadd.f32 v2, v3  }
0x52c: {  	s26 =	sadd.s32 $0x2, s23  }
0x52d: {  	v5 =	vadd.s32 s26, v1;
	v4 =	vmul.f32 $9.999999770e-03, v3;
	_ =	sdelay $0x1  }
0x52e: {  	v2 =	vmul.f32 v4, v2;
	_ =	sdelay $0x1  }
0x52f: {  	[tilespmem:v6+s16+$0x0] =	vst.idx.msk $0xffff, v2  }
0x530: {  	v2 =	vld.idx.msk [tilespmem:v5+s16+$0x0], $0xffff;
	_ =	sdelay $0x2  }
0x531: {  	v3 =	vmul.f32 $8.187307110e-01, v3;
	_ =	sdelay $0x1  }
0x532: {  	v3 =	vadd.f32 v2, v3  }
0x533: {  	s24 =	sadd.s32 $0x3, s23  }
0x534: {  	v6 =	vadd.s32 s24, v1;
	v4 =	vmul.f32 $9.999999770e-03, v3;
	_ =	sdelay $0x1  }
0x535: {  	v2 =	vmul.f32 v4, v2;
	_ =	sdelay $0x1  }
0x536: {  	[tilespmem:v5+s16+$0x0] =	vst.idx.msk $0xffff, v2  }
0x537: {  	v2 =	vld.idx.msk [tilespmem:v6+s16+$0x0], $0xffff;
	_ =	sdelay $0x2  }
0x538: {  	v3 =	vmul.f32 $8.187307110e-01, v3;
	_ =	sdelay $0x1  }
0x539: {  	v3 =	vadd.f32 v2, v3;
	_ =	sdelay $0x1  }
0x53a: {  	v3 =	vmul.f32 $9.999999770e-03, v3;
	_ =	sdelay $0x1  }
0x53b: {  	v2 =	vmul.f32 v3, v2;
	_ =	sdelay $0x1  }
0x53c: {  	[tilespmem:v6+s16+$0x0] =	vst.idx.msk $0xffff, v2  }
0x53d: {  	_ =	swait.ge [sflag:s30], $0x80  }
0x53e: {  	[sflag:s30] =	ssyncset.done $0x0  }
0x53f: {  	[sflag:s30] =	ssyncadd.s32 $0xFFFFFF80  }
0x540: {  	_ =	swait.ge [sflag:s30], $0x80  }
0x541: {  	[sflag:s30] =	ssyncset.done $0x0  }
0x542: {  	[sflag:s30] =	ssyncadd.s32 $0xFFFFFF80  }
0x543: {  	_ =	swait.ge [sflag:s30], $0x80  }
0x544: {  	[sflag:s30] =	ssyncset.done $0x0  }
0x545: {  	[sflag:s30] =	ssyncadd.s32 $0xFFFFFF80  }
0x546: {  	_ =	swait.ge [sflag:s30], $0x80  }
0x547: {  	[sflag:s30] =	ssyncset.done $0x0  }
0x548: {  	[sflag:s30] =	ssyncadd.s32 $0xFFFFFF80  }
0x549: {  	_ =	swait.ge [sflag:s30], $0x80  }
0x54a: {  	[sflag:s30] =	ssyncset.done $0x0  }
0x54b: {  	[sflag:s30] =	ssyncadd.s32 $0xFFFFFF80  }
0x54c: {  	_ =	swait.ge [sflag:s30], $0x80  }
0x54d: {  	[sflag:s30] =	ssyncset.done $0x0  }
0x54e: {  	[sflag:s30] =	ssyncadd.s32 $0xFFFFFF80  }
0x54f: {  	_ =	swait.ge [sflag:s30], $0x80  }
0x550: {  	[sflag:s30] =	ssyncset.done $0x0  }
0x551: {  	[sflag:s30] =	ssyncadd.s32 $0xFFFFFF80  }
0x552: {  	_ =	swait.ge [sflag:s30], $0x80  }
0x553: {  	[sflag:s30] =	ssyncset.done $0x0  }
0x554: {  	[sflag:s30] =	ssyncadd.s32 $0xFFFFFF80  }
0x555: {  	_ =	swait.ge [sflag:s30], $0x80  }
0x556: {  	[sflag:s30] =	ssyncset.done $0x0  }
0x557: {  	[sflag:s30] =	ssyncadd.s32 $0xFFFFFF80  }
0x558: {  	_ =	swait.ge [sflag:s30], $0x80  }
0x559: {  	[sflag:s30] =	ssyncset.done $0x0  }
0x55a: {  	[sflag:s30] =	ssyncadd.s32 $0xFFFFFF80  }
0x55b: {  	_ =	swait.ge [sflag:s30], $0x80  }
0x55c: {  	[sflag:s30] =	ssyncset.done $0x0  }
0x55d: {  	[sflag:s30] =	ssyncadd.s32 $0xFFFFFF80  }
0x55e: {  	_ =	swait.ge [sflag:s30], $0x80  }
0x55f: {  	[sflag:s30] =	ssyncset.done $0x0  }
0x560: {  	[sflag:s30] =	ssyncadd.s32 $0xFFFFFF80  }
0x561: {  	_ =	swait.ge [sflag:s30], $0x80  }
0x562: {  	[sflag:s30] =	ssyncset.done $0x0  }
0x563: {  	[sflag:s30] =	ssyncadd.s32 $0xFFFFFF80  }
0x564: {  	_ =	swait.ge [sflag:s30], $0x80  }
0x565: {  	[sflag:s30] =	ssyncset.done $0x0  }
0x566: {  	[sflag:s30] =	ssyncadd.s32 $0xFFFFFF80  }
0x567: {  	_ =	swait.ge [sflag:s30], $0x80  }
0x568: {  	[sflag:s30] =	ssyncset.done $0x0  }
0x569: {  	[sflag:s30] =	ssyncadd.s32 $0xFFFFFF80  }
0x56a: {  	_ =	swait.ge [sflag:s30], $0x80  }
0x56b: {  	[sflag:s30] =	ssyncset.done $0x0  }
0x56c: {  	[sflag:s30] =	ssyncadd.s32 $0xFFFFFF80  }
0x56d: {  	_ =	swait.ge [sflag:s30], $0x80  }
0x56e: {  	[sflag:s30] =	ssyncset.done $0x0  }
0x56f: {  	[sflag:s30] =	ssyncadd.s32 $0xFFFFFF80  }
0x570: {  	_ =	swait.ge [sflag:s30], $0x80  }
0x571: {  	[sflag:s30] =	ssyncset.done $0x0  }
0x572: {  	[sflag:s30] =	ssyncadd.s32 $0xFFFFFF80  }
0x573: {  	_ =	swait.ge [sflag:s30], $0x80  }
0x574: {  	[sflag:s30] =	ssyncset.done $0x0  }
0x575: {  	[sflag:s30] =	ssyncadd.s32 $0xFFFFFF80  }
0x576: {  	_ =	swait.ge [sflag:s30], $0x80  }
0x577: {  	[sflag:s30] =	ssyncset.done $0x0  }
0x578: {  	[sflag:s30] =	ssyncadd.s32 $0xFFFFFF80  }
0x579: {  	_ =	swait.ge [sflag:s30], $0x80  }
0x57a: {  	[sflag:s30] =	ssyncset.done $0x0  }
0x57b: {  	[sflag:s30] =	ssyncadd.s32 $0xFFFFFF80  }
0x57c: {  	_ =	swait.ge [sflag:s30], $0x80  }
0x57d: {  	[sflag:s30] =	ssyncset.done $0x0  }
0x57e: {  	[sflag:s30] =	ssyncadd.s32 $0xFFFFFF80  }
0x57f: {  	_ =	swait.ge [sflag:s30], $0x80  }
0x580: {  	[sflag:s30] =	ssyncset.done $0x0  }
0x581: {  	[sflag:s30] =	ssyncadd.s32 $0xFFFFFF80  }
0x582: {  	_ =	swait.ge [sflag:s30], $0x80  }
0x583: {  	[sflag:s30] =	ssyncset.done $0x0  }
0x584: {  	[sflag:s30] =	ssyncadd.s32 $0xFFFFFF80  }
0x585: {  	_ =	swait.ge [sflag:s30], $0x80  }
0x586: {  	[sflag:s30] =	ssyncset.done $0x0  }
0x587: {  	s25 =	simm.s32 $0x4B00;
	s26 =	simm.s32 $0xAF00;
	[sflag:s30] =	ssyncadd.s32 $0xFFFFFF80  }
0x588: {  	[spmem:s2] =	stream.indirect.scatter.add.f32 [tilespmem:s26], [sflag:$0x4], $0x1, s25, s21, $0xb8;
	[tilespmem:$0x1E800] =	vst v63  }
0x589: {  	s25 =	simm.s32 $0x4B80;
	s26 =	simm.s32 $0xAF80  }
0x58a: {  	[spmem:s2] =	stream.indirect.scatter.add.f32 [tilespmem:s26], [sflag:$0x4], $0x1, s25, s21, $0xb8;
	[tilespmem:$0x1E800] =	vst v63  }
0x58b: {  	s25 =	simm.s32 $0x4C00;
	s26 =	simm.s32 $0xB000  }
0x58c: {  	[spmem:s2] =	stream.indirect.scatter.add.f32 [tilespmem:s26], [sflag:$0x4], $0x1, s25, s21, $0xb8;
	[tilespmem:$0x1E800] =	vst v63  }
0x58d: {  	s25 =	simm.s32 $0x4C80;
	s26 =	simm.s32 $0xB080  }
0x58e: {  	[spmem:s2] =	stream.indirect.scatter.add.f32 [tilespmem:s26], [sflag:$0x4], $0x1, s25, s21, $0xb8;
	[tilespmem:$0x1E800] =	vst v63  }
0x58f: {  	s25 =	simm.s32 $0x4D00;
	s26 =	simm.s32 $0xB100  }
0x590: {  	[spmem:s2] =	stream.indirect.scatter.add.f32 [tilespmem:s26], [sflag:$0x4], $0x1, s25, s21, $0xb8;
	[tilespmem:$0x1E800] =	vst v63  }
0x591: {  	s25 =	simm.s32 $0x4D80;
	s26 =	simm.s32 $0xB180  }
0x592: {  	[spmem:s2] =	stream.indirect.scatter.add.f32 [tilespmem:s26], [sflag:$0x4], $0x1, s25, s21, $0xb8;
	[tilespmem:$0x1E800] =	vst v63  }
0x593: {  	s25 =	simm.s32 $0x4E00;
	s26 =	simm.s32 $0xB200  }
0x594: {  	[spmem:s2] =	stream.indirect.scatter.add.f32 [tilespmem:s26], [sflag:$0x4], $0x1, s25, s21, $0xb8;
	[tilespmem:$0x1E800] =	vst v63  }
0x595: {  	s25 =	simm.s32 $0x4E80;
	s26 =	simm.s32 $0xB280  }
0x596: {  	[spmem:s2] =	stream.indirect.scatter.add.f32 [tilespmem:s26], [sflag:$0x4], $0x1, s25, s21, $0xb8;
	[tilespmem:$0x1E800] =	vst v63  }
0x597: {  	s25 =	simm.s32 $0x4F00;
	s26 =	simm.s32 $0xB300  }
0x598: {  	[spmem:s2] =	stream.indirect.scatter.add.f32 [tilespmem:s26], [sflag:$0x4], $0x1, s25, s21, $0xb8;
	[tilespmem:$0x1E800] =	vst v63  }
0x599: {  	s25 =	simm.s32 $0x4F80;
	s26 =	simm.s32 $0xB380  }
0x59a: {  	[spmem:s2] =	stream.indirect.scatter.add.f32 [tilespmem:s26], [sflag:$0x4], $0x1, s25, s21, $0xb8;
	[tilespmem:$0x1E800] =	vst v63  }
0x59b: {  	s25 =	simm.s32 $0x5000;
	s26 =	simm.s32 $0xB400  }
0x59c: {  	[spmem:s2] =	stream.indirect.scatter.add.f32 [tilespmem:s26], [sflag:$0x4], $0x1, s25, s21, $0xb8;
	[tilespmem:$0x1E800] =	vst v63  }
0x59d: {  	s25 =	simm.s32 $0x5080;
	s26 =	simm.s32 $0xB480  }
0x59e: {  	[spmem:s2] =	stream.indirect.scatter.add.f32 [tilespmem:s26], [sflag:$0x4], $0x1, s25, s21, $0xb8;
	[tilespmem:$0x1E800] =	vst v63  }
0x59f: {  	s25 =	simm.s32 $0x5100;
	s26 =	simm.s32 $0xB500  }
0x5a0: {  	[spmem:s2] =	stream.indirect.scatter.add.f32 [tilespmem:s26], [sflag:$0x4], $0x1, s25, s21, $0xb8;
	[tilespmem:$0x1E800] =	vst v63  }
0x5a1: {  	s25 =	simm.s32 $0x5180;
	s26 =	simm.s32 $0xB580  }
0x5a2: {  	[spmem:s2] =	stream.indirect.scatter.add.f32 [tilespmem:s26], [sflag:$0x4], $0x1, s25, s21, $0xb8;
	[tilespmem:$0x1E800] =	vst v63  }
0x5a3: {  	s25 =	simm.s32 $0x5200;
	s26 =	simm.s32 $0xB600  }
0x5a4: {  	[spmem:s2] =	stream.indirect.scatter.add.f32 [tilespmem:s26], [sflag:$0x4], $0x1, s25, s21, $0xb8;
	[tilespmem:$0x1E800] =	vst v63  }
0x5a5: {  	s25 =	simm.s32 $0x5280;
	s26 =	simm.s32 $0xB680  }
0x5a6: {  	[spmem:s2] =	stream.indirect.scatter.add.f32 [tilespmem:s26], [sflag:$0x4], $0x1, s25, s21, $0xb8;
	[tilespmem:$0x1E800] =	vst v63  }
0x5a7: {  	s25 =	simm.s32 $0x5300;
	s26 =	simm.s32 $0xB700  }
0x5a8: {  	[spmem:s2] =	stream.indirect.scatter.add.f32 [tilespmem:s26], [sflag:$0x4], $0x1, s25, s21, $0xb8;
	[tilespmem:$0x1E800] =	vst v63  }
0x5a9: {  	s25 =	simm.s32 $0x5380;
	s26 =	simm.s32 $0xB780  }
0x5aa: {  	[spmem:s2] =	stream.indirect.scatter.add.f32 [tilespmem:s26], [sflag:$0x4], $0x1, s25, s21, $0xb8;
	[tilespmem:$0x1E800] =	vst v63  }
0x5ab: {  	s25 =	simm.s32 $0x5400;
	s26 =	simm.s32 $0xB800  }
0x5ac: {  	[spmem:s2] =	stream.indirect.scatter.add.f32 [tilespmem:s26], [sflag:$0x4], $0x1, s25, s21, $0xb8;
	[tilespmem:$0x1E800] =	vst v63  }
0x5ad: {  	s25 =	simm.s32 $0x5480;
	s26 =	simm.s32 $0xB880  }
0x5ae: {  	[spmem:s2] =	stream.indirect.scatter.add.f32 [tilespmem:s26], [sflag:$0x4], $0x1, s25, s21, $0xb8;
	[tilespmem:$0x1E800] =	vst v63  }
0x5af: {  	s25 =	simm.s32 $0x5500;
	s26 =	simm.s32 $0xB900  }
0x5b0: {  	[spmem:s2] =	stream.indirect.scatter.add.f32 [tilespmem:s26], [sflag:$0x4], $0x1, s25, s21, $0xb8;
	[tilespmem:$0x1E800] =	vst v63  }
0x5b1: {  	s24 =	simm.s32 $0x5580;
	s25 =	simm.s32 $0xB980  }
0x5b2: {  	[spmem:s2] =	stream.indirect.scatter.add.f32 [tilespmem:s25], [sflag:$0x4], $0x1, s24, s21, $0xb8;
	[tilespmem:$0x1E800] =	vst v63  }
0x5b3: {  	s23 =	simm.s32 $0x5780;
	s26 =	simm.s32 $0x5600;
	s25 =	simm.s32 $0xBA00  }
0x5b4: {  	v2 =	vadd.s32 s23, v1;
	[spmem:s2] =	stream.indirect.scatter.add.f32 [tilespmem:s25], [sflag:$0x4], $0x1, s26, s21, $0xb8;
	[tilespmem:$0x1E800] =	vst v63  }
0x5b5: {  	s25 =	simm.s32 $0x5680;
	s26 =	simm.s32 $0xBA80  }
0x5b6: {  	[spmem:s2] =	stream.indirect.scatter.add.f32 [tilespmem:s26], [sflag:$0x4], $0x1, s25, s21, $0xb8;
	[tilespmem:$0x1E800] =	vst v63  }
0x5b7: {  	s25 =	simm.s32 $0x5700;
	s26 =	simm.s32 $0xBB00  }
0x5b8: {  	[spmem:s2] =	stream.indirect.scatter.add.f32 [tilespmem:s26], [sflag:$0x4], $0x1, s25, s21, $0xb8;
	[tilespmem:$0x1E800] =	vst v63  }
0x5b9: {  	v3 =	vld.idx.msk [tilespmem:v2+s16+$0x0], $0xffff;
	_ =	sdelay $0x1  }
0x5ba: {  	v4 =	vimm.f32 $0.0e+00  }
0x5bb: {  	v4 =	vmul.f32 $8.187307110e-01, v4;
	_ =	sdelay $0x1  }
0x5bc: {  	v4 =	vadd.f32 v3, v4  }
0x5bd: {  	s24 =	simm.s32 $0x5781  }
0x5be: {  	v6 =	vadd.s32 s24, v1;
	v5 =	vmul.f32 $9.999999770e-03, v4;
	_ =	sdelay $0x1  }
0x5bf: {  	v3 =	vmul.f32 v5, v3;
	_ =	sdelay $0x1  }
0x5c0: {  	[tilespmem:v2+s16+$0x0] =	vst.idx.msk $0xffff, v3  }
0x5c1: {  	v2 =	vld.idx.msk [tilespmem:v6+s16+$0x0], $0xffff;
	_ =	sdelay $0x2  }
0x5c2: {  	v3 =	vmul.f32 $8.187307110e-01, v4;
	_ =	sdelay $0x1  }
0x5c3: {  	v3 =	vadd.f32 v2, v3  }
0x5c4: {  	s25 =	simm.s32 $0x5782  }
0x5c5: {  	v5 =	vadd.s32 s25, v1;
	v4 =	vmul.f32 $9.999999770e-03, v3;
	_ =	sdelay $0x1  }
0x5c6: {  	v2 =	vmul.f32 v4, v2;
	_ =	sdelay $0x1  }
0x5c7: {  	[tilespmem:v6+s16+$0x0] =	vst.idx.msk $0xffff, v2  }
0x5c8: {  	v2 =	vld.idx.msk [tilespmem:v5+s16+$0x0], $0xffff;
	_ =	sdelay $0x2  }
0x5c9: {  	v3 =	vmul.f32 $8.187307110e-01, v3;
	_ =	sdelay $0x1  }
0x5ca: {  	v4 =	vadd.f32 v2, v3  }
0x5cb: {  	s26 =	simm.s32 $0x5783  }
0x5cc: {  	v3 =	vadd.s32 s26, v1;
	v6 =	vmul.f32 $9.999999770e-03, v4;
	_ =	sdelay $0x1  }
0x5cd: {  	v2 =	vmul.f32 v6, v2;
	_ =	sdelay $0x1  }
0x5ce: {  	[tilespmem:v5+s16+$0x0] =	vst.idx.msk $0xffff, v2  }
0x5cf: {  	v5 =	vld.idx.msk [tilespmem:v3+s16+$0x0], $0xffff;
	_ =	sdelay $0x2  }
0x5d0: {  	v2 =	vmul.f32 $8.187307110e-01, v4;
	_ =	sdelay $0x1  }
0x5d1: {  	v4 =	vadd.f32 v5, v2  }
0x5d2: {  	s23 =	simm.s32 $0x5784  }
0x5d3: {  	v2 =	vadd.s32 s23, v1;
	v6 =	vmul.f32 $9.999999770e-03, v4;
	_ =	sdelay $0x1  }
0x5d4: {  	s24 =	simm.s32 $0x5788;
	v5 =	vmul.f32 v6, v5  }
.LBB2_18:
0x5d5: {  	_ = 	snop  }
0x5d6: {  	p0 =	sne.s32 s24, $0x5844;
	s25 =	smov.u32 s24;
	s24 =	sadd.s32 $0x4, s24;
	[tilespmem:v3+s16+$0x0] =	vst.idx.msk $0xffff, v5  }
0x5d7: {  	v3 =	vld.idx.msk [tilespmem:v2+s16+$0x0], $0xffff;
	_ =	sdelay $0x3  }
0x5d8: {  	v4 =	vmul.f32 $8.187307110e-01, v4;
	_ =	sdelay $0x1  }
0x5d9: {  	v4 =	vadd.f32 v3, v4  }
0x5da: {  	s26 =	sadd.s32 $0x1, s23  }
0x5db: {  	v6 =	vadd.s32 s26, v1;
	v5 =	vmul.f32 $9.999999770e-03, v4;
	_ =	sdelay $0x1  }
0x5dc: {  	v3 =	vmul.f32 v5, v3;
	_ =	sdelay $0x1  }
0x5dd: {  	[tilespmem:v2+s16+$0x0] =	vst.idx.msk $0xffff, v3  }
0x5de: {  	v2 =	vld.idx.msk [tilespmem:v6+s16+$0x0], $0xffff;
	_ =	sdelay $0x3  }
0x5df: {  	v3 =	vmul.f32 $8.187307110e-01, v4;
	_ =	sdelay $0x1  }
0x5e0: {  	v3 =	vadd.f32 v2, v3  }
0x5e1: {  	s26 =	sadd.s32 $0x2, s23  }
0x5e2: {  	v5 =	vadd.s32 s26, v1;
	v4 =	vmul.f32 $9.999999770e-03, v3;
	_ =	sdelay $0x1  }
0x5e3: {  	v2 =	vmul.f32 v4, v2;
	_ =	sdelay $0x1  }
0x5e4: {  	[tilespmem:v6+s16+$0x0] =	vst.idx.msk $0xffff, v2  }
0x5e5: {  	v2 =	vld.idx.msk [tilespmem:v5+s16+$0x0], $0xffff;
	_ =	sdelay $0x3  }
0x5e6: {  	v3 =	vmul.f32 $8.187307110e-01, v3;
	_ =	sdelay $0x1  }
0x5e7: {  	v4 =	vadd.f32 v2, v3  }
0x5e8: {  	s26 =	sadd.s32 $0x3, s23;
	s23 =	smov.u32 s25  }
0x5e9: {  	v3 =	vadd.s32 s26, v1;
	v6 =	vmul.f32 $9.999999770e-03, v4;
	_ =	sdelay $0x1  }
0x5ea: {  	v2 =	vmul.f32 v6, v2;
	_ =	sdelay $0x1  }
0x5eb: {  	[tilespmem:v5+s16+$0x0] =	vst.idx.msk $0xffff, v2  }
0x5ec: {  	v5 =	vld.idx.msk [tilespmem:v3+s16+$0x0], $0xffff;
	_ =	sdelay $0x3  }
0x5ed: {  	v2 =	vmul.f32 $8.187307110e-01, v4;
	_ =	sdelay $0x1  }
.Ltmp8:
0x5ee: {  	v4 =	vadd.f32 v5, v2;
	(pc) =	sbr.rel @p0 .LBB2_18-.Ltmp8, $3  }
0x5ef: {  	_ = 	snop  }
0x5f0: {  	v2 =	vadd.s32 s23, v1;
	v6 =	vmul.f32 $9.999999770e-03, v4;
	_ =	sdelay $0x1  }
0x5f1: {  	v5 =	vmul.f32 v6, v5  }
0x5f2: {  	_ =	sdelay $0x3  }
0x5f3: {  	[tilespmem:v3+s16+$0x0] =	vst.idx.msk $0xffff, v5  }
0x5f4: {  	v3 =	vld.idx.msk [tilespmem:v2+s16+$0x0], $0xffff;
	_ =	sdelay $0x2  }
0x5f5: {  	v4 =	vmul.f32 $8.187307110e-01, v4;
	_ =	sdelay $0x1  }
0x5f6: {  	v4 =	vadd.f32 v3, v4  }
0x5f7: {  	s24 =	sadd.s32 $0x1, s23  }
0x5f8: {  	v6 =	vadd.s32 s24, v1;
	v59 =	vmul.f32 $9.999999770e-03, v4;
	_ =	sdelay $0x1  }
0x5f9: {  	v3 =	vmul.f32 v59, v3;
	_ =	sdelay $0x1  }
0x5fa: {  	[tilespmem:v2+s16+$0x0] =	vst.idx.msk $0xffff, v3  }
0x5fb: {  	v2 =	vld.idx.msk [tilespmem:v6+s16+$0x0], $0xffff;
	_ =	sdelay $0x2  }
0x5fc: {  	v3 =	vmul.f32 $8.187307110e-01, v4;
	_ =	sdelay $0x1  }
0x5fd: {  	v3 =	vadd.f32 v2, v3  }
0x5fe: {  	s26 =	sadd.s32 $0x2, s23  }
0x5ff: {  	v61 =	vadd.s32 s26, v1;
	v60 =	vmul.f32 $9.999999770e-03, v3;
	_ =	sdelay $0x1  }
0x600: {  	v2 =	vmul.f32 v60, v2;
	_ =	sdelay $0x1  }
0x601: {  	[tilespmem:v6+s16+$0x0] =	vst.idx.msk $0xffff, v2  }
0x602: {  	v2 =	vld.idx.msk [tilespmem:v61+s16+$0x0], $0xffff;
	_ =	sdelay $0x2  }
0x603: {  	v3 =	vmul.f32 $8.187307110e-01, v3;
	_ =	sdelay $0x1  }
0x604: {  	v3 =	vadd.f32 v2, v3  }
0x605: {  	s24 =	sadd.s32 $0x3, s23  }
0x606: {  	v63 =	vadd.s32 s24, v1;
	v62 =	vmul.f32 $9.999999770e-03, v3;
	_ =	sdelay $0x1  }
0x607: {  	v2 =	vmul.f32 v62, v2;
	_ =	sdelay $0x1  }
0x608: {  	[tilespmem:v61+s16+$0x0] =	vst.idx.msk $0xffff, v2  }
0x609: {  	v2 =	vld.idx.msk [tilespmem:v63+s16+$0x0], $0xffff;
	_ =	sdelay $0x2  }
0x60a: {  	v3 =	vmul.f32 $8.187307110e-01, v3;
	_ =	sdelay $0x1  }
0x60b: {  	v3 =	vadd.f32 v2, v3;
	_ =	sdelay $0x1  }
0x60c: {  	v3 =	vmul.f32 $9.999999770e-03, v3;
	_ =	sdelay $0x1  }
0x60d: {  	v2 =	vmul.f32 v3, v2;
	_ =	sdelay $0x1  }
0x60e: {  	[tilespmem:v63+s16+$0x0] =	vst.idx.msk $0xffff, v2  }
0x60f: {  	_ =	swait.ge [sflag:s30], $0x80  }
0x610: {  	[sflag:s30] =	ssyncset.done $0x0  }
0x611: {  	[sflag:s30] =	ssyncadd.s32 $0xFFFFFF80  }
0x612: {  	_ =	swait.ge [sflag:s30], $0x80  }
0x613: {  	[sflag:s30] =	ssyncset.done $0x0  }
0x614: {  	[sflag:s30] =	ssyncadd.s32 $0xFFFFFF80  }
0x615: {  	_ =	swait.ge [sflag:s30], $0x80  }
0x616: {  	[sflag:s30] =	ssyncset.done $0x0  }
0x617: {  	[sflag:s30] =	ssyncadd.s32 $0xFFFFFF80  }
0x618: {  	_ =	swait.ge [sflag:s30], $0x80  }
0x619: {  	[sflag:s30] =	ssyncset.done $0x0  }
0x61a: {  	[sflag:s30] =	ssyncadd.s32 $0xFFFFFF80  }
0x61b: {  	_ =	swait.ge [sflag:s30], $0x80  }
0x61c: {  	[sflag:s30] =	ssyncset.done $0x0  }
0x61d: {  	[sflag:s30] =	ssyncadd.s32 $0xFFFFFF80  }
0x61e: {  	_ =	swait.ge [sflag:s30], $0x80  }
0x61f: {  	[sflag:s30] =	ssyncset.done $0x0  }
0x620: {  	[sflag:s30] =	ssyncadd.s32 $0xFFFFFF80  }
0x621: {  	_ =	swait.ge [sflag:s30], $0x80  }
0x622: {  	[sflag:s30] =	ssyncset.done $0x0  }
0x623: {  	[sflag:s30] =	ssyncadd.s32 $0xFFFFFF80  }
0x624: {  	_ =	swait.ge [sflag:s30], $0x80  }
0x625: {  	[sflag:s30] =	ssyncset.done $0x0  }
0x626: {  	[sflag:s30] =	ssyncadd.s32 $0xFFFFFF80  }
0x627: {  	_ =	swait.ge [sflag:s30], $0x80  }
0x628: {  	[sflag:s30] =	ssyncset.done $0x0  }
0x629: {  	[sflag:s30] =	ssyncadd.s32 $0xFFFFFF80  }
0x62a: {  	_ =	swait.ge [sflag:s30], $0x80  }
0x62b: {  	[sflag:s30] =	ssyncset.done $0x0  }
0x62c: {  	[sflag:s30] =	ssyncadd.s32 $0xFFFFFF80  }
0x62d: {  	_ =	swait.ge [sflag:s30], $0x80  }
0x62e: {  	[sflag:s30] =	ssyncset.done $0x0  }
0x62f: {  	[sflag:s30] =	ssyncadd.s32 $0xFFFFFF80  }
0x630: {  	_ =	swait.ge [sflag:s30], $0x80  }
0x631: {  	[sflag:s30] =	ssyncset.done $0x0  }
0x632: {  	[sflag:s30] =	ssyncadd.s32 $0xFFFFFF80  }
0x633: {  	_ =	swait.ge [sflag:s30], $0x80  }
0x634: {  	[sflag:s30] =	ssyncset.done $0x0  }
0x635: {  	[sflag:s30] =	ssyncadd.s32 $0xFFFFFF80  }
0x636: {  	_ =	swait.ge [sflag:s30], $0x80  }
0x637: {  	[sflag:s30] =	ssyncset.done $0x0  }
0x638: {  	[sflag:s30] =	ssyncadd.s32 $0xFFFFFF80  }
0x639: {  	_ =	swait.ge [sflag:s30], $0x80  }
0x63a: {  	[sflag:s30] =	ssyncset.done $0x0  }
0x63b: {  	[sflag:s30] =	ssyncadd.s32 $0xFFFFFF80  }
0x63c: {  	_ =	swait.ge [sflag:s30], $0x80  }
0x63d: {  	[sflag:s30] =	ssyncset.done $0x0  }
0x63e: {  	[sflag:s30] =	ssyncadd.s32 $0xFFFFFF80  }
0x63f: {  	_ =	swait.ge [sflag:s30], $0x80  }
0x640: {  	[sflag:s30] =	ssyncset.done $0x0  }
0x641: {  	[sflag:s30] =	ssyncadd.s32 $0xFFFFFF80  }
0x642: {  	_ =	swait.ge [sflag:s30], $0x80  }
0x643: {  	[sflag:s30] =	ssyncset.done $0x0  }
0x644: {  	[sflag:s30] =	ssyncadd.s32 $0xFFFFFF80  }
0x645: {  	_ =	swait.ge [sflag:s30], $0x80  }
0x646: {  	[sflag:s30] =	ssyncset.done $0x0  }
0x647: {  	[sflag:s30] =	ssyncadd.s32 $0xFFFFFF80  }
0x648: {  	_ =	swait.ge [sflag:s30], $0x80  }
0x649: {  	[sflag:s30] =	ssyncset.done $0x0  }
0x64a: {  	[sflag:s30] =	ssyncadd.s32 $0xFFFFFF80  }
0x64b: {  	_ =	swait.ge [sflag:s30], $0x80  }
0x64c: {  	[sflag:s30] =	ssyncset.done $0x0  }
0x64d: {  	[sflag:s30] =	ssyncadd.s32 $0xFFFFFF80  }
0x64e: {  	_ =	swait.ge [sflag:s30], $0x80  }
0x64f: {  	[sflag:s30] =	ssyncset.done $0x0  }
0x650: {  	[sflag:s30] =	ssyncadd.s32 $0xFFFFFF80  }
0x651: {  	_ =	swait.ge [sflag:s30], $0x80  }
0x652: {  	[sflag:s30] =	ssyncset.done $0x0  }
0x653: {  	[sflag:s30] =	ssyncadd.s32 $0xFFFFFF80  }
0x654: {  	_ =	swait.ge [sflag:s30], $0x80  }
0x655: {  	[sflag:s30] =	ssyncset.done $0x0  }
0x656: {  	[sflag:s30] =	ssyncadd.s32 $0xFFFFFF80  }
0x657: {  	_ =	swait.ge [sflag:s30], $0x80  }
0x658: {  	[sflag:s30] =	ssyncset.done $0x0  }
0x659: {  	s25 =	simm.s32 $0x5780;
	s26 =	simm.s32 $0xBB80;
	[sflag:s30] =	ssyncadd.s32 $0xFFFFFF80  }
0x65a: {  	[spmem:s2] =	stream.indirect.scatter.add.f32 [tilespmem:s26], [sflag:$0x4], $0x1, s25, s21, $0xb8;
	[tilespmem:$0x1E800] =	vst v63  }
0x65b: {  	s25 =	simm.s32 $0x5800;
	s26 =	simm.s32 $0xBC00  }
0x65c: {  	[spmem:s2] =	stream.indirect.scatter.add.f32 [tilespmem:s26], [sflag:$0x4], $0x1, s25, s21, $0xb8;
	[tilespmem:$0x1E800] =	vst v63  }
0x65d: {  	s25 =	simm.s32 $0x5880;
	s26 =	simm.s32 $0xBC80  }
0x65e: {  	[spmem:s2] =	stream.indirect.scatter.add.f32 [tilespmem:s26], [sflag:$0x4], $0x1, s25, s21, $0xb8;
	[tilespmem:$0x1E800] =	vst v63  }
0x65f: {  	s25 =	simm.s32 $0x5900;
	s26 =	simm.s32 $0xBD00  }
0x660: {  	[spmem:s2] =	stream.indirect.scatter.add.f32 [tilespmem:s26], [sflag:$0x4], $0x1, s25, s21, $0xb8;
	[tilespmem:$0x1E800] =	vst v63  }
0x661: {  	s25 =	simm.s32 $0x5980;
	s26 =	simm.s32 $0xBD80  }
0x662: {  	[spmem:s2] =	stream.indirect.scatter.add.f32 [tilespmem:s26], [sflag:$0x4], $0x1, s25, s21, $0xb8;
	[tilespmem:$0x1E800] =	vst v63  }
0x663: {  	s25 =	simm.s32 $0x5A00;
	s26 =	simm.s32 $0xBE00  }
0x664: {  	[spmem:s2] =	stream.indirect.scatter.add.f32 [tilespmem:s26], [sflag:$0x4], $0x1, s25, s21, $0xb8;
	[tilespmem:$0x1E800] =	vst v63  }
0x665: {  	s25 =	simm.s32 $0x5A80;
	s26 =	simm.s32 $0xBE80  }
0x666: {  	[spmem:s2] =	stream.indirect.scatter.add.f32 [tilespmem:s26], [sflag:$0x4], $0x1, s25, s21, $0xb8;
	[tilespmem:$0x1E800] =	vst v63  }
0x667: {  	s25 =	simm.s32 $0x5B00;
	s26 =	simm.s32 $0xBF00  }
0x668: {  	[spmem:s2] =	stream.indirect.scatter.add.f32 [tilespmem:s26], [sflag:$0x4], $0x1, s25, s21, $0xb8;
	[tilespmem:$0x1E800] =	vst v63  }
0x669: {  	s25 =	simm.s32 $0x5B80;
	s26 =	simm.s32 $0xBF80  }
0x66a: {  	[spmem:s2] =	stream.indirect.scatter.add.f32 [tilespmem:s26], [sflag:$0x4], $0x1, s25, s21, $0xb8;
	[tilespmem:$0x1E800] =	vst v63  }
0x66b: {  	s25 =	simm.s32 $0x5C00;
	s26 =	simm.s32 $0xC000  }
0x66c: {  	[spmem:s2] =	stream.indirect.scatter.add.f32 [tilespmem:s26], [sflag:$0x4], $0x1, s25, s21, $0xb8;
	[tilespmem:$0x1E800] =	vst v63  }
0x66d: {  	s25 =	simm.s32 $0x5C80;
	s26 =	simm.s32 $0xC080  }
0x66e: {  	[spmem:s2] =	stream.indirect.scatter.add.f32 [tilespmem:s26], [sflag:$0x4], $0x1, s25, s21, $0xb8;
	[tilespmem:$0x1E800] =	vst v63  }
0x66f: {  	s25 =	simm.s32 $0x5D00;
	s26 =	simm.s32 $0xC100  }
0x670: {  	[spmem:s2] =	stream.indirect.scatter.add.f32 [tilespmem:s26], [sflag:$0x4], $0x1, s25, s21, $0xb8;
	[tilespmem:$0x1E800] =	vst v63  }
0x671: {  	s25 =	simm.s32 $0x5D80;
	s26 =	simm.s32 $0xC180  }
0x672: {  	[spmem:s2] =	stream.indirect.scatter.add.f32 [tilespmem:s26], [sflag:$0x4], $0x1, s25, s21, $0xb8;
	[tilespmem:$0x1E800] =	vst v63  }
0x673: {  	s25 =	simm.s32 $0x5E00;
	s26 =	simm.s32 $0xC200  }
0x674: {  	[spmem:s2] =	stream.indirect.scatter.add.f32 [tilespmem:s26], [sflag:$0x4], $0x1, s25, s21, $0xb8;
	[tilespmem:$0x1E800] =	vst v63  }
0x675: {  	s25 =	simm.s32 $0x5E80;
	s26 =	simm.s32 $0xC280  }
0x676: {  	[spmem:s2] =	stream.indirect.scatter.add.f32 [tilespmem:s26], [sflag:$0x4], $0x1, s25, s21, $0xb8;
	[tilespmem:$0x1E800] =	vst v63  }
0x677: {  	s25 =	simm.s32 $0x5F00;
	s26 =	simm.s32 $0xC300  }
0x678: {  	[spmem:s2] =	stream.indirect.scatter.add.f32 [tilespmem:s26], [sflag:$0x4], $0x1, s25, s21, $0xb8;
	[tilespmem:$0x1E800] =	vst v63  }
0x679: {  	s25 =	simm.s32 $0x5F80;
	s26 =	simm.s32 $0xC380  }
0x67a: {  	[spmem:s2] =	stream.indirect.scatter.add.f32 [tilespmem:s26], [sflag:$0x4], $0x1, s25, s21, $0xb8;
	[tilespmem:$0x1E800] =	vst v63  }
0x67b: {  	s25 =	simm.s32 $0x6000;
	s26 =	simm.s32 $0xC400  }
0x67c: {  	[spmem:s2] =	stream.indirect.scatter.add.f32 [tilespmem:s26], [sflag:$0x4], $0x1, s25, s21, $0xb8;
	[tilespmem:$0x1E800] =	vst v63  }
0x67d: {  	s25 =	simm.s32 $0x6080;
	s26 =	simm.s32 $0xC480  }
0x67e: {  	[spmem:s2] =	stream.indirect.scatter.add.f32 [tilespmem:s26], [sflag:$0x4], $0x1, s25, s21, $0xb8;
	[tilespmem:$0x1E800] =	vst v63  }
0x67f: {  	s25 =	simm.s32 $0x6100;
	s26 =	simm.s32 $0xC500  }
0x680: {  	[spmem:s2] =	stream.indirect.scatter.add.f32 [tilespmem:s26], [sflag:$0x4], $0x1, s25, s21, $0xb8;
	[tilespmem:$0x1E800] =	vst v63  }
0x681: {  	s25 =	simm.s32 $0x6180;
	s26 =	simm.s32 $0xC580  }
0x682: {  	[spmem:s2] =	stream.indirect.scatter.add.f32 [tilespmem:s26], [sflag:$0x4], $0x1, s25, s21, $0xb8;
	[tilespmem:$0x1E800] =	vst v63  }
0x683: {  	s25 =	simm.s32 $0x6200;
	s26 =	simm.s32 $0xC600  }
0x684: {  	[spmem:s2] =	stream.indirect.scatter.add.f32 [tilespmem:s26], [sflag:$0x4], $0x1, s25, s21, $0xb8;
	[tilespmem:$0x1E800] =	vst v63  }
0x685: {  	s25 =	simm.s32 $0x6280;
	s26 =	simm.s32 $0xC680  }
0x686: {  	[spmem:s2] =	stream.indirect.scatter.add.f32 [tilespmem:s26], [sflag:$0x4], $0x1, s25, s21, $0xb8;
	[tilespmem:$0x1E800] =	vst v63  }
0x687: {  	_ = 	snop  }
0x688: {  	[spmem:s2] =	stream.indirect.scatter.add.f32 [tilespmem:s29], [sflag:$0x4], $0x1, s28, s21, $0xb8;
	[tilespmem:$0x1E800] =	vst v63  }
0x689: {  	_ = 	snop  }
0x68a: {  	[spmem:s2] =	stream.indirect.scatter.add.f32 [tilespmem:s0], [sflag:$0x4], $0x1, s31, s21, $0xb8;
	[tilespmem:$0x1E800] =	vst v63  }
0x68b: {  	_ =	swait.ge [sflag:s30], $0x80  }
0x68c: {  	[sflag:s30] =	ssyncset.done $0x0  }
0x68d: {  	[sflag:s30] =	ssyncadd.s32 $0xFFFFFF80  }
0x68e: {  	_ =	swait.ge [sflag:s30], $0x80  }
0x68f: {  	[sflag:s30] =	ssyncset.done $0x0  }
0x690: {  	[sflag:s30] =	ssyncadd.s32 $0xFFFFFF80  }
0x691: {  	_ =	swait.ge [sflag:s30], $0x80  }
0x692: {  	[sflag:s30] =	ssyncset.done $0x0  }
0x693: {  	[sflag:s30] =	ssyncadd.s32 $0xFFFFFF80  }
0x694: {  	_ =	swait.ge [sflag:s30], $0x80  }
0x695: {  	[sflag:s30] =	ssyncset.done $0x0  }
0x696: {  	[sflag:s30] =	ssyncadd.s32 $0xFFFFFF80  }
0x697: {  	_ =	swait.ge [sflag:s30], $0x80  }
0x698: {  	[sflag:s30] =	ssyncset.done $0x0  }
0x699: {  	[sflag:s30] =	ssyncadd.s32 $0xFFFFFF80  }
0x69a: {  	_ =	swait.ge [sflag:s30], $0x80  }
0x69b: {  	[sflag:s30] =	ssyncset.done $0x0  }
0x69c: {  	[sflag:s30] =	ssyncadd.s32 $0xFFFFFF80  }
0x69d: {  	_ =	swait.ge [sflag:s30], $0x80  }
0x69e: {  	[sflag:s30] =	ssyncset.done $0x0  }
0x69f: {  	[sflag:s30] =	ssyncadd.s32 $0xFFFFFF80  }
0x6a0: {  	_ =	swait.ge [sflag:s30], $0x80  }
0x6a1: {  	[sflag:s30] =	ssyncset.done $0x0  }
0x6a2: {  	[sflag:s30] =	ssyncadd.s32 $0xFFFFFF80  }
0x6a3: {  	_ =	swait.ge [sflag:s30], $0x80  }
0x6a4: {  	[sflag:s30] =	ssyncset.done $0x0  }
0x6a5: {  	[sflag:s30] =	ssyncadd.s32 $0xFFFFFF80  }
0x6a6: {  	_ =	swait.ge [sflag:s30], $0x80  }
0x6a7: {  	[sflag:s30] =	ssyncset.done $0x0  }
0x6a8: {  	[sflag:s30] =	ssyncadd.s32 $0xFFFFFF80  }
0x6a9: {  	_ =	swait.ge [sflag:s30], $0x80  }
0x6aa: {  	[sflag:s30] =	ssyncset.done $0x0  }
0x6ab: {  	[sflag:s30] =	ssyncadd.s32 $0xFFFFFF80  }
0x6ac: {  	_ =	swait.ge [sflag:s30], $0x80  }
0x6ad: {  	[sflag:s30] =	ssyncset.done $0x0  }
0x6ae: {  	[sflag:s30] =	ssyncadd.s32 $0xFFFFFF80  }
0x6af: {  	_ =	swait.ge [sflag:s30], $0x80  }
0x6b0: {  	[sflag:s30] =	ssyncset.done $0x0  }
0x6b1: {  	[sflag:s30] =	ssyncadd.s32 $0xFFFFFF80  }
0x6b2: {  	_ =	swait.ge [sflag:s30], $0x80  }
0x6b3: {  	[sflag:s30] =	ssyncset.done $0x0  }
0x6b4: {  	[sflag:s30] =	ssyncadd.s32 $0xFFFFFF80  }
0x6b5: {  	_ =	swait.ge [sflag:s30], $0x80  }
0x6b6: {  	[sflag:s30] =	ssyncset.done $0x0  }
0x6b7: {  	[sflag:s30] =	ssyncadd.s32 $0xFFFFFF80  }
0x6b8: {  	_ =	swait.ge [sflag:s30], $0x80  }
0x6b9: {  	[sflag:s30] =	ssyncset.done $0x0  }
0x6ba: {  	[sflag:s30] =	ssyncadd.s32 $0xFFFFFF80  }
0x6bb: {  	_ =	swait.ge [sflag:s30], $0x80  }
0x6bc: {  	[sflag:s30] =	ssyncset.done $0x0  }
0x6bd: {  	[sflag:s30] =	ssyncadd.s32 $0xFFFFFF80  }
0x6be: {  	_ =	swait.ge [sflag:s30], $0x80  }
0x6bf: {  	[sflag:s30] =	ssyncset.done $0x0  }
0x6c0: {  	[sflag:s30] =	ssyncadd.s32 $0xFFFFFF80  }
0x6c1: {  	_ =	swait.ge [sflag:s30], $0x80  }
0x6c2: {  	[sflag:s30] =	ssyncset.done $0x0  }
0x6c3: {  	[sflag:s30] =	ssyncadd.s32 $0xFFFFFF80  }
0x6c4: {  	_ =	swait.ge [sflag:s30], $0x80  }
0x6c5: {  	[sflag:s30] =	ssyncset.done $0x0  }
0x6c6: {  	[sflag:s30] =	ssyncadd.s32 $0xFFFFFF80  }
0x6c7: {  	_ =	swait.ge [sflag:s30], $0x80  }
0x6c8: {  	[sflag:s30] =	ssyncset.done $0x0  }
0x6c9: {  	[sflag:s30] =	ssyncadd.s32 $0xFFFFFF80  }
0x6ca: {  	_ =	swait.ge [sflag:s30], $0x80  }
0x6cb: {  	[sflag:s30] =	ssyncset.done $0x0  }
0x6cc: {  	[sflag:s30] =	ssyncadd.s32 $0xFFFFFF80  }
0x6cd: {  	_ =	swait.ge [sflag:s30], $0x80  }
0x6ce: {  	[sflag:s30] =	ssyncset.done $0x0  }
0x6cf: {  	[sflag:s30] =	ssyncadd.s32 $0xFFFFFF80  }
0x6d0: {  	_ =	swait.ge [sflag:s30], $0x80  }
0x6d1: {  	[sflag:s30] =	ssyncset.done $0x0  }
0x6d2: {  	[sflag:s30] =	ssyncadd.s32 $0xFFFFFF80  }
0x6d3: {  	s1 =	sadd.s32 $0x1, s1;
	_ =	swait.ge [sflag:s30], $0x80  }
0x6d4: {  	p0 =	sne.s32 s1, s14;
	s25 =	stileid.u32;
	[sflag:s30] =	ssyncset.done $0x0  }
0x6d5: {  	s26 =	sshrl.u32 s6, $0x3;
	s23 =	sshll.u32 s25, $0x6;
	[sflag:s30] =	ssyncadd.s32 $0xFFFFFF80  }
.Ltmp9:
0x6d6: {  	s23 =	sor.u32 $0x1C05, s23;
	[bflag:$0x0] =	sbarrier.arrive $0xFFFF;
	(pc) =	sbr.rel @p0 .LBB2_1-.Ltmp9, $4  }
0x6d7: {  	[hbm:s15], [sflag:s23] =	dma.local [spmem:s26], $0x2000  }
0x6d8: {  	_ =	swait.ge [sflag:s22], $0x2000  }
0x6d9: {  	[sflag:s22] =	ssyncset.done $0x0  }
0x6da: {  	[sflag:s22] =	ssyncadd.s32 $0xFFFFE000  }
0x6db: {  	_ =	sfence.sel $0x180000  }
0x6dc: {  	[bflag:$0x0] =	sbarrier.arrive $0xFFFF  }
0x6dd: {  	_ =	strace $0x90000047  }
0x6de: {  	s0 =	stileid.u32;
	[bflag:$0x2] =	sbarrier.arrive $0xFFFF  }
0x6df: {  	p0 =	sne.s32 s0, $0x0;
	s0 =	rddreg [dreg:$0x3]  }
0x6e0: {  	s0 =	sadd.s32 @!p0 $0x100000, s0  }
0x6e1: {  	[sflag:s0] =	ssyncadd.tile.s32 @!p0 $0x1;
	_ =	shalt  }
.Lfunc_end2:
_tile_overlayer_lowered:
.L_overlay_start_2:
0x6e2: {  	(tag) =	ssettag $0x2  }
0x6e3: {  	s0 =	rddreg [dreg:$0x0];
	s2 =	stileid.u32  }
0x6e4: {  	s1 =	rddreg [dreg:$0x1];
	p0 =	sne.s32 s2, $0x0  }
0x6e5: {  	s3 =	rddreg [dreg:$0x2];
	[bflag:$0x3] =	sbarrier.arrive $0xFFFF;
	s2 =	simm.s32 @!p0 $0x1C05  }
0x6e6: {  	[timem:s3], [sflag:s2] =	dma.local @!p0 [hbm:s0], s1  }
0x6e7: {  	s0 =	simm.s32 @!p0 $0x5  }
0x6e8: {  	_ =	swait.ge @!p0 [sflag:s0], s1  }
0x6e9: {  	s1 =	ssub.s32 @!p0 $0x0, s1;
	[sflag:s0] =	ssyncset.done @!p0 $0x0  }
0x6ea: {  	[sflag:s0] =	ssyncadd.s32 @!p0 s1  }
0x6eb: {  	[bflag:$0x3] =	sbarrier.arrive $0xFFFF  }
0x6ec: {  	_ =	shalt  }

</sc_bundles>
